<compile_context>
chip_gen: v7x
topology: tpu7x:2x2x1
jax: 0.10.2.dev20260603
libtpu: 0.0.44.dev20260713+nightly
codegen_flags: <defaults>
</compile_context>

<pallas_src>
import functools

import jax
import jax.numpy as jnp
from jax import lax
from jax.experimental import pallas as pl
from jax.experimental.pallas import tpu as pltpu
from jax.experimental.pallas import tpu_sc as plsc

B = 4096
UD = 30
ID = 10
GD, GE = 21, 9
DD, DE = 3026, 10
BB = 512
LANES = 128


def _sc_gather_t(user_indices, item_indices, ut_t, it_t):
    info = plsc.get_sparse_core_info()
    nc, ns = info.num_cores, info.num_subcores
    nw = nc * ns
    bpw = B // nw
    nchunks = bpw // 16

    mesh = plsc.VectorSubcoreMesh(core_axis_name="c", subcore_axis_name="s")

    @functools.partial(
        pl.kernel,
        mesh=mesh,
        compiler_params=pltpu.CompilerParams(needs_layout_passes=False),
        out_type=[
            jax.ShapeDtypeStruct((UD, B), jnp.float32),
            jax.ShapeDtypeStruct((ID, B), jnp.float32),
        ],
        scratch_types=[
            pltpu.VMEM((bpw,), jnp.int32),
            pltpu.VMEM((bpw,), jnp.int32),
            pltpu.VMEM((16 * UD, LANES), jnp.float32),
            pltpu.VMEM((16 * ID, LANES), jnp.float32),
            pltpu.VMEM((UD, bpw), jnp.float32),
            pltpu.VMEM((ID, bpw), jnp.float32),
            pltpu.SemaphoreType.DMA,
            pltpu.SemaphoreType.DMA,
            pltpu.SemaphoreType.DMA,
        ],
    )
    def gather_kernel(uidx_hbm, iidx_hbm, ut_hbm, it_hbm, ue_out, ip_out,
                      uidx_v, iidx_v, stg_u, stg_i, uet_v, ipt_v,
                      sem_u, sem_i, sem_o):
        wid = lax.axis_index("s") * nc + lax.axis_index("c")
        base = pl.multiple_of(wid * bpw, LANES)
        pltpu.sync_copy(uidx_hbm.at[pl.ds(base, bpw)], uidx_v)
        pltpu.sync_copy(iidx_hbm.at[pl.ds(base, bpw)], iidx_v)
        lane16 = lax.iota(jnp.int32, 16)

        def chunk(c, _):
            uvec = uidx_v[pl.ds(c * 16, 16)]
            ivec = iidx_v[pl.ds(c * 16, 16)]
            copies = []
            for j in range(16):
                u = jnp.sum(jnp.where(lane16 == j, uvec, 0))
                t = jnp.sum(jnp.where(lane16 == j, ivec, 0))
                u_al = pl.multiple_of((u // LANES) * LANES, LANES)
                t_al = pl.multiple_of((t // LANES) * LANES, LANES)
                copies.append(
                    pltpu.async_copy(ut_hbm.at[:, pl.ds(u_al, LANES)],
                                     stg_u.at[pl.ds(j * UD, UD), :], sem_u))
                copies.append(
                    pltpu.async_copy(it_hbm.at[:, pl.ds(t_al, LANES)],
                                     stg_i.at[pl.ds(j * ID, ID), :], sem_i))
            for cp in copies:
                cp.wait()
            ulane = lax.rem(uvec, LANES)
            ilane = lax.rem(ivec, LANES)
            cols = c * 16 + lane16

            def ext_u(r, _):
                rv = jnp.full((16,), r, jnp.int32)
                vals = plsc.load_gather(stg_u, [lane16 * UD + rv, ulane])
                plsc.store_scatter(uet_v, [rv, cols], vals)
                return ()

            def ext_i(r, _):
                rv = jnp.full((16,), r, jnp.int32)
                vals = plsc.load_gather(stg_i, [lane16 * ID + rv, ilane])
                plsc.store_scatter(ipt_v, [rv, cols], vals)
                return ()

            lax.fori_loop(0, UD, ext_u, ())
            lax.fori_loop(0, ID, ext_i, ())
            return ()

        lax.fori_loop(0, nchunks, chunk, ())
        cu = pltpu.async_copy(uet_v, ue_out.at[:, pl.ds(base, bpw)], sem_o)
        ci = pltpu.async_copy(ipt_v, ip_out.at[:, pl.ds(base, bpw)], sem_o)
        cu.wait()
        ci.wait()

    return gather_kernel(user_indices, item_indices, ut_t, it_t)


def _tc_dense_body(bt_ref, gt_ref, dt_ref, WgT_ref, bg_ref,
                   WdT_ref, bd_ref, out_ref):
    f32 = jnp.float32
    r_g = lax.broadcasted_iota(jnp.int32, (UD, GE), 0)
    c_g = lax.broadcasted_iota(jnp.int32, (UD, GE), 1)
    E_gT = (r_g == c_g + ID + 1).astype(f32)
    r_d = lax.broadcasted_iota(jnp.int32, (UD, DE), 0)
    c_d = lax.broadcasted_iota(jnp.int32, (UD, DE), 1)
    E_dT = (r_d == c_d + ID + 1 + GE).astype(f32)
    onehot_col = (lax.broadcasted_iota(jnp.int32, (UD, 1), 0) == ID).astype(f32)

    Wg30T = jnp.dot(E_gT, WgT_ref[...], preferred_element_type=f32)
    Wd30T = jnp.dot(E_dT, WdT_ref[...], preferred_element_type=f32)
    bias_col = (jnp.dot(E_gT, bg_ref[...], preferred_element_type=f32)
                + jnp.dot(E_dT, bd_ref[...], preferred_element_type=f32))

    out_ref[...] = (jnp.dot(Wg30T, gt_ref[...], preferred_element_type=f32)
                    + jnp.dot(Wd30T, dt_ref[...], preferred_element_type=f32)
                    + onehot_col * bt_ref[...]
                    + bias_col)


def _tc_dense_t(bt, gt, dt, WgT, bg2, WdT, bd2):
    return pl.pallas_call(
        _tc_dense_body,
        grid=(B // BB,),
        in_specs=[
            pl.BlockSpec((1, BB), lambda i: (0, i)),
            pl.BlockSpec((GD, BB), lambda i: (0, i)),
            pl.BlockSpec((DD, BB), lambda i: (0, i)),
            pl.BlockSpec((GE, GD), lambda i: (0, 0)),
            pl.BlockSpec((GE, 1), lambda i: (0, 0)),
            pl.BlockSpec((DE, DD), lambda i: (0, 0)),
            pl.BlockSpec((DE, 1), lambda i: (0, 0)),
        ],
        out_specs=pl.BlockSpec((UD, BB), lambda i: (0, i)),
        out_shape=jax.ShapeDtypeStruct((UD, B), jnp.float32),
    )(bt, gt, dt, WgT, bg2, WdT, bd2)


def _tc_combine_body(uet_ref, ipt_ref, ipart_ref, WaT_ref, ba_ref, out_ref):
    f32 = jnp.float32
    r_ip = lax.broadcasted_iota(jnp.int32, (UD, ID), 0)
    c_ip = lax.broadcasted_iota(jnp.int32, (UD, ID), 1)
    E_ipT = (r_ip == c_ip).astype(f32)
    item_t = ipart_ref[...] + jnp.dot(E_ipT, ipt_ref[...],
                                      preferred_element_type=f32)
    prod_t = uet_ref[...] * item_t
    logits = (jnp.dot(WaT_ref[...], prod_t, preferred_element_type=f32)
              + ba_ref[...])
    out_ref[...] = jax.nn.sigmoid(logits)


def _tc_combine(uet, ipt, ipart, WaT, ba2):
    return pl.pallas_call(
        _tc_combine_body,
        grid=(B // 2048,),
        in_specs=[
            pl.BlockSpec((UD, 2048), lambda i: (0, i)),
            pl.BlockSpec((ID, 2048), lambda i: (0, i)),
            pl.BlockSpec((UD, 2048), lambda i: (0, i)),
            pl.BlockSpec((1, UD), lambda i: (0, 0)),
            pl.BlockSpec((1, 1), lambda i: (0, 0)),
        ],
        out_specs=pl.BlockSpec((1, 2048), lambda i: (0, i)),
        out_shape=jax.ShapeDtypeStruct((1, B), jnp.float32),
    )(uet, ipt, ipart, WaT, ba2)


def kernel(user_indices, item_indices, b, g, d, user_table, item_table,
           Wg, bg, Wd, bd, Wa, ba):
    uet, ipt = _sc_gather_t(user_indices.astype(jnp.int32),
                            item_indices.astype(jnp.int32),
                            user_table.T, item_table.T)
    ipart = _tc_dense_t(b.reshape(1, B), g.T, d.T,
                        Wg.T, bg.reshape(GE, 1), Wd.T, bd.reshape(DE, 1))
    out = _tc_combine(uet, ipt, ipart, Wa.T, ba.reshape(1, 1))
    return out.reshape(B)

# --- scband reference (transcript-rebuilt; emitter-appended) ---
"""Pipeline reference for scband-gmf-26225070309992 (READ-ONLY COPY).

The authoritative reference and input builder live on the scoring server;
editing this copy changes nothing except your own understanding.
"""

import jax, jax.numpy as jnp
import numpy as np

B = 4096
NUM_USERS = 1000000
NUM_ITEMS = 100000
LATENT_DIM = 30

def setup_inputs(seed: int = 0) -> dict:
    key = jax.random.key(seed)
    ks = jax.random.split(key, 12)
    user_indices = jax.random.randint(ks[0], (B,), 0, NUM_USERS, dtype=jnp.int64 if jax.config.jax_enable_x64 else jnp.int32)
    item_indices = jax.random.randint(ks[1], (B,), 0, NUM_ITEMS, dtype=jnp.int64 if jax.config.jax_enable_x64 else jnp.int32)
    b = jax.random.normal(ks[2], (B,), dtype=jnp.float32)
    g = jax.random.uniform(ks[3], (B, 21), dtype=jnp.float32)
    d = jax.random.uniform(ks[4], (B, 3026), dtype=jnp.float32)
    user_table = jax.random.normal(ks[5], (NUM_USERS, LATENT_DIM), dtype=jnp.float32) * 0.05
    item_table = jax.random.normal(ks[6], (NUM_ITEMS, 10), dtype=jnp.float32) * 0.05
    Wg = jax.random.normal(ks[7], (21, 9), dtype=jnp.float32) * (1.0 / np.sqrt(21))
    bg = jnp.zeros((9,), dtype=jnp.float32)
    Wd = jax.random.normal(ks[8], (3026, 10), dtype=jnp.float32) * (1.0 / np.sqrt(3026))
    bd = jnp.zeros((10,), dtype=jnp.float32)
    Wa = jax.random.normal(ks[9], (LATENT_DIM, 1), dtype=jnp.float32) * (1.0 / np.sqrt(LATENT_DIM))
    ba = jnp.zeros((1,), dtype=jnp.float32)
    return {
        "user_indices": user_indices,
        "item_indices": item_indices,
        "b": b,
        "g": g,
        "d": d,
        "user_table": user_table,
        "item_table": item_table,
        "Wg": Wg, "bg": bg,
        "Wd": Wd, "bd": bd,
        "Wa": Wa, "ba": ba,
    }

def reference(user_indices, item_indices, b, g, d, user_table, item_table, Wg, bg, Wd, bd, Wa, ba):
    user_embedding = jnp.take(user_table, user_indices, axis=0)
    item_pref = jnp.take(item_table, item_indices, axis=0)
    g_embedding = g.astype(jnp.float32) @ Wg + bg
    d_embedding = d.astype(jnp.float32) @ Wd + bd
    b2 = b.reshape(-1, 1).astype(jnp.float32)
    item_embedding = jnp.concatenate((item_pref, b2, g_embedding, d_embedding), axis=1)
    element_product = user_embedding * item_embedding
    logits = element_product @ Wa + ba
    rating = jax.nn.sigmoid(logits).squeeze()
    return rating

if __name__ == "__main__":
    import jax
    _d = setup_inputs()
    print(jax.jit(kernel)(*tuple(_d.values())))

</pallas_src>

<mosaic_0001>
#map = affine_map<(d0, d1) -> (0)>
#map1 = affine_map<(d0, d1) -> (0, 0)>
module attributes {stable_mosaic.version = 14 : i64} {
  func.func @gather_kernel(%arg0: i32, %arg1: i32, %arg2: memref<4096xi32, #tpu.memory_space<hbm>>, %arg3: memref<4096xi32, #tpu.memory_space<hbm>>, %arg4: memref<30x1000000xf32, #tpu.memory_space<hbm>>, %arg5: memref<10x100000xf32, #tpu.memory_space<hbm>>, %arg6: memref<30x4096xf32, #tpu.memory_space<hbm>>, %arg7: memref<10x4096xf32, #tpu.memory_space<hbm>>, %arg8: memref<128xi32, #tpu.memory_space<vmem>>, %arg9: memref<128xi32, #tpu.memory_space<vmem>>, %arg10: memref<480x128xf32, #tpu.memory_space<vmem>>, %arg11: memref<160x128xf32, #tpu.memory_space<vmem>>, %arg12: memref<30x128xf32, #tpu.memory_space<vmem>>, %arg13: memref<10x128xf32, #tpu.memory_space<vmem>>, %arg14: memref<!tpu.dma_semaphore, #tpu.memory_space<semaphore_mem>>, %arg15: memref<!tpu.dma_semaphore, #tpu.memory_space<semaphore_mem>>, %arg16: memref<!tpu.dma_semaphore, #tpu.memory_space<semaphore_mem>>) attributes {dimension_semantics = [#tpu.dimension_semantics<core_parallel>, #tpu.dimension_semantics<subcore_parallel>], iteration_bounds = array<i64: 2, 16>, scalar_prefetch = 0 : i64, scratch_operands = 9 : i64, tpu.core_type = #tpu.core_type<sc_vector_subcore>, window_params = [{transform_indices = #map}, {transform_indices = #map}, {transform_indices = #map1}, {transform_indices = #map1}, {transform_indices = #map1}, {transform_indices = #map1}]} {
    %mul3A = arith.constant 2 : i32
    %mul3A_0 = arith.muli %arg1, %mul3A : i32
    %add3A = arith.addi %mul3A_0, %arg0 : i32
    %mul3A_1 = arith.constant 128 : i32
    %mul3A_2 = arith.muli %add3A, %mul3A_1 : i32
    %multiple_of3A = tpu.assume_multiple %mul3A_2, 128 : i32
    "tpu.region"() ({
      %run_scoped3A = tpu.sem_alloc : memref<!tpu.dma_semaphore, #tpu.memory_space<semaphore_mem>>
      %dma_start3A_21 = tpu.memref_slice %arg2[%multiple_of3A] : memref<4096xi32, #tpu.memory_space<hbm>> -> memref<128xi32, #tpu.memory_space<hbm>>
      %dma_start3A_22 = tpu.memref_slice %arg2[%multiple_of3A] : memref<4096xi32, #tpu.memory_space<hbm>> -> memref<128xi32, #tpu.memory_space<hbm>>
      tpu.enqueue_dma source(%dma_start3A_22 : memref<128xi32, #tpu.memory_space<hbm>>) target(%arg8 : memref<128xi32, #tpu.memory_space<vmem>>) target_semaphore(%run_scoped3A : memref<!tpu.dma_semaphore, #tpu.memory_space<semaphore_mem>>)
      %dma_wait3A_23 = tpu.memref_slice %arg2[%multiple_of3A] : memref<4096xi32, #tpu.memory_space<hbm>> -> memref<128xi32, #tpu.memory_space<hbm>>
      %dma_wait3A_24 = tpu.memref_slice %arg2[%multiple_of3A] : memref<4096xi32, #tpu.memory_space<hbm>> -> memref<128xi32, #tpu.memory_space<hbm>>
      tpu.wait_dma2 semaphore(%run_scoped3A : memref<!tpu.dma_semaphore, #tpu.memory_space<semaphore_mem>>) src(%dma_wait3A_24 : memref<128xi32, #tpu.memory_space<hbm>>) dst(%arg8 : memref<128xi32, #tpu.memory_space<vmem>>)
      tpu.yield
    }) : () -> ()
    "tpu.region"() ({
      %run_scoped3A = tpu.sem_alloc : memref<!tpu.dma_semaphore, #tpu.memory_space<semaphore_mem>>
      %dma_start3A_21 = tpu.memref_slice %arg3[%multiple_of3A] : memref<4096xi32, #tpu.memory_space<hbm>> -> memref<128xi32, #tpu.memory_space<hbm>>
      %dma_start3A_22 = tpu.memref_slice %arg3[%multiple_of3A] : memref<4096xi32, #tpu.memory_space<hbm>> -> memref<128xi32, #tpu.memory_space<hbm>>
      tpu.enqueue_dma source(%dma_start3A_22 : memref<128xi32, #tpu.memory_space<hbm>>) target(%arg9 : memref<128xi32, #tpu.memory_space<vmem>>) target_semaphore(%run_scoped3A : memref<!tpu.dma_semaphore, #tpu.memory_space<semaphore_mem>>)
      %dma_wait3A_23 = tpu.memref_slice %arg3[%multiple_of3A] : memref<4096xi32, #tpu.memory_space<hbm>> -> memref<128xi32, #tpu.memory_space<hbm>>
      %dma_wait3A_24 = tpu.memref_slice %arg3[%multiple_of3A] : memref<4096xi32, #tpu.memory_space<hbm>> -> memref<128xi32, #tpu.memory_space<hbm>>
      tpu.wait_dma2 semaphore(%run_scoped3A : memref<!tpu.dma_semaphore, #tpu.memory_space<semaphore_mem>>) src(%dma_wait3A_24 : memref<128xi32, #tpu.memory_space<hbm>>) dst(%arg9 : memref<128xi32, #tpu.memory_space<vmem>>)
      tpu.yield
    }) : () -> ()
    %iota3A = tpu.iota {dimensions = array<i32: 0>} : vector<16xi32>
    %scan3A = arith.constant 0 : i32
    %scan3A_3 = arith.constant 8 : i32
    %scan3A_4 = arith.addi %scan3A, %scan3A_3 : i32
    %scan3A_5 = arith.constant 1 : i32
    scf.for %scan3A_21 = %scan3A to %scan3A_4 step %scan3A_5  : i32 {
      %mul3A_22 = arith.constant 16 : i32
      %mul3A_23 = arith.muli %scan3A_21, %mul3A_22 : i32
      %get3A = arith.index_cast %mul3A_23 : i32 to index
      %get3A_24 = tpu.vector_load %arg8[%get3A] {strides = array<i32>} : memref<128xi32, #tpu.memory_space<vmem>>, vector<16xi32>,
      %mul3A_25 = arith.constant 16 : i32
      %mul3A_26 = arith.muli %scan3A_21, %mul3A_25 : i32
      %get3A_27 = arith.index_cast %mul3A_26 : i32 to index
      %get3A_28 = tpu.vector_load %arg9[%get3A_27] {strides = array<i32>} : memref<128xi32, #tpu.memory_space<vmem>>, vector<16xi32>,
      %eq3A = arith.constant 0 : i32
      %eq3A_29 = vector.broadcast %eq3A : i32 to vector<16xi32>
      %eq3A_30 = arith.cmpi eq, %iota3A, %eq3A_29 : vector<16xi32>
      %jit3A = arith.constant 0 : i32
      %broadcast_in_dim3A = vector.broadcast %jit3A : i32 to vector<16xi32>
      %select_n3A = arith.select %eq3A_30, %get3A_24, %broadcast_in_dim3A : vector<16xi1>, vector<16xi32>
      %reduce_sum3A = arith.constant true
      %reduce_sum3A_31 = vector.broadcast %reduce_sum3A : i1 to vector<16xi1>
      %reduce_sum3A_32 = tpu.scan <sum>, %select_n3A masked %reduce_sum3A_31 : vector<16xi32>, vector<16xi1> -> vector<16xi32>
      %reduce_sum3A_33 = vector.extract %reduce_sum3A_32[15] : i32 from vector<16xi32>
      %eq3A_34 = arith.constant 0 : i32
      %eq3A_35 = vector.broadcast %eq3A_34 : i32 to vector<16xi32>
      %eq3A_36 = arith.cmpi eq, %iota3A, %eq3A_35 : vector<16xi32>
      %jit3A_37 = arith.constant 0 : i32
      %broadcast_in_dim3A_38 = vector.broadcast %jit3A_37 : i32 to vector<16xi32>
      %select_n3A_39 = arith.select %eq3A_36, %get3A_28, %broadcast_in_dim3A_38 : vector<16xi1>, vector<16xi32>
      %reduce_sum3A_40 = arith.constant true
      %reduce_sum3A_41 = vector.broadcast %reduce_sum3A_40 : i1 to vector<16xi1>
      %reduce_sum3A_42 = tpu.scan <sum>, %select_n3A_39 masked %reduce_sum3A_41 : vector<16xi32>, vector<16xi1> -> vector<16xi32>
      %reduce_sum3A_43 = vector.extract %reduce_sum3A_42[15] : i32 from vector<16xi32>
      %jit3A_44 = arith.constant 128 : i32
      %div3A = arith.divsi %reduce_sum3A_33, %jit3A_44 : i32
      %sign3A = arith.constant 0 : i32
      %sign3A_45 = arith.cmpi sgt, %reduce_sum3A_33, %sign3A : i32
      %sign3A_46 = arith.extui %sign3A_45 : i1 to i32
      %sign3A_47 = arith.constant 0 : i32
      %sign3A_48 = arith.cmpi slt, %reduce_sum3A_33, %sign3A_47 : i32
      %sign3A_49 = arith.extui %sign3A_48 : i1 to i32
      %sign3A_50 = arith.subi %sign3A_46, %sign3A_49 : i32
      %sign3A_51 = arith.constant 0 : i32
      %sign3A_52 = arith.cmpi sgt, %jit3A_44, %sign3A_51 : i32
      %sign3A_53 = arith.extui %sign3A_52 : i1 to i32
      %sign3A_54 = arith.constant 0 : i32
      %sign3A_55 = arith.cmpi slt, %jit3A_44, %sign3A_54 : i32
      %sign3A_56 = arith.extui %sign3A_55 : i1 to i32
      %sign3A_57 = arith.subi %sign3A_53, %sign3A_56 : i32
      %ne3A = arith.cmpi ne, %sign3A_50, %sign3A_57 : i32
      %rem3A = arith.remsi %reduce_sum3A_33, %jit3A_44 : i32
      %ne3A_58 = arith.constant 0 : i32
      %ne3A_59 = arith.cmpi ne, %rem3A, %ne3A_58 : i32
      %and3A = arith.andi %ne3A, %ne3A_59 : i1
      %sub3A = arith.constant 1 : i32
      %sub3A_60 = arith.subi %div3A, %sub3A : i32
      %select_n3A_61 = arith.select %and3A, %sub3A_60, %div3A : i32
      %mul3A_62 = arith.constant 128 : i32
      %mul3A_63 = arith.muli %select_n3A_61, %mul3A_62 : i32
      %multiple_of3A_64 = tpu.assume_multiple %mul3A_63, 128 : i32
      %jit3A_65 = arith.constant 128 : i32
      %div3A_66 = arith.divsi %reduce_sum3A_43, %jit3A_65 : i32
      %sign3A_67 = arith.constant 0 : i32
      %sign3A_68 = arith.cmpi sgt, %reduce_sum3A_43, %sign3A_67 : i32
      %sign3A_69 = arith.extui %sign3A_68 : i1 to i32
      %sign3A_70 = arith.constant 0 : i32
      %sign3A_71 = arith.cmpi slt, %reduce_sum3A_43, %sign3A_70 : i32
      %sign3A_72 = arith.extui %sign3A_71 : i1 to i32
      %sign3A_73 = arith.subi %sign3A_69, %sign3A_72 : i32
      %sign3A_74 = arith.constant 0 : i32
      %sign3A_75 = arith.cmpi sgt, %jit3A_65, %sign3A_74 : i32
      %sign3A_76 = arith.extui %sign3A_75 : i1 to i32
      %sign3A_77 = arith.constant 0 : i32
      %sign3A_78 = arith.cmpi slt, %jit3A_65, %sign3A_77 : i32
      %sign3A_79 = arith.extui %sign3A_78 : i1 to i32
      %sign3A_80 = arith.subi %sign3A_76, %sign3A_79 : i32
      %ne3A_81 = arith.cmpi ne, %sign3A_73, %sign3A_80 : i32
      %rem3A_82 = arith.remsi %reduce_sum3A_43, %jit3A_65 : i32
      %ne3A_83 = arith.constant 0 : i32
      %ne3A_84 = arith.cmpi ne, %rem3A_82, %ne3A_83 : i32
      %and3A_85 = arith.andi %ne3A_81, %ne3A_84 : i1
      %sub3A_86 = arith.constant 1 : i32
      %sub3A_87 = arith.subi %div3A_66, %sub3A_86 : i32
      %select_n3A_88 = arith.select %and3A_85, %sub3A_87, %div3A_66 : i32
      %mul3A_89 = arith.constant 128 : i32
      %mul3A_90 = arith.muli %select_n3A_88, %mul3A_89 : i32
      %multiple_of3A_91 = tpu.assume_multiple %mul3A_90, 128 : i32
      %dma_start3A_92 = arith.constant 0 : i32
      %dma_start3A_93 = arith.constant 0 : i32
      %dma_start3A_94 = tpu.memref_slice %arg10[%dma_start3A_92, %dma_start3A_93] : memref<480x128xf32, #tpu.memory_space<vmem>> -> memref<30x128xf32, #tpu.memory_space<vmem>>
      %dma_start3A_95 = arith.constant 0 : i32
      %dma_start3A_96 = tpu.memref_slice %arg4[%dma_start3A_95, %multiple_of3A_64] : memref<30x1000000xf32, #tpu.memory_space<hbm>> -> memref<30x128xf32, #tpu.memory_space<hbm>>
      %dma_start3A_97 = arith.constant 0 : i32
      %dma_start3A_98 = arith.constant 0 : i32
      %dma_start3A_99 = tpu.memref_slice %arg10[%dma_start3A_97, %dma_start3A_98] : memref<480x128xf32, #tpu.memory_space<vmem>> -> memref<30x128xf32, #tpu.memory_space<vmem>>
      %dma_start3A_100 = arith.constant 0 : i32
      %dma_start3A_101 = tpu.memref_slice %arg4[%dma_start3A_100, %multiple_of3A_64] : memref<30x1000000xf32, #tpu.memory_space<hbm>> -> memref<30x128xf32, #tpu.memory_space<hbm>>
      tpu.enqueue_dma source(%dma_start3A_101 : memref<30x128xf32, #tpu.memory_space<hbm>>) target(%dma_start3A_99 : memref<30x128xf32, #tpu.memory_space<vmem>>) target_semaphore(%arg14 : memref<!tpu.dma_semaphore, #tpu.memory_space<semaphore_mem>>)
      %dma_start3A_102 = arith.constant 0 : i32
      %dma_start3A_103 = arith.constant 0 : i32
      %dma_start3A_104 = tpu.memref_slice %arg11[%dma_start3A_102, %dma_start3A_103] : memref<160x128xf32, #tpu.memory_space<vmem>> -> memref<10x128xf32, #tpu.memory_space<vmem>>
      %dma_start3A_105 = arith.constant 0 : i32
      %dma_start3A_106 = tpu.memref_slice %arg5[%dma_start3A_105, %multiple_of3A_91] : memref<10x100000xf32, #tpu.memory_space<hbm>> -> memref<10x128xf32, #tpu.memory_space<hbm>>
      %dma_start3A_107 = arith.constant 0 : i32
      %dma_start3A_108 = arith.constant 0 : i32
      %dma_start3A_109 = tpu.memref_slice %arg11[%dma_start3A_107, %dma_start3A_108] : memref<160x128xf32, #tpu.memory_space<vmem>> -> memref<10x128xf32, #tpu.memory_space<vmem>>
      %dma_start3A_110 = arith.constant 0 : i32
      %dma_start3A_111 = tpu.memref_slice %arg5[%dma_start3A_110, %multiple_of3A_91] : memref<10x100000xf32, #tpu.memory_space<hbm>> -> memref<10x128xf32, #tpu.memory_space<hbm>>
      tpu.enqueue_dma source(%dma_start3A_111 : memref<10x128xf32, #tpu.memory_space<hbm>>) target(%dma_start3A_109 : memref<10x128xf32, #tpu.memory_space<vmem>>) target_semaphore(%arg15 : memref<!tpu.dma_semaphore, #tpu.memory_space<semaphore_mem>>)
      %eq3A_112 = arith.constant 1 : i32
      %eq3A_113 = vector.broadcast %eq3A_112 : i32 to vector<16xi32>
      %eq3A_114 = arith.cmpi eq, %iota3A, %eq3A_113 : vector<16xi32>
      %jit3A_115 = arith.constant 0 : i32
      %broadcast_in_dim3A_116 = vector.broadcast %jit3A_115 : i32 to vector<16xi32>
      %select_n3A_117 = arith.select %eq3A_114, %get3A_24, %broadcast_in_dim3A_116 : vector<16xi1>, vector<16xi32>
      %reduce_sum3A_118 = arith.constant true
      %reduce_sum3A_119 = vector.broadcast %reduce_sum3A_118 : i1 to vector<16xi1>
      %reduce_sum3A_120 = tpu.scan <sum>, %select_n3A_117 masked %reduce_sum3A_119 : vector<16xi32>, vector<16xi1> -> vector<16xi32>
      %reduce_sum3A_121 = vector.extract %reduce_sum3A_120[15] : i32 from vector<16xi32>
      %eq3A_122 = arith.constant 1 : i32
      %eq3A_123 = vector.broadcast %eq3A_122 : i32 to vector<16xi32>
      %eq3A_124 = arith.cmpi eq, %iota3A, %eq3A_123 : vector<16xi32>
      %jit3A_125 = arith.constant 0 : i32
      %broadcast_in_dim3A_126 = vector.broadcast %jit3A_125 : i32 to vector<16xi32>
      %select_n3A_127 = arith.select %eq3A_124, %get3A_28, %broadcast_in_dim3A_126 : vector<16xi1>, vector<16xi32>
      %reduce_sum3A_128 = arith.constant true
      %reduce_sum3A_129 = vector.broadcast %reduce_sum3A_128 : i1 to vector<16xi1>
      %reduce_sum3A_130 = tpu.scan <sum>, %select_n3A_127 masked %reduce_sum3A_129 : vector<16xi32>, vector<16xi1> -> vector<16xi32>
      %reduce_sum3A_131 = vector.extract %reduce_sum3A_130[15] : i32 from vector<16xi32>
      %jit3A_132 = arith.constant 128 : i32
      %div3A_133 = arith.divsi %reduce_sum3A_121, %jit3A_132 : i32
      %sign3A_134 = arith.constant 0 : i32
      %sign3A_135 = arith.cmpi sgt, %reduce_sum3A_121, %sign3A_134 : i32
      %sign3A_136 = arith.extui %sign3A_135 : i1 to i32
      %sign3A_137 = arith.constant 0 : i32
      %sign3A_138 = arith.cmpi slt, %reduce_sum3A_121, %sign3A_137 : i32
      %sign3A_139 = arith.extui %sign3A_138 : i1 to i32
      %sign3A_140 = arith.subi %sign3A_136, %sign3A_139 : i32
      %sign3A_141 = arith.constant 0 : i32
      %sign3A_142 = arith.cmpi sgt, %jit3A_132, %sign3A_141 : i32
      %sign3A_143 = arith.extui %sign3A_142 : i1 to i32
      %sign3A_144 = arith.constant 0 : i32
      %sign3A_145 = arith.cmpi slt, %jit3A_132, %sign3A_144 : i32
      %sign3A_146 = arith.extui %sign3A_145 : i1 to i32
      %sign3A_147 = arith.subi %sign3A_143, %sign3A_146 : i32
      %ne3A_148 = arith.cmpi ne, %sign3A_140, %sign3A_147 : i32
      %rem3A_149 = arith.remsi %reduce_sum3A_121, %jit3A_132 : i32
      %ne3A_150 = arith.constant 0 : i32
      %ne3A_151 = arith.cmpi ne, %rem3A_149, %ne3A_150 : i32
      %and3A_152 = arith.andi %ne3A_148, %ne3A_151 : i1
      %sub3A_153 = arith.constant 1 : i32
      %sub3A_154 = arith.subi %div3A_133, %sub3A_153 : i32
      %select_n3A_155 = arith.select %and3A_152, %sub3A_154, %div3A_133 : i32
      %mul3A_156 = arith.constant 128 : i32
      %mul3A_157 = arith.muli %select_n3A_155, %mul3A_156 : i32
      %multiple_of3A_158 = tpu.assume_multiple %mul3A_157, 128 : i32
      %jit3A_159 = arith.constant 128 : i32
      %div3A_160 = arith.divsi %reduce_sum3A_131, %jit3A_159 : i32
      %sign3A_161 = arith.constant 0 : i32
      %sign3A_162 = arith.cmpi sgt, %reduce_sum3A_131, %sign3A_161 : i32
      %sign3A_163 = arith.extui %sign3A_162 : i1 to i32
      %sign3A_164 = arith.constant 0 : i32
      %sign3A_165 = arith.cmpi slt, %reduce_sum3A_131, %sign3A_164 : i32
      %sign3A_166 = arith.extui %sign3A_165 : i1 to i32
      %sign3A_167 = arith.subi %sign3A_163, %sign3A_166 : i32
      %sign3A_168 = arith.constant 0 : i32
      %sign3A_169 = arith.cmpi sgt, %jit3A_159, %sign3A_168 : i32
      %sign3A_170 = arith.extui %sign3A_169 : i1 to i32
      %sign3A_171 = arith.constant 0 : i32
      %sign3A_172 = arith.cmpi slt, %jit3A_159, %sign3A_171 : i32
      %sign3A_173 = arith.extui %sign3A_172 : i1 to i32
      %sign3A_174 = arith.subi %sign3A_170, %sign3A_173 : i32
      %ne3A_175 = arith.cmpi ne, %sign3A_167, %sign3A_174 : i32
      %rem3A_176 = arith.remsi %reduce_sum3A_131, %jit3A_159 : i32
      %ne3A_177 = arith.constant 0 : i32
      %ne3A_178 = arith.cmpi ne, %rem3A_176, %ne3A_177 : i32
      %and3A_179 = arith.andi %ne3A_175, %ne3A_178 : i1
      %sub3A_180 = arith.constant 1 : i32
      %sub3A_181 = arith.subi %div3A_160, %sub3A_180 : i32
      %select_n3A_182 = arith.select %and3A_179, %sub3A_181, %div3A_160 : i32
      %mul3A_183 = arith.constant 128 : i32
      %mul3A_184 = arith.muli %select_n3A_182, %mul3A_183 : i32
      %multiple_of3A_185 = tpu.assume_multiple %mul3A_184, 128 : i32
      %dma_start3A_186 = arith.constant 30 : i32
      %dma_start3A_187 = arith.constant 0 : i32
      %dma_start3A_188 = tpu.memref_slice %arg10[%dma_start3A_186, %dma_start3A_187] : memref<480x128xf32, #tpu.memory_space<vmem>> -> memref<30x128xf32, #tpu.memory_space<vmem>>
      %dma_start3A_189 = arith.constant 0 : i32
      %dma_start3A_190 = tpu.memref_slice %arg4[%dma_start3A_189, %multiple_of3A_158] : memref<30x1000000xf32, #tpu.memory_space<hbm>> -> memref<30x128xf32, #tpu.memory_space<hbm>>
      %dma_start3A_191 = arith.constant 30 : i32
      %dma_start3A_192 = arith.constant 0 : i32
      %dma_start3A_193 = tpu.memref_slice %arg10[%dma_start3A_191, %dma_start3A_192] : memref<480x128xf32, #tpu.memory_space<vmem>> -> memref<30x128xf32, #tpu.memory_space<vmem>>
      %dma_start3A_194 = arith.constant 0 : i32
      %dma_start3A_195 = tpu.memref_slice %arg4[%dma_start3A_194, %multiple_of3A_158] : memref<30x1000000xf32, #tpu.memory_space<hbm>> -> memref<30x128xf32, #tpu.memory_space<hbm>>
      tpu.enqueue_dma source(%dma_start3A_195 : memref<30x128xf32, #tpu.memory_space<hbm>>) target(%dma_start3A_193 : memref<30x128xf32, #tpu.memory_space<vmem>>) target_semaphore(%arg14 : memref<!tpu.dma_semaphore, #tpu.memory_space<semaphore_mem>>)
      %dma_start3A_196 = arith.constant 10 : i32
      %dma_start3A_197 = arith.constant 0 : i32
      %dma_start3A_198 = tpu.memref_slice %arg11[%dma_start3A_196, %dma_start3A_197] : memref<160x128xf32, #tpu.memory_space<vmem>> -> memref<10x128xf32, #tpu.memory_space<vmem>>
      %dma_start3A_199 = arith.constant 0 : i32
      %dma_start3A_200 = tpu.memref_slice %arg5[%dma_start3A_199, %multiple_of3A_185] : memref<10x100000xf32, #tpu.memory_space<hbm>> -> memref<10x128xf32, #tpu.memory_space<hbm>>
      %dma_start3A_201 = arith.constant 10 : i32
      %dma_start3A_202 = arith.constant 0 : i32
      %dma_start3A_203 = tpu.memref_slice %arg11[%dma_start3A_201, %dma_start3A_202] : memref<160x128xf32, #tpu.memory_space<vmem>> -> memref<10x128xf32, #tpu.memory_space<vmem>>
      %dma_start3A_204 = arith.constant 0 : i32
      %dma_start3A_205 = tpu.memref_slice %arg5[%dma_start3A_204, %multiple_of3A_185] : memref<10x100000xf32, #tpu.memory_space<hbm>> -> memref<10x128xf32, #tpu.memory_space<hbm>>
      tpu.enqueue_dma source(%dma_start3A_205 : memref<10x128xf32, #tpu.memory_space<hbm>>) target(%dma_start3A_203 : memref<10x128xf32, #tpu.memory_space<vmem>>) target_semaphore(%arg15 : memref<!tpu.dma_semaphore, #tpu.memory_space<semaphore_mem>>)
      %eq3A_206 = arith.constant 2 : i32
      %eq3A_207 = vector.broadcast %eq3A_206 : i32 to vector<16xi32>
      %eq3A_208 = arith.cmpi eq, %iota3A, %eq3A_207 : vector<16xi32>
      %jit3A_209 = arith.constant 0 : i32
      %broadcast_in_dim3A_210 = vector.broadcast %jit3A_209 : i32 to vector<16xi32>
      %select_n3A_211 = arith.select %eq3A_208, %get3A_24, %broadcast_in_dim3A_210 : vector<16xi1>, vector<16xi32>
      %reduce_sum3A_212 = arith.constant true
      %reduce_sum3A_213 = vector.broadcast %reduce_sum3A_212 : i1 to vector<16xi1>
      %reduce_sum3A_214 = tpu.scan <sum>, %select_n3A_211 masked %reduce_sum3A_213 : vector<16xi32>, vector<16xi1> -> vector<16xi32>
      %reduce_sum3A_215 = vector.extract %reduce_sum3A_214[15] : i32 from vector<16xi32>
      %eq3A_216 = arith.constant 2 : i32
      %eq3A_217 = vector.broadcast %eq3A_216 : i32 to vector<16xi32>
      %eq3A_218 = arith.cmpi eq, %iota3A, %eq3A_217 : vector<16xi32>
      %jit3A_219 = arith.constant 0 : i32
      %broadcast_in_dim3A_220 = vector.broadcast %jit3A_219 : i32 to vector<16xi32>
      %select_n3A_221 = arith.select %eq3A_218, %get3A_28, %broadcast_in_dim3A_220 : vector<16xi1>, vector<16xi32>
      %reduce_sum3A_222 = arith.constant true
      %reduce_sum3A_223 = vector.broadcast %reduce_sum3A_222 : i1 to vector<16xi1>
      %reduce_sum3A_224 = tpu.scan <sum>, %select_n3A_221 masked %reduce_sum3A_223 : vector<16xi32>, vector<16xi1> -> vector<16xi32>
      %reduce_sum3A_225 = vector.extract %reduce_sum3A_224[15] : i32 from vector<16xi32>
      %jit3A_226 = arith.constant 128 : i32
      %div3A_227 = arith.divsi %reduce_sum3A_215, %jit3A_226 : i32
      %sign3A_228 = arith.constant 0 : i32
      %sign3A_229 = arith.cmpi sgt, %reduce_sum3A_215, %sign3A_228 : i32
      %sign3A_230 = arith.extui %sign3A_229 : i1 to i32
      %sign3A_231 = arith.constant 0 : i32
      %sign3A_232 = arith.cmpi slt, %reduce_sum3A_215, %sign3A_231 : i32
      %sign3A_233 = arith.extui %sign3A_232 : i1 to i32
      %sign3A_234 = arith.subi %sign3A_230, %sign3A_233 : i32
      %sign3A_235 = arith.constant 0 : i32
      %sign3A_236 = arith.cmpi sgt, %jit3A_226, %sign3A_235 : i32
      %sign3A_237 = arith.extui %sign3A_236 : i1 to i32
      %sign3A_238 = arith.constant 0 : i32
      %sign3A_239 = arith.cmpi slt, %jit3A_226, %sign3A_238 : i32
      %sign3A_240 = arith.extui %sign3A_239 : i1 to i32
      %sign3A_241 = arith.subi %sign3A_237, %sign3A_240 : i32
      %ne3A_242 = arith.cmpi ne, %sign3A_234, %sign3A_241 : i32
      %rem3A_243 = arith.remsi %reduce_sum3A_215, %jit3A_226 : i32
      %ne3A_244 = arith.constant 0 : i32
      %ne3A_245 = arith.cmpi ne, %rem3A_243, %ne3A_244 : i32
      %and3A_246 = arith.andi %ne3A_242, %ne3A_245 : i1
      %sub3A_247 = arith.constant 1 : i32
      %sub3A_248 = arith.subi %div3A_227, %sub3A_247 : i32
      %select_n3A_249 = arith.select %and3A_246, %sub3A_248, %div3A_227 : i32
      %mul3A_250 = arith.constant 128 : i32
      %mul3A_251 = arith.muli %select_n3A_249, %mul3A_250 : i32
      %multiple_of3A_252 = tpu.assume_multiple %mul3A_251, 128 : i32
      %jit3A_253 = arith.constant 128 : i32
      %div3A_254 = arith.divsi %reduce_sum3A_225, %jit3A_253 : i32
      %sign3A_255 = arith.constant 0 : i32
      %sign3A_256 = arith.cmpi sgt, %reduce_sum3A_225, %sign3A_255 : i32
      %sign3A_257 = arith.extui %sign3A_256 : i1 to i32
      %sign3A_258 = arith.constant 0 : i32
      %sign3A_259 = arith.cmpi slt, %reduce_sum3A_225, %sign3A_258 : i32
      %sign3A_260 = arith.extui %sign3A_259 : i1 to i32
      %sign3A_261 = arith.subi %sign3A_257, %sign3A_260 : i32
      %sign3A_262 = arith.constant 0 : i32
      %sign3A_263 = arith.cmpi sgt, %jit3A_253, %sign3A_262 : i32
      %sign3A_264 = arith.extui %sign3A_263 : i1 to i32
      %sign3A_265 = arith.constant 0 : i32
      %sign3A_266 = arith.cmpi slt, %jit3A_253, %sign3A_265 : i32
      %sign3A_267 = arith.extui %sign3A_266 : i1 to i32
      %sign3A_268 = arith.subi %sign3A_264, %sign3A_267 : i32
      %ne3A_269 = arith.cmpi ne, %sign3A_261, %sign3A_268 : i32
      %rem3A_270 = arith.remsi %reduce_sum3A_225, %jit3A_253 : i32
      %ne3A_271 = arith.constant 0 : i32
      %ne3A_272 = arith.cmpi ne, %rem3A_270, %ne3A_271 : i32
      %and3A_273 = arith.andi %ne3A_269, %ne3A_272 : i1
      %sub3A_274 = arith.constant 1 : i32
      %sub3A_275 = arith.subi %div3A_254, %sub3A_274 : i32
      %select_n3A_276 = arith.select %and3A_273, %sub3A_275, %div3A_254 : i32
      %mul3A_277 = arith.constant 128 : i32
      %mul3A_278 = arith.muli %select_n3A_276, %mul3A_277 : i32
      %multiple_of3A_279 = tpu.assume_multiple %mul3A_278, 128 : i32
      %dma_start3A_280 = arith.constant 60 : i32
      %dma_start3A_281 = arith.constant 0 : i32
      %dma_start3A_282 = tpu.memref_slice %arg10[%dma_start3A_280, %dma_start3A_281] : memref<480x128xf32, #tpu.memory_space<vmem>> -> memref<30x128xf32, #tpu.memory_space<vmem>>
      %dma_start3A_283 = arith.constant 0 : i32
      %dma_start3A_284 = tpu.memref_slice %arg4[%dma_start3A_283, %multiple_of3A_252] : memref<30x1000000xf32, #tpu.memory_space<hbm>> -> memref<30x128xf32, #tpu.memory_space<hbm>>
      %dma_start3A_285 = arith.constant 60 : i32
      %dma_start3A_286 = arith.constant 0 : i32
      %dma_start3A_287 = tpu.memref_slice %arg10[%dma_start3A_285, %dma_start3A_286] : memref<480x128xf32, #tpu.memory_space<vmem>> -> memref<30x128xf32, #tpu.memory_space<vmem>>
      %dma_start3A_288 = arith.constant 0 : i32
      %dma_start3A_289 = tpu.memref_slice %arg4[%dma_start3A_288, %multiple_of3A_252] : memref<30x1000000xf32, #tpu.memory_space<hbm>> -> memref<30x128xf32, #tpu.memory_space<hbm>>
      tpu.enqueue_dma source(%dma_start3A_289 : memref<30x128xf32, #tpu.memory_space<hbm>>) target(%dma_start3A_287 : memref<30x128xf32, #tpu.memory_space<vmem>>) target_semaphore(%arg14 : memref<!tpu.dma_semaphore, #tpu.memory_space<semaphore_mem>>)
      %dma_start3A_290 = arith.constant 20 : i32
      %dma_start3A_291 = arith.constant 0 : i32
      %dma_start3A_292 = tpu.memref_slice %arg11[%dma_start3A_290, %dma_start3A_291] : memref<160x128xf32, #tpu.memory_space<vmem>> -> memref<10x128xf32, #tpu.memory_space<vmem>>
      %dma_start3A_293 = arith.constant 0 : i32
      %dma_start3A_294 = tpu.memref_slice %arg5[%dma_start3A_293, %multiple_of3A_279] : memref<10x100000xf32, #tpu.memory_space<hbm>> -> memref<10x128xf32, #tpu.memory_space<hbm>>
      %dma_start3A_295 = arith.constant 20 : i32
      %dma_start3A_296 = arith.constant 0 : i32
      %dma_start3A_297 = tpu.memref_slice %arg11[%dma_start3A_295, %dma_start3A_296] : memref<160x128xf32, #tpu.memory_space<vmem>> -> memref<10x128xf32, #tpu.memory_space<vmem>>
      %dma_start3A_298 = arith.constant 0 : i32
      %dma_start3A_299 = tpu.memref_slice %arg5[%dma_start3A_298, %multiple_of3A_279] : memref<10x100000xf32, #tpu.memory_space<hbm>> -> memref<10x128xf32, #tpu.memory_space<hbm>>
      tpu.enqueue_dma source(%dma_start3A_299 : memref<10x128xf32, #tpu.memory_space<hbm>>) target(%dma_start3A_297 : memref<10x128xf32, #tpu.memory_space<vmem>>) target_semaphore(%arg15 : memref<!tpu.dma_semaphore, #tpu.memory_space<semaphore_mem>>)
      %eq3A_300 = arith.constant 3 : i32
      %eq3A_301 = vector.broadcast %eq3A_300 : i32 to vector<16xi32>
      %eq3A_302 = arith.cmpi eq, %iota3A, %eq3A_301 : vector<16xi32>
      %jit3A_303 = arith.constant 0 : i32
      %broadcast_in_dim3A_304 = vector.broadcast %jit3A_303 : i32 to vector<16xi32>
      %select_n3A_305 = arith.select %eq3A_302, %get3A_24, %broadcast_in_dim3A_304 : vector<16xi1>, vector<16xi32>
      %reduce_sum3A_306 = arith.constant true
      %reduce_sum3A_307 = vector.broadcast %reduce_sum3A_306 : i1 to vector<16xi1>
      %reduce_sum3A_308 = tpu.scan <sum>, %select_n3A_305 masked %reduce_sum3A_307 : vector<16xi32>, vector<16xi1> -> vector<16xi32>
      %reduce_sum3A_309 = vector.extract %reduce_sum3A_308[15] : i32 from vector<16xi32>
      %eq3A_310 = arith.constant 3 : i32
      %eq3A_311 = vector.broadcast %eq3A_310 : i32 to vector<16xi32>
      %eq3A_312 = arith.cmpi eq, %iota3A, %eq3A_311 : vector<16xi32>
      %jit3A_313 = arith.constant 0 : i32
      %broadcast_in_dim3A_314 = vector.broadcast %jit3A_313 : i32 to vector<16xi32>
      %select_n3A_315 = arith.select %eq3A_312, %get3A_28, %broadcast_in_dim3A_314 : vector<16xi1>, vector<16xi32>
      %reduce_sum3A_316 = arith.constant true
      %reduce_sum3A_317 = vector.broadcast %reduce_sum3A_316 : i1 to vector<16xi1>
      %reduce_sum3A_318 = tpu.scan <sum>, %select_n3A_315 masked %reduce_sum3A_317 : vector<16xi32>, vector<16xi1> -> vector<16xi32>
      %reduce_sum3A_319 = vector.extract %reduce_sum3A_318[15] : i32 from vector<16xi32>
      %jit3A_320 = arith.constant 128 : i32
      %div3A_321 = arith.divsi %reduce_sum3A_309, %jit3A_320 : i32
      %sign3A_322 = arith.constant 0 : i32
      %sign3A_323 = arith.cmpi sgt, %reduce_sum3A_309, %sign3A_322 : i32
      %sign3A_324 = arith.extui %sign3A_323 : i1 to i32
      %sign3A_325 = arith.constant 0 : i32
      %sign3A_326 = arith.cmpi slt, %reduce_sum3A_309, %sign3A_325 : i32
      %sign3A_327 = arith.extui %sign3A_326 : i1 to i32
      %sign3A_328 = arith.subi %sign3A_324, %sign3A_327 : i32
      %sign3A_329 = arith.constant 0 : i32
      %sign3A_330 = arith.cmpi sgt, %jit3A_320, %sign3A_329 : i32
      %sign3A_331 = arith.extui %sign3A_330 : i1 to i32
      %sign3A_332 = arith.constant 0 : i32
      %sign3A_333 = arith.cmpi slt, %jit3A_320, %sign3A_332 : i32
      %sign3A_334 = arith.extui %sign3A_333 : i1 to i32
      %sign3A_335 = arith.subi %sign3A_331, %sign3A_334 : i32
      %ne3A_336 = arith.cmpi ne, %sign3A_328, %sign3A_335 : i32
      %rem3A_337 = arith.remsi %reduce_sum3A_309, %jit3A_320 : i32
      %ne3A_338 = arith.constant 0 : i32
      %ne3A_339 = arith.cmpi ne, %rem3A_337, %ne3A_338 : i32
      %and3A_340 = arith.andi %ne3A_336, %ne3A_339 : i1
      %sub3A_341 = arith.constant 1 : i32
      %sub3A_342 = arith.subi %div3A_321, %sub3A_341 : i32
      %select_n3A_343 = arith.select %and3A_340, %sub3A_342, %div3A_321 : i32
      %mul3A_344 = arith.constant 128 : i32
      %mul3A_345 = arith.muli %select_n3A_343, %mul3A_344 : i32
      %multiple_of3A_346 = tpu.assume_multiple %mul3A_345, 128 : i32
      %jit3A_347 = arith.constant 128 : i32
      %div3A_348 = arith.divsi %reduce_sum3A_319, %jit3A_347 : i32
      %sign3A_349 = arith.constant 0 : i32
      %sign3A_350 = arith.cmpi sgt, %reduce_sum3A_319, %sign3A_349 : i32
      %sign3A_351 = arith.extui %sign3A_350 : i1 to i32
      %sign3A_352 = arith.constant 0 : i32
      %sign3A_353 = arith.cmpi slt, %reduce_sum3A_319, %sign3A_352 : i32
      %sign3A_354 = arith.extui %sign3A_353 : i1 to i32
      %sign3A_355 = arith.subi %sign3A_351, %sign3A_354 : i32
      %sign3A_356 = arith.constant 0 : i32
      %sign3A_357 = arith.cmpi sgt, %jit3A_347, %sign3A_356 : i32
      %sign3A_358 = arith.extui %sign3A_357 : i1 to i32
      %sign3A_359 = arith.constant 0 : i32
      %sign3A_360 = arith.cmpi slt, %jit3A_347, %sign3A_359 : i32
      %sign3A_361 = arith.extui %sign3A_360 : i1 to i32
      %sign3A_362 = arith.subi %sign3A_358, %sign3A_361 : i32
      %ne3A_363 = arith.cmpi ne, %sign3A_355, %sign3A_362 : i32
      %rem3A_364 = arith.remsi %reduce_sum3A_319, %jit3A_347 : i32
      %ne3A_365 = arith.constant 0 : i32
      %ne3A_366 = arith.cmpi ne, %rem3A_364, %ne3A_365 : i32
      %and3A_367 = arith.andi %ne3A_363, %ne3A_366 : i1
      %sub3A_368 = arith.constant 1 : i32
      %sub3A_369 = arith.subi %div3A_348, %sub3A_368 : i32
      %select_n3A_370 = arith.select %and3A_367, %sub3A_369, %div3A_348 : i32
      %mul3A_371 = arith.constant 128 : i32
      %mul3A_372 = arith.muli %select_n3A_370, %mul3A_371 : i32
      %multiple_of3A_373 = tpu.assume_multiple %mul3A_372, 128 : i32
      %dma_start3A_374 = arith.constant 90 : i32
      %dma_start3A_375 = arith.constant 0 : i32
      %dma_start3A_376 = tpu.memref_slice %arg10[%dma_start3A_374, %dma_start3A_375] : memref<480x128xf32, #tpu.memory_space<vmem>> -> memref<30x128xf32, #tpu.memory_space<vmem>>
      %dma_start3A_377 = arith.constant 0 : i32
      %dma_start3A_378 = tpu.memref_slice %arg4[%dma_start3A_377, %multiple_of3A_346] : memref<30x1000000xf32, #tpu.memory_space<hbm>> -> memref<30x128xf32, #tpu.memory_space<hbm>>
      %dma_start3A_379 = arith.constant 90 : i32
      %dma_start3A_380 = arith.constant 0 : i32
      %dma_start3A_381 = tpu.memref_slice %arg10[%dma_start3A_379, %dma_start3A_380] : memref<480x128xf32, #tpu.memory_space<vmem>> -> memref<30x128xf32, #tpu.memory_space<vmem>>
      %dma_start3A_382 = arith.constant 0 : i32
      %dma_start3A_383 = tpu.memref_slice %arg4[%dma_start3A_382, %multiple_of3A_346] : memref<30x1000000xf32, #tpu.memory_space<hbm>> -> memref<30x128xf32, #tpu.memory_space<hbm>>
      tpu.enqueue_dma source(%dma_start3A_383 : memref<30x128xf32, #tpu.memory_space<hbm>>) target(%dma_start3A_381 : memref<30x128xf32, #tpu.memory_space<vmem>>) target_semaphore(%arg14 : memref<!tpu.dma_semaphore, #tpu.memory_space<semaphore_mem>>)
      %dma_start3A_384 = arith.constant 30 : i32
      %dma_start3A_385 = arith.constant 0 : i32
      %dma_start3A_386 = tpu.memref_slice %arg11[%dma_start3A_384, %dma_start3A_385] : memref<160x128xf32, #tpu.memory_space<vmem>> -> memref<10x128xf32, #tpu.memory_space<vmem>>
      %dma_start3A_387 = arith.constant 0 : i32
      %dma_start3A_388 = tpu.memref_slice %arg5[%dma_start3A_387, %multiple_of3A_373] : memref<10x100000xf32, #tpu.memory_space<hbm>> -> memref<10x128xf32, #tpu.memory_space<hbm>>
      %dma_start3A_389 = arith.constant 30 : i32
      %dma_start3A_390 = arith.constant 0 : i32
      %dma_start3A_391 = tpu.memref_slice %arg11[%dma_start3A_389, %dma_start3A_390] : memref<160x128xf32, #tpu.memory_space<vmem>> -> memref<10x128xf32, #tpu.memory_space<vmem>>
      %dma_start3A_392 = arith.constant 0 : i32
      %dma_start3A_393 = tpu.memref_slice %arg5[%dma_start3A_392, %multiple_of3A_373] : memref<10x100000xf32, #tpu.memory_space<hbm>> -> memref<10x128xf32, #tpu.memory_space<hbm>>
      tpu.enqueue_dma source(%dma_start3A_393 : memref<10x128xf32, #tpu.memory_space<hbm>>) target(%dma_start3A_391 : memref<10x128xf32, #tpu.memory_space<vmem>>) target_semaphore(%arg15 : memref<!tpu.dma_semaphore, #tpu.memory_space<semaphore_mem>>)
      %eq3A_394 = arith.constant 4 : i32
      %eq3A_395 = vector.broadcast %eq3A_394 : i32 to vector<16xi32>
      %eq3A_396 = arith.cmpi eq, %iota3A, %eq3A_395 : vector<16xi32>
      %jit3A_397 = arith.constant 0 : i32
      %broadcast_in_dim3A_398 = vector.broadcast %jit3A_397 : i32 to vector<16xi32>
      %select_n3A_399 = arith.select %eq3A_396, %get3A_24, %broadcast_in_dim3A_398 : vector<16xi1>, vector<16xi32>
      %reduce_sum3A_400 = arith.constant true
      %reduce_sum3A_401 = vector.broadcast %reduce_sum3A_400 : i1 to vector<16xi1>
      %reduce_sum3A_402 = tpu.scan <sum>, %select_n3A_399 masked %reduce_sum3A_401 : vector<16xi32>, vector<16xi1> -> vector<16xi32>
      %reduce_sum3A_403 = vector.extract %reduce_sum3A_402[15] : i32 from vector<16xi32>
      %eq3A_404 = arith.constant 4 : i32
      %eq3A_405 = vector.broadcast %eq3A_404 : i32 to vector<16xi32>
      %eq3A_406 = arith.cmpi eq, %iota3A, %eq3A_405 : vector<16xi32>
      %jit3A_407 = arith.constant 0 : i32
      %broadcast_in_dim3A_408 = vector.broadcast %jit3A_407 : i32 to vector<16xi32>
      %select_n3A_409 = arith.select %eq3A_406, %get3A_28, %broadcast_in_dim3A_408 : vector<16xi1>, vector<16xi32>
      %reduce_sum3A_410 = arith.constant true
      %reduce_sum3A_411 = vector.broadcast %reduce_sum3A_410 : i1 to vector<16xi1>
      %reduce_sum3A_412 = tpu.scan <sum>, %select_n3A_409 masked %reduce_sum3A_411 : vector<16xi32>, vector<16xi1> -> vector<16xi32>
      %reduce_sum3A_413 = vector.extract %reduce_sum3A_412[15] : i32 from vector<16xi32>
      %jit3A_414 = arith.constant 128 : i32
      %div3A_415 = arith.divsi %reduce_sum3A_403, %jit3A_414 : i32
      %sign3A_416 = arith.constant 0 : i32
      %sign3A_417 = arith.cmpi sgt, %reduce_sum3A_403, %sign3A_416 : i32
      %sign3A_418 = arith.extui %sign3A_417 : i1 to i32
      %sign3A_419 = arith.constant 0 : i32
      %sign3A_420 = arith.cmpi slt, %reduce_sum3A_403, %sign3A_419 : i32
      %sign3A_421 = arith.extui %sign3A_420 : i1 to i32
      %sign3A_422 = arith.subi %sign3A_418, %sign3A_421 : i32
      %sign3A_423 = arith.constant 0 : i32
      %sign3A_424 = arith.cmpi sgt, %jit3A_414, %sign3A_423 : i32
      %sign3A_425 = arith.extui %sign3A_424 : i1 to i32
      %sign3A_426 = arith.constant 0 : i32
      %sign3A_427 = arith.cmpi slt, %jit3A_414, %sign3A_426 : i32
      %sign3A_428 = arith.extui %sign3A_427 : i1 to i32
      %sign3A_429 = arith.subi %sign3A_425, %sign3A_428 : i32
      %ne3A_430 = arith.cmpi ne, %sign3A_422, %sign3A_429 : i32
      %rem3A_431 = arith.remsi %reduce_sum3A_403, %jit3A_414 : i32
      %ne3A_432 = arith.constant 0 : i32
      %ne3A_433 = arith.cmpi ne, %rem3A_431, %ne3A_432 : i32
      %and3A_434 = arith.andi %ne3A_430, %ne3A_433 : i1
      %sub3A_435 = arith.constant 1 : i32
      %sub3A_436 = arith.subi %div3A_415, %sub3A_435 : i32
      %select_n3A_437 = arith.select %and3A_434, %sub3A_436, %div3A_415 : i32
      %mul3A_438 = arith.constant 128 : i32
      %mul3A_439 = arith.muli %select_n3A_437, %mul3A_438 : i32
      %multiple_of3A_440 = tpu.assume_multiple %mul3A_439, 128 : i32
      %jit3A_441 = arith.constant 128 : i32
      %div3A_442 = arith.divsi %reduce_sum3A_413, %jit3A_441 : i32
      %sign3A_443 = arith.constant 0 : i32
      %sign3A_444 = arith.cmpi sgt, %reduce_sum3A_413, %sign3A_443 : i32
      %sign3A_445 = arith.extui %sign3A_444 : i1 to i32
      %sign3A_446 = arith.constant 0 : i32
      %sign3A_447 = arith.cmpi slt, %reduce_sum3A_413, %sign3A_446 : i32
      %sign3A_448 = arith.extui %sign3A_447 : i1 to i32
      %sign3A_449 = arith.subi %sign3A_445, %sign3A_448 : i32
      %sign3A_450 = arith.constant 0 : i32
      %sign3A_451 = arith.cmpi sgt, %jit3A_441, %sign3A_450 : i32
      %sign3A_452 = arith.extui %sign3A_451 : i1 to i32
      %sign3A_453 = arith.constant 0 : i32
      %sign3A_454 = arith.cmpi slt, %jit3A_441, %sign3A_453 : i32
      %sign3A_455 = arith.extui %sign3A_454 : i1 to i32
      %sign3A_456 = arith.subi %sign3A_452, %sign3A_455 : i32
      %ne3A_457 = arith.cmpi ne, %sign3A_449, %sign3A_456 : i32
      %rem3A_458 = arith.remsi %reduce_sum3A_413, %jit3A_441 : i32
      %ne3A_459 = arith.constant 0 : i32
      %ne3A_460 = arith.cmpi ne, %rem3A_458, %ne3A_459 : i32
      %and3A_461 = arith.andi %ne3A_457, %ne3A_460 : i1
      %sub3A_462 = arith.constant 1 : i32
      %sub3A_463 = arith.subi %div3A_442, %sub3A_462 : i32
      %select_n3A_464 = arith.select %and3A_461, %sub3A_463, %div3A_442 : i32
      %mul3A_465 = arith.constant 128 : i32
      %mul3A_466 = arith.muli %select_n3A_464, %mul3A_465 : i32
      %multiple_of3A_467 = tpu.assume_multiple %mul3A_466, 128 : i32
      %dma_start3A_468 = arith.constant 120 : i32
      %dma_start3A_469 = arith.constant 0 : i32
      %dma_start3A_470 = tpu.memref_slice %arg10[%dma_start3A_468, %dma_start3A_469] : memref<480x128xf32, #tpu.memory_space<vmem>> -> memref<30x128xf32, #tpu.memory_space<vmem>>
      %dma_start3A_471 = arith.constant 0 : i32
      %dma_start3A_472 = tpu.memref_slice %arg4[%dma_start3A_471, %multiple_of3A_440] : memref<30x1000000xf32, #tpu.memory_space<hbm>> -> memref<30x128xf32, #tpu.memory_space<hbm>>
      %dma_start3A_473 = arith.constant 120 : i32
      %dma_start3A_474 = arith.constant 0 : i32
      %dma_start3A_475 = tpu.memref_slice %arg10[%dma_start3A_473, %dma_start3A_474] : memref<480x128xf32, #tpu.memory_space<vmem>> -> memref<30x128xf32, #tpu.memory_space<vmem>>
      %dma_start3A_476 = arith.constant 0 : i32
      %dma_start3A_477 = tpu.memref_slice %arg4[%dma_start3A_476, %multiple_of3A_440] : memref<30x1000000xf32, #tpu.memory_space<hbm>> -> memref<30x128xf32, #tpu.memory_space<hbm>>
      tpu.enqueue_dma source(%dma_start3A_477 : memref<30x128xf32, #tpu.memory_space<hbm>>) target(%dma_start3A_475 : memref<30x128xf32, #tpu.memory_space<vmem>>) target_semaphore(%arg14 : memref<!tpu.dma_semaphore, #tpu.memory_space<semaphore_mem>>)
      %dma_start3A_478 = arith.constant 40 : i32
      %dma_start3A_479 = arith.constant 0 : i32
      %dma_start3A_480 = tpu.memref_slice %arg11[%dma_start3A_478, %dma_start3A_479] : memref<160x128xf32, #tpu.memory_space<vmem>> -> memref<10x128xf32, #tpu.memory_space<vmem>>
      %dma_start3A_481 = arith.constant 0 : i32
      %dma_start3A_482 = tpu.memref_slice %arg5[%dma_start3A_481, %multiple_of3A_467] : memref<10x100000xf32, #tpu.memory_space<hbm>> -> memref<10x128xf32, #tpu.memory_space<hbm>>
      %dma_start3A_483 = arith.constant 40 : i32
      %dma_start3A_484 = arith.constant 0 : i32
      %dma_start3A_485 = tpu.memref_slice %arg11[%dma_start3A_483, %dma_start3A_484] : memref<160x128xf32, #tpu.memory_space<vmem>> -> memref<10x128xf32, #tpu.memory_space<vmem>>
      %dma_start3A_486 = arith.constant 0 : i32
      %dma_start3A_487 = tpu.memref_slice %arg5[%dma_start3A_486, %multiple_of3A_467] : memref<10x100000xf32, #tpu.memory_space<hbm>> -> memref<10x128xf32, #tpu.memory_space<hbm>>
      tpu.enqueue_dma source(%dma_start3A_487 : memref<10x128xf32, #tpu.memory_space<hbm>>) target(%dma_start3A_485 : memref<10x128xf32, #tpu.memory_space<vmem>>) target_semaphore(%arg15 : memref<!tpu.dma_semaphore, #tpu.memory_space<semaphore_mem>>)
      %eq3A_488 = arith.constant 5 : i32
      %eq3A_489 = vector.broadcast %eq3A_488 : i32 to vector<16xi32>
      %eq3A_490 = arith.cmpi eq, %iota3A, %eq3A_489 : vector<16xi32>
      %jit3A_491 = arith.constant 0 : i32
      %broadcast_in_dim3A_492 = vector.broadcast %jit3A_491 : i32 to vector<16xi32>
      %select_n3A_493 = arith.select %eq3A_490, %get3A_24, %broadcast_in_dim3A_492 : vector<16xi1>, vector<16xi32>
      %reduce_sum3A_494 = arith.constant true
      %reduce_sum3A_495 = vector.broadcast %reduce_sum3A_494 : i1 to vector<16xi1>
      %reduce_sum3A_496 = tpu.scan <sum>, %select_n3A_493 masked %reduce_sum3A_495 : vector<16xi32>, vector<16xi1> -> vector<16xi32>
      %reduce_sum3A_497 = vector.extract %reduce_sum3A_496[15] : i32 from vector<16xi32>
      %eq3A_498 = arith.constant 5 : i32
      %eq3A_499 = vector.broadcast %eq3A_498 : i32 to vector<16xi32>
      %eq3A_500 = arith.cmpi eq, %iota3A, %eq3A_499 : vector<16xi32>
      %jit3A_501 = arith.constant 0 : i32
      %broadcast_in_dim3A_502 = vector.broadcast %jit3A_501 : i32 to vector<16xi32>
      %select_n3A_503 = arith.select %eq3A_500, %get3A_28, %broadcast_in_dim3A_502 : vector<16xi1>, vector<16xi32>
      %reduce_sum3A_504 = arith.constant true
      %reduce_sum3A_505 = vector.broadcast %reduce_sum3A_504 : i1 to vector<16xi1>
      %reduce_sum3A_506 = tpu.scan <sum>, %select_n3A_503 masked %reduce_sum3A_505 : vector<16xi32>, vector<16xi1> -> vector<16xi32>
      %reduce_sum3A_507 = vector.extract %reduce_sum3A_506[15] : i32 from vector<16xi32>
      %jit3A_508 = arith.constant 128 : i32
      %div3A_509 = arith.divsi %reduce_sum3A_497, %jit3A_508 : i32
      %sign3A_510 = arith.constant 0 : i32
      %sign3A_511 = arith.cmpi sgt, %reduce_sum3A_497, %sign3A_510 : i32
      %sign3A_512 = arith.extui %sign3A_511 : i1 to i32
      %sign3A_513 = arith.constant 0 : i32
      %sign3A_514 = arith.cmpi slt, %reduce_sum3A_497, %sign3A_513 : i32
      %sign3A_515 = arith.extui %sign3A_514 : i1 to i32
      %sign3A_516 = arith.subi %sign3A_512, %sign3A_515 : i32
      %sign3A_517 = arith.constant 0 : i32
      %sign3A_518 = arith.cmpi sgt, %jit3A_508, %sign3A_517 : i32
      %sign3A_519 = arith.extui %sign3A_518 : i1 to i32
      %sign3A_520 = arith.constant 0 : i32
      %sign3A_521 = arith.cmpi slt, %jit3A_508, %sign3A_520 : i32
      %sign3A_522 = arith.extui %sign3A_521 : i1 to i32
      %sign3A_523 = arith.subi %sign3A_519, %sign3A_522 : i32
      %ne3A_524 = arith.cmpi ne, %sign3A_516, %sign3A_523 : i32
      %rem3A_525 = arith.remsi %reduce_sum3A_497, %jit3A_508 : i32
      %ne3A_526 = arith.constant 0 : i32
      %ne3A_527 = arith.cmpi ne, %rem3A_525, %ne3A_526 : i32
      %and3A_528 = arith.andi %ne3A_524, %ne3A_527 : i1
      %sub3A_529 = arith.constant 1 : i32
      %sub3A_530 = arith.subi %div3A_509, %sub3A_529 : i32
      %select_n3A_531 = arith.select %and3A_528, %sub3A_530, %div3A_509 : i32
      %mul3A_532 = arith.constant 128 : i32
      %mul3A_533 = arith.muli %select_n3A_531, %mul3A_532 : i32
      %multiple_of3A_534 = tpu.assume_multiple %mul3A_533, 128 : i32
      %jit3A_535 = arith.constant 128 : i32
      %div3A_536 = arith.divsi %reduce_sum3A_507, %jit3A_535 : i32
      %sign3A_537 = arith.constant 0 : i32
      %sign3A_538 = arith.cmpi sgt, %reduce_sum3A_507, %sign3A_537 : i32
      %sign3A_539 = arith.extui %sign3A_538 : i1 to i32
      %sign3A_540 = arith.constant 0 : i32
      %sign3A_541 = arith.cmpi slt, %reduce_sum3A_507, %sign3A_540 : i32
      %sign3A_542 = arith.extui %sign3A_541 : i1 to i32
      %sign3A_543 = arith.subi %sign3A_539, %sign3A_542 : i32
      %sign3A_544 = arith.constant 0 : i32
      %sign3A_545 = arith.cmpi sgt, %jit3A_535, %sign3A_544 : i32
      %sign3A_546 = arith.extui %sign3A_545 : i1 to i32
      %sign3A_547 = arith.constant 0 : i32
      %sign3A_548 = arith.cmpi slt, %jit3A_535, %sign3A_547 : i32
      %sign3A_549 = arith.extui %sign3A_548 : i1 to i32
      %sign3A_550 = arith.subi %sign3A_546, %sign3A_549 : i32
      %ne3A_551 = arith.cmpi ne, %sign3A_543, %sign3A_550 : i32
      %rem3A_552 = arith.remsi %reduce_sum3A_507, %jit3A_535 : i32
      %ne3A_553 = arith.constant 0 : i32
      %ne3A_554 = arith.cmpi ne, %rem3A_552, %ne3A_553 : i32
      %and3A_555 = arith.andi %ne3A_551, %ne3A_554 : i1
      %sub3A_556 = arith.constant 1 : i32
      %sub3A_557 = arith.subi %div3A_536, %sub3A_556 : i32
      %select_n3A_558 = arith.select %and3A_555, %sub3A_557, %div3A_536 : i32
      %mul3A_559 = arith.constant 128 : i32
      %mul3A_560 = arith.muli %select_n3A_558, %mul3A_559 : i32
      %multiple_of3A_561 = tpu.assume_multiple %mul3A_560, 128 : i32
      %dma_start3A_562 = arith.constant 150 : i32
      %dma_start3A_563 = arith.constant 0 : i32
      %dma_start3A_564 = tpu.memref_slice %arg10[%dma_start3A_562, %dma_start3A_563] : memref<480x128xf32, #tpu.memory_space<vmem>> -> memref<30x128xf32, #tpu.memory_space<vmem>>
      %dma_start3A_565 = arith.constant 0 : i32
      %dma_start3A_566 = tpu.memref_slice %arg4[%dma_start3A_565, %multiple_of3A_534] : memref<30x1000000xf32, #tpu.memory_space<hbm>> -> memref<30x128xf32, #tpu.memory_space<hbm>>
      %dma_start3A_567 = arith.constant 150 : i32
      %dma_start3A_568 = arith.constant 0 : i32
      %dma_start3A_569 = tpu.memref_slice %arg10[%dma_start3A_567, %dma_start3A_568] : memref<480x128xf32, #tpu.memory_space<vmem>> -> memref<30x128xf32, #tpu.memory_space<vmem>>
      %dma_start3A_570 = arith.constant 0 : i32
      %dma_start3A_571 = tpu.memref_slice %arg4[%dma_start3A_570, %multiple_of3A_534] : memref<30x1000000xf32, #tpu.memory_space<hbm>> -> memref<30x128xf32, #tpu.memory_space<hbm>>
      tpu.enqueue_dma source(%dma_start3A_571 : memref<30x128xf32, #tpu.memory_space<hbm>>) target(%dma_start3A_569 : memref<30x128xf32, #tpu.memory_space<vmem>>) target_semaphore(%arg14 : memref<!tpu.dma_semaphore, #tpu.memory_space<semaphore_mem>>)
      %dma_start3A_572 = arith.constant 50 : i32
      %dma_start3A_573 = arith.constant 0 : i32
      %dma_start3A_574 = tpu.memref_slice %arg11[%dma_start3A_572, %dma_start3A_573] : memref<160x128xf32, #tpu.memory_space<vmem>> -> memref<10x128xf32, #tpu.memory_space<vmem>>
      %dma_start3A_575 = arith.constant 0 : i32
      %dma_start3A_576 = tpu.memref_slice %arg5[%dma_start3A_575, %multiple_of3A_561] : memref<10x100000xf32, #tpu.memory_space<hbm>> -> memref<10x128xf32, #tpu.memory_space<hbm>>
      %dma_start3A_577 = arith.constant 50 : i32
      %dma_start3A_578 = arith.constant 0 : i32
      %dma_start3A_579 = tpu.memref_slice %arg11[%dma_start3A_577, %dma_start3A_578] : memref<160x128xf32, #tpu.memory_space<vmem>> -> memref<10x128xf32, #tpu.memory_space<vmem>>
      %dma_start3A_580 = arith.constant 0 : i32
      %dma_start3A_581 = tpu.memref_slice %arg5[%dma_start3A_580, %multiple_of3A_561] : memref<10x100000xf32, #tpu.memory_space<hbm>> -> memref<10x128xf32, #tpu.memory_space<hbm>>
      tpu.enqueue_dma source(%dma_start3A_581 : memref<10x128xf32, #tpu.memory_space<hbm>>) target(%dma_start3A_579 : memref<10x128xf32, #tpu.memory_space<vmem>>) target_semaphore(%arg15 : memref<!tpu.dma_semaphore, #tpu.memory_space<semaphore_mem>>)
      %eq3A_582 = arith.constant 6 : i32
      %eq3A_583 = vector.broadcast %eq3A_582 : i32 to vector<16xi32>
      %eq3A_584 = arith.cmpi eq, %iota3A, %eq3A_583 : vector<16xi32>
      %jit3A_585 = arith.constant 0 : i32
      %broadcast_in_dim3A_586 = vector.broadcast %jit3A_585 : i32 to vector<16xi32>
      %select_n3A_587 = arith.select %eq3A_584, %get3A_24, %broadcast_in_dim3A_586 : vector<16xi1>, vector<16xi32>
      %reduce_sum3A_588 = arith.constant true
      %reduce_sum3A_589 = vector.broadcast %reduce_sum3A_588 : i1 to vector<16xi1>
      %reduce_sum3A_590 = tpu.scan <sum>, %select_n3A_587 masked %reduce_sum3A_589 : vector<16xi32>, vector<16xi1> -> vector<16xi32>
      %reduce_sum3A_591 = vector.extract %reduce_sum3A_590[15] : i32 from vector<16xi32>
      %eq3A_592 = arith.constant 6 : i32
      %eq3A_593 = vector.broadcast %eq3A_592 : i32 to vector<16xi32>
      %eq3A_594 = arith.cmpi eq, %iota3A, %eq3A_593 : vector<16xi32>
      %jit3A_595 = arith.constant 0 : i32
      %broadcast_in_dim3A_596 = vector.broadcast %jit3A_595 : i32 to vector<16xi32>
      %select_n3A_597 = arith.select %eq3A_594, %get3A_28, %broadcast_in_dim3A_596 : vector<16xi1>, vector<16xi32>
      %reduce_sum3A_598 = arith.constant true
      %reduce_sum3A_599 = vector.broadcast %reduce_sum3A_598 : i1 to vector<16xi1>
      %reduce_sum3A_600 = tpu.scan <sum>, %select_n3A_597 masked %reduce_sum3A_599 : vector<16xi32>, vector<16xi1> -> vector<16xi32>
      %reduce_sum3A_601 = vector.extract %reduce_sum3A_600[15] : i32 from vector<16xi32>
      %jit3A_602 = arith.constant 128 : i32
      %div3A_603 = arith.divsi %reduce_sum3A_591, %jit3A_602 : i32
      %sign3A_604 = arith.constant 0 : i32
      %sign3A_605 = arith.cmpi sgt, %reduce_sum3A_591, %sign3A_604 : i32
      %sign3A_606 = arith.extui %sign3A_605 : i1 to i32
      %sign3A_607 = arith.constant 0 : i32
      %sign3A_608 = arith.cmpi slt, %reduce_sum3A_591, %sign3A_607 : i32
      %sign3A_609 = arith.extui %sign3A_608 : i1 to i32
      %sign3A_610 = arith.subi %sign3A_606, %sign3A_609 : i32
      %sign3A_611 = arith.constant 0 : i32
      %sign3A_612 = arith.cmpi sgt, %jit3A_602, %sign3A_611 : i32
      %sign3A_613 = arith.extui %sign3A_612 : i1 to i32
      %sign3A_614 = arith.constant 0 : i32
      %sign3A_615 = arith.cmpi slt, %jit3A_602, %sign3A_614 : i32
      %sign3A_616 = arith.extui %sign3A_615 : i1 to i32
      %sign3A_617 = arith.subi %sign3A_613, %sign3A_616 : i32
      %ne3A_618 = arith.cmpi ne, %sign3A_610, %sign3A_617 : i32
      %rem3A_619 = arith.remsi %reduce_sum3A_591, %jit3A_602 : i32
      %ne3A_620 = arith.constant 0 : i32
      %ne3A_621 = arith.cmpi ne, %rem3A_619, %ne3A_620 : i32
      %and3A_622 = arith.andi %ne3A_618, %ne3A_621 : i1
      %sub3A_623 = arith.constant 1 : i32
      %sub3A_624 = arith.subi %div3A_603, %sub3A_623 : i32
      %select_n3A_625 = arith.select %and3A_622, %sub3A_624, %div3A_603 : i32
      %mul3A_626 = arith.constant 128 : i32
      %mul3A_627 = arith.muli %select_n3A_625, %mul3A_626 : i32
      %multiple_of3A_628 = tpu.assume_multiple %mul3A_627, 128 : i32
      %jit3A_629 = arith.constant 128 : i32
      %div3A_630 = arith.divsi %reduce_sum3A_601, %jit3A_629 : i32
      %sign3A_631 = arith.constant 0 : i32
      %sign3A_632 = arith.cmpi sgt, %reduce_sum3A_601, %sign3A_631 : i32
      %sign3A_633 = arith.extui %sign3A_632 : i1 to i32
      %sign3A_634 = arith.constant 0 : i32
      %sign3A_635 = arith.cmpi slt, %reduce_sum3A_601, %sign3A_634 : i32
      %sign3A_636 = arith.extui %sign3A_635 : i1 to i32
      %sign3A_637 = arith.subi %sign3A_633, %sign3A_636 : i32
      %sign3A_638 = arith.constant 0 : i32
      %sign3A_639 = arith.cmpi sgt, %jit3A_629, %sign3A_638 : i32
      %sign3A_640 = arith.extui %sign3A_639 : i1 to i32
      %sign3A_641 = arith.constant 0 : i32
      %sign3A_642 = arith.cmpi slt, %jit3A_629, %sign3A_641 : i32
      %sign3A_643 = arith.extui %sign3A_642 : i1 to i32
      %sign3A_644 = arith.subi %sign3A_640, %sign3A_643 : i32
      %ne3A_645 = arith.cmpi ne, %sign3A_637, %sign3A_644 : i32
      %rem3A_646 = arith.remsi %reduce_sum3A_601, %jit3A_629 : i32
      %ne3A_647 = arith.constant 0 : i32
      %ne3A_648 = arith.cmpi ne, %rem3A_646, %ne3A_647 : i32
      %and3A_649 = arith.andi %ne3A_645, %ne3A_648 : i1
      %sub3A_650 = arith.constant 1 : i32
      %sub3A_651 = arith.subi %div3A_630, %sub3A_650 : i32
      %select_n3A_652 = arith.select %and3A_649, %sub3A_651, %div3A_630 : i32
      %mul3A_653 = arith.constant 128 : i32
      %mul3A_654 = arith.muli %select_n3A_652, %mul3A_653 : i32
      %multiple_of3A_655 = tpu.assume_multiple %mul3A_654, 128 : i32
      %dma_start3A_656 = arith.constant 180 : i32
      %dma_start3A_657 = arith.constant 0 : i32
      %dma_start3A_658 = tpu.memref_slice %arg10[%dma_start3A_656, %dma_start3A_657] : memref<480x128xf32, #tpu.memory_space<vmem>> -> memref<30x128xf32, #tpu.memory_space<vmem>>
      %dma_start3A_659 = arith.constant 0 : i32
      %dma_start3A_660 = tpu.memref_slice %arg4[%dma_start3A_659, %multiple_of3A_628] : memref<30x1000000xf32, #tpu.memory_space<hbm>> -> memref<30x128xf32, #tpu.memory_space<hbm>>
      %dma_start3A_661 = arith.constant 180 : i32
      %dma_start3A_662 = arith.constant 0 : i32
      %dma_start3A_663 = tpu.memref_slice %arg10[%dma_start3A_661, %dma_start3A_662] : memref<480x128xf32, #tpu.memory_space<vmem>> -> memref<30x128xf32, #tpu.memory_space<vmem>>
      %dma_start3A_664 = arith.constant 0 : i32
      %dma_start3A_665 = tpu.memref_slice %arg4[%dma_start3A_664, %multiple_of3A_628] : memref<30x1000000xf32, #tpu.memory_space<hbm>> -> memref<30x128xf32, #tpu.memory_space<hbm>>
      tpu.enqueue_dma source(%dma_start3A_665 : memref<30x128xf32, #tpu.memory_space<hbm>>) target(%dma_start3A_663 : memref<30x128xf32, #tpu.memory_space<vmem>>) target_semaphore(%arg14 : memref<!tpu.dma_semaphore, #tpu.memory_space<semaphore_mem>>)
      %dma_start3A_666 = arith.constant 60 : i32
      %dma_start3A_667 = arith.constant 0 : i32
      %dma_start3A_668 = tpu.memref_slice %arg11[%dma_start3A_666, %dma_start3A_667] : memref<160x128xf32, #tpu.memory_space<vmem>> -> memref<10x128xf32, #tpu.memory_space<vmem>>
      %dma_start3A_669 = arith.constant 0 : i32
      %dma_start3A_670 = tpu.memref_slice %arg5[%dma_start3A_669, %multiple_of3A_655] : memref<10x100000xf32, #tpu.memory_space<hbm>> -> memref<10x128xf32, #tpu.memory_space<hbm>>
      %dma_start3A_671 = arith.constant 60 : i32
      %dma_start3A_672 = arith.constant 0 : i32
      %dma_start3A_673 = tpu.memref_slice %arg11[%dma_start3A_671, %dma_start3A_672] : memref<160x128xf32, #tpu.memory_space<vmem>> -> memref<10x128xf32, #tpu.memory_space<vmem>>
      %dma_start3A_674 = arith.constant 0 : i32
      %dma_start3A_675 = tpu.memref_slice %arg5[%dma_start3A_674, %multiple_of3A_655] : memref<10x100000xf32, #tpu.memory_space<hbm>> -> memref<10x128xf32, #tpu.memory_space<hbm>>
      tpu.enqueue_dma source(%dma_start3A_675 : memref<10x128xf32, #tpu.memory_space<hbm>>) target(%dma_start3A_673 : memref<10x128xf32, #tpu.memory_space<vmem>>) target_semaphore(%arg15 : memref<!tpu.dma_semaphore, #tpu.memory_space<semaphore_mem>>)
      %eq3A_676 = arith.constant 7 : i32
      %eq3A_677 = vector.broadcast %eq3A_676 : i32 to vector<16xi32>
      %eq3A_678 = arith.cmpi eq, %iota3A, %eq3A_677 : vector<16xi32>
      %jit3A_679 = arith.constant 0 : i32
      %broadcast_in_dim3A_680 = vector.broadcast %jit3A_679 : i32 to vector<16xi32>
      %select_n3A_681 = arith.select %eq3A_678, %get3A_24, %broadcast_in_dim3A_680 : vector<16xi1>, vector<16xi32>
      %reduce_sum3A_682 = arith.constant true
      %reduce_sum3A_683 = vector.broadcast %reduce_sum3A_682 : i1 to vector<16xi1>
      %reduce_sum3A_684 = tpu.scan <sum>, %select_n3A_681 masked %reduce_sum3A_683 : vector<16xi32>, vector<16xi1> -> vector<16xi32>
      %reduce_sum3A_685 = vector.extract %reduce_sum3A_684[15] : i32 from vector<16xi32>
      %eq3A_686 = arith.constant 7 : i32
      %eq3A_687 = vector.broadcast %eq3A_686 : i32 to vector<16xi32>
      %eq3A_688 = arith.cmpi eq, %iota3A, %eq3A_687 : vector<16xi32>
      %jit3A_689 = arith.constant 0 : i32
      %broadcast_in_dim3A_690 = vector.broadcast %jit3A_689 : i32 to vector<16xi32>
      %select_n3A_691 = arith.select %eq3A_688, %get3A_28, %broadcast_in_dim3A_690 : vector<16xi1>, vector<16xi32>
      %reduce_sum3A_692 = arith.constant true
      %reduce_sum3A_693 = vector.broadcast %reduce_sum3A_692 : i1 to vector<16xi1>
      %reduce_sum3A_694 = tpu.scan <sum>, %select_n3A_691 masked %reduce_sum3A_693 : vector<16xi32>, vector<16xi1> -> vector<16xi32>
      %reduce_sum3A_695 = vector.extract %reduce_sum3A_694[15] : i32 from vector<16xi32>
      %jit3A_696 = arith.constant 128 : i32
      %div3A_697 = arith.divsi %reduce_sum3A_685, %jit3A_696 : i32
      %sign3A_698 = arith.constant 0 : i32
      %sign3A_699 = arith.cmpi sgt, %reduce_sum3A_685, %sign3A_698 : i32
      %sign3A_700 = arith.extui %sign3A_699 : i1 to i32
      %sign3A_701 = arith.constant 0 : i32
      %sign3A_702 = arith.cmpi slt, %reduce_sum3A_685, %sign3A_701 : i32
      %sign3A_703 = arith.extui %sign3A_702 : i1 to i32
      %sign3A_704 = arith.subi %sign3A_700, %sign3A_703 : i32
      %sign3A_705 = arith.constant 0 : i32
      %sign3A_706 = arith.cmpi sgt, %jit3A_696, %sign3A_705 : i32
      %sign3A_707 = arith.extui %sign3A_706 : i1 to i32
      %sign3A_708 = arith.constant 0 : i32
      %sign3A_709 = arith.cmpi slt, %jit3A_696, %sign3A_708 : i32
      %sign3A_710 = arith.extui %sign3A_709 : i1 to i32
      %sign3A_711 = arith.subi %sign3A_707, %sign3A_710 : i32
      %ne3A_712 = arith.cmpi ne, %sign3A_704, %sign3A_711 : i32
      %rem3A_713 = arith.remsi %reduce_sum3A_685, %jit3A_696 : i32
      %ne3A_714 = arith.constant 0 : i32
      %ne3A_715 = arith.cmpi ne, %rem3A_713, %ne3A_714 : i32
      %and3A_716 = arith.andi %ne3A_712, %ne3A_715 : i1
      %sub3A_717 = arith.constant 1 : i32
      %sub3A_718 = arith.subi %div3A_697, %sub3A_717 : i32
      %select_n3A_719 = arith.select %and3A_716, %sub3A_718, %div3A_697 : i32
      %mul3A_720 = arith.constant 128 : i32
      %mul3A_721 = arith.muli %select_n3A_719, %mul3A_720 : i32
      %multiple_of3A_722 = tpu.assume_multiple %mul3A_721, 128 : i32
      %jit3A_723 = arith.constant 128 : i32
      %div3A_724 = arith.divsi %reduce_sum3A_695, %jit3A_723 : i32
      %sign3A_725 = arith.constant 0 : i32
      %sign3A_726 = arith.cmpi sgt, %reduce_sum3A_695, %sign3A_725 : i32
      %sign3A_727 = arith.extui %sign3A_726 : i1 to i32
      %sign3A_728 = arith.constant 0 : i32
      %sign3A_729 = arith.cmpi slt, %reduce_sum3A_695, %sign3A_728 : i32
      %sign3A_730 = arith.extui %sign3A_729 : i1 to i32
      %sign3A_731 = arith.subi %sign3A_727, %sign3A_730 : i32
      %sign3A_732 = arith.constant 0 : i32
      %sign3A_733 = arith.cmpi sgt, %jit3A_723, %sign3A_732 : i32
      %sign3A_734 = arith.extui %sign3A_733 : i1 to i32
      %sign3A_735 = arith.constant 0 : i32
      %sign3A_736 = arith.cmpi slt, %jit3A_723, %sign3A_735 : i32
      %sign3A_737 = arith.extui %sign3A_736 : i1 to i32
      %sign3A_738 = arith.subi %sign3A_734, %sign3A_737 : i32
      %ne3A_739 = arith.cmpi ne, %sign3A_731, %sign3A_738 : i32
      %rem3A_740 = arith.remsi %reduce_sum3A_695, %jit3A_723 : i32
      %ne3A_741 = arith.constant 0 : i32
      %ne3A_742 = arith.cmpi ne, %rem3A_740, %ne3A_741 : i32
      %and3A_743 = arith.andi %ne3A_739, %ne3A_742 : i1
      %sub3A_744 = arith.constant 1 : i32
      %sub3A_745 = arith.subi %div3A_724, %sub3A_744 : i32
      %select_n3A_746 = arith.select %and3A_743, %sub3A_745, %div3A_724 : i32
      %mul3A_747 = arith.constant 128 : i32
      %mul3A_748 = arith.muli %select_n3A_746, %mul3A_747 : i32
      %multiple_of3A_749 = tpu.assume_multiple %mul3A_748, 128 : i32
      %dma_start3A_750 = arith.constant 210 : i32
      %dma_start3A_751 = arith.constant 0 : i32
      %dma_start3A_752 = tpu.memref_slice %arg10[%dma_start3A_750, %dma_start3A_751] : memref<480x128xf32, #tpu.memory_space<vmem>> -> memref<30x128xf32, #tpu.memory_space<vmem>>
      %dma_start3A_753 = arith.constant 0 : i32
      %dma_start3A_754 = tpu.memref_slice %arg4[%dma_start3A_753, %multiple_of3A_722] : memref<30x1000000xf32, #tpu.memory_space<hbm>> -> memref<30x128xf32, #tpu.memory_space<hbm>>
      %dma_start3A_755 = arith.constant 210 : i32
      %dma_start3A_756 = arith.constant 0 : i32
      %dma_start3A_757 = tpu.memref_slice %arg10[%dma_start3A_755, %dma_start3A_756] : memref<480x128xf32, #tpu.memory_space<vmem>> -> memref<30x128xf32, #tpu.memory_space<vmem>>
      %dma_start3A_758 = arith.constant 0 : i32
      %dma_start3A_759 = tpu.memref_slice %arg4[%dma_start3A_758, %multiple_of3A_722] : memref<30x1000000xf32, #tpu.memory_space<hbm>> -> memref<30x128xf32, #tpu.memory_space<hbm>>
      tpu.enqueue_dma source(%dma_start3A_759 : memref<30x128xf32, #tpu.memory_space<hbm>>) target(%dma_start3A_757 : memref<30x128xf32, #tpu.memory_space<vmem>>) target_semaphore(%arg14 : memref<!tpu.dma_semaphore, #tpu.memory_space<semaphore_mem>>)
      %dma_start3A_760 = arith.constant 70 : i32
      %dma_start3A_761 = arith.constant 0 : i32
      %dma_start3A_762 = tpu.memref_slice %arg11[%dma_start3A_760, %dma_start3A_761] : memref<160x128xf32, #tpu.memory_space<vmem>> -> memref<10x128xf32, #tpu.memory_space<vmem>>
      %dma_start3A_763 = arith.constant 0 : i32
      %dma_start3A_764 = tpu.memref_slice %arg5[%dma_start3A_763, %multiple_of3A_749] : memref<10x100000xf32, #tpu.memory_space<hbm>> -> memref<10x128xf32, #tpu.memory_space<hbm>>
      %dma_start3A_765 = arith.constant 70 : i32
      %dma_start3A_766 = arith.constant 0 : i32
      %dma_start3A_767 = tpu.memref_slice %arg11[%dma_start3A_765, %dma_start3A_766] : memref<160x128xf32, #tpu.memory_space<vmem>> -> memref<10x128xf32, #tpu.memory_space<vmem>>
      %dma_start3A_768 = arith.constant 0 : i32
      %dma_start3A_769 = tpu.memref_slice %arg5[%dma_start3A_768, %multiple_of3A_749] : memref<10x100000xf32, #tpu.memory_space<hbm>> -> memref<10x128xf32, #tpu.memory_space<hbm>>
      tpu.enqueue_dma source(%dma_start3A_769 : memref<10x128xf32, #tpu.memory_space<hbm>>) target(%dma_start3A_767 : memref<10x128xf32, #tpu.memory_space<vmem>>) target_semaphore(%arg15 : memref<!tpu.dma_semaphore, #tpu.memory_space<semaphore_mem>>)
      %eq3A_770 = arith.constant 8 : i32
      %eq3A_771 = vector.broadcast %eq3A_770 : i32 to vector<16xi32>
      %eq3A_772 = arith.cmpi eq, %iota3A, %eq3A_771 : vector<16xi32>
      %jit3A_773 = arith.constant 0 : i32
      %broadcast_in_dim3A_774 = vector.broadcast %jit3A_773 : i32 to vector<16xi32>
      %select_n3A_775 = arith.select %eq3A_772, %get3A_24, %broadcast_in_dim3A_774 : vector<16xi1>, vector<16xi32>
      %reduce_sum3A_776 = arith.constant true
      %reduce_sum3A_777 = vector.broadcast %reduce_sum3A_776 : i1 to vector<16xi1>
      %reduce_sum3A_778 = tpu.scan <sum>, %select_n3A_775 masked %reduce_sum3A_777 : vector<16xi32>, vector<16xi1> -> vector<16xi32>
      %reduce_sum3A_779 = vector.extract %reduce_sum3A_778[15] : i32 from vector<16xi32>
      %eq3A_780 = arith.constant 8 : i32
      %eq3A_781 = vector.broadcast %eq3A_780 : i32 to vector<16xi32>
      %eq3A_782 = arith.cmpi eq, %iota3A, %eq3A_781 : vector<16xi32>
      %jit3A_783 = arith.constant 0 : i32
      %broadcast_in_dim3A_784 = vector.broadcast %jit3A_783 : i32 to vector<16xi32>
      %select_n3A_785 = arith.select %eq3A_782, %get3A_28, %broadcast_in_dim3A_784 : vector<16xi1>, vector<16xi32>
      %reduce_sum3A_786 = arith.constant true
      %reduce_sum3A_787 = vector.broadcast %reduce_sum3A_786 : i1 to vector<16xi1>
      %reduce_sum3A_788 = tpu.scan <sum>, %select_n3A_785 masked %reduce_sum3A_787 : vector<16xi32>, vector<16xi1> -> vector<16xi32>
      %reduce_sum3A_789 = vector.extract %reduce_sum3A_788[15] : i32 from vector<16xi32>
      %jit3A_790 = arith.constant 128 : i32
      %div3A_791 = arith.divsi %reduce_sum3A_779, %jit3A_790 : i32
      %sign3A_792 = arith.constant 0 : i32
      %sign3A_793 = arith.cmpi sgt, %reduce_sum3A_779, %sign3A_792 : i32
      %sign3A_794 = arith.extui %sign3A_793 : i1 to i32
      %sign3A_795 = arith.constant 0 : i32
      %sign3A_796 = arith.cmpi slt, %reduce_sum3A_779, %sign3A_795 : i32
      %sign3A_797 = arith.extui %sign3A_796 : i1 to i32
      %sign3A_798 = arith.subi %sign3A_794, %sign3A_797 : i32
      %sign3A_799 = arith.constant 0 : i32
      %sign3A_800 = arith.cmpi sgt, %jit3A_790, %sign3A_799 : i32
      %sign3A_801 = arith.extui %sign3A_800 : i1 to i32
      %sign3A_802 = arith.constant 0 : i32
      %sign3A_803 = arith.cmpi slt, %jit3A_790, %sign3A_802 : i32
      %sign3A_804 = arith.extui %sign3A_803 : i1 to i32
      %sign3A_805 = arith.subi %sign3A_801, %sign3A_804 : i32
      %ne3A_806 = arith.cmpi ne, %sign3A_798, %sign3A_805 : i32
      %rem3A_807 = arith.remsi %reduce_sum3A_779, %jit3A_790 : i32
      %ne3A_808 = arith.constant 0 : i32
      %ne3A_809 = arith.cmpi ne, %rem3A_807, %ne3A_808 : i32
      %and3A_810 = arith.andi %ne3A_806, %ne3A_809 : i1
      %sub3A_811 = arith.constant 1 : i32
      %sub3A_812 = arith.subi %div3A_791, %sub3A_811 : i32
      %select_n3A_813 = arith.select %and3A_810, %sub3A_812, %div3A_791 : i32
      %mul3A_814 = arith.constant 128 : i32
      %mul3A_815 = arith.muli %select_n3A_813, %mul3A_814 : i32
      %multiple_of3A_816 = tpu.assume_multiple %mul3A_815, 128 : i32
      %jit3A_817 = arith.constant 128 : i32
      %div3A_818 = arith.divsi %reduce_sum3A_789, %jit3A_817 : i32
      %sign3A_819 = arith.constant 0 : i32
      %sign3A_820 = arith.cmpi sgt, %reduce_sum3A_789, %sign3A_819 : i32
      %sign3A_821 = arith.extui %sign3A_820 : i1 to i32
      %sign3A_822 = arith.constant 0 : i32
      %sign3A_823 = arith.cmpi slt, %reduce_sum3A_789, %sign3A_822 : i32
      %sign3A_824 = arith.extui %sign3A_823 : i1 to i32
      %sign3A_825 = arith.subi %sign3A_821, %sign3A_824 : i32
      %sign3A_826 = arith.constant 0 : i32
      %sign3A_827 = arith.cmpi sgt, %jit3A_817, %sign3A_826 : i32
      %sign3A_828 = arith.extui %sign3A_827 : i1 to i32
      %sign3A_829 = arith.constant 0 : i32
      %sign3A_830 = arith.cmpi slt, %jit3A_817, %sign3A_829 : i32
      %sign3A_831 = arith.extui %sign3A_830 : i1 to i32
      %sign3A_832 = arith.subi %sign3A_828, %sign3A_831 : i32
      %ne3A_833 = arith.cmpi ne, %sign3A_825, %sign3A_832 : i32
      %rem3A_834 = arith.remsi %reduce_sum3A_789, %jit3A_817 : i32
      %ne3A_835 = arith.constant 0 : i32
      %ne3A_836 = arith.cmpi ne, %rem3A_834, %ne3A_835 : i32
      %and3A_837 = arith.andi %ne3A_833, %ne3A_836 : i1
      %sub3A_838 = arith.constant 1 : i32
      %sub3A_839 = arith.subi %div3A_818, %sub3A_838 : i32
      %select_n3A_840 = arith.select %and3A_837, %sub3A_839, %div3A_818 : i32
      %mul3A_841 = arith.constant 128 : i32
      %mul3A_842 = arith.muli %select_n3A_840, %mul3A_841 : i32
      %multiple_of3A_843 = tpu.assume_multiple %mul3A_842, 128 : i32
      %dma_start3A_844 = arith.constant 240 : i32
      %dma_start3A_845 = arith.constant 0 : i32
      %dma_start3A_846 = tpu.memref_slice %arg10[%dma_start3A_844, %dma_start3A_845] : memref<480x128xf32, #tpu.memory_space<vmem>> -> memref<30x128xf32, #tpu.memory_space<vmem>>
      %dma_start3A_847 = arith.constant 0 : i32
      %dma_start3A_848 = tpu.memref_slice %arg4[%dma_start3A_847, %multiple_of3A_816] : memref<30x1000000xf32, #tpu.memory_space<hbm>> -> memref<30x128xf32, #tpu.memory_space<hbm>>
      %dma_start3A_849 = arith.constant 240 : i32
      %dma_start3A_850 = arith.constant 0 : i32
      %dma_start3A_851 = tpu.memref_slice %arg10[%dma_start3A_849, %dma_start3A_850] : memref<480x128xf32, #tpu.memory_space<vmem>> -> memref<30x128xf32, #tpu.memory_space<vmem>>
      %dma_start3A_852 = arith.constant 0 : i32
      %dma_start3A_853 = tpu.memref_slice %arg4[%dma_start3A_852, %multiple_of3A_816] : memref<30x1000000xf32, #tpu.memory_space<hbm>> -> memref<30x128xf32, #tpu.memory_space<hbm>>
      tpu.enqueue_dma source(%dma_start3A_853 : memref<30x128xf32, #tpu.memory_space<hbm>>) target(%dma_start3A_851 : memref<30x128xf32, #tpu.memory_space<vmem>>) target_semaphore(%arg14 : memref<!tpu.dma_semaphore, #tpu.memory_space<semaphore_mem>>)
      %dma_start3A_854 = arith.constant 80 : i32
      %dma_start3A_855 = arith.constant 0 : i32
      %dma_start3A_856 = tpu.memref_slice %arg11[%dma_start3A_854, %dma_start3A_855] : memref<160x128xf32, #tpu.memory_space<vmem>> -> memref<10x128xf32, #tpu.memory_space<vmem>>
      %dma_start3A_857 = arith.constant 0 : i32
      %dma_start3A_858 = tpu.memref_slice %arg5[%dma_start3A_857, %multiple_of3A_843] : memref<10x100000xf32, #tpu.memory_space<hbm>> -> memref<10x128xf32, #tpu.memory_space<hbm>>
      %dma_start3A_859 = arith.constant 80 : i32
      %dma_start3A_860 = arith.constant 0 : i32
      %dma_start3A_861 = tpu.memref_slice %arg11[%dma_start3A_859, %dma_start3A_860] : memref<160x128xf32, #tpu.memory_space<vmem>> -> memref<10x128xf32, #tpu.memory_space<vmem>>
      %dma_start3A_862 = arith.constant 0 : i32
      %dma_start3A_863 = tpu.memref_slice %arg5[%dma_start3A_862, %multiple_of3A_843] : memref<10x100000xf32, #tpu.memory_space<hbm>> -> memref<10x128xf32, #tpu.memory_space<hbm>>
      tpu.enqueue_dma source(%dma_start3A_863 : memref<10x128xf32, #tpu.memory_space<hbm>>) target(%dma_start3A_861 : memref<10x128xf32, #tpu.memory_space<vmem>>) target_semaphore(%arg15 : memref<!tpu.dma_semaphore, #tpu.memory_space<semaphore_mem>>)
      %eq3A_864 = arith.constant 9 : i32
      %eq3A_865 = vector.broadcast %eq3A_864 : i32 to vector<16xi32>
      %eq3A_866 = arith.cmpi eq, %iota3A, %eq3A_865 : vector<16xi32>
      %jit3A_867 = arith.constant 0 : i32
      %broadcast_in_dim3A_868 = vector.broadcast %jit3A_867 : i32 to vector<16xi32>
      %select_n3A_869 = arith.select %eq3A_866, %get3A_24, %broadcast_in_dim3A_868 : vector<16xi1>, vector<16xi32>
      %reduce_sum3A_870 = arith.constant true
      %reduce_sum3A_871 = vector.broadcast %reduce_sum3A_870 : i1 to vector<16xi1>
      %reduce_sum3A_872 = tpu.scan <sum>, %select_n3A_869 masked %reduce_sum3A_871 : vector<16xi32>, vector<16xi1> -> vector<16xi32>
      %reduce_sum3A_873 = vector.extract %reduce_sum3A_872[15] : i32 from vector<16xi32>
      %eq3A_874 = arith.constant 9 : i32
      %eq3A_875 = vector.broadcast %eq3A_874 : i32 to vector<16xi32>
      %eq3A_876 = arith.cmpi eq, %iota3A, %eq3A_875 : vector<16xi32>
      %jit3A_877 = arith.constant 0 : i32
      %broadcast_in_dim3A_878 = vector.broadcast %jit3A_877 : i32 to vector<16xi32>
      %select_n3A_879 = arith.select %eq3A_876, %get3A_28, %broadcast_in_dim3A_878 : vector<16xi1>, vector<16xi32>
      %reduce_sum3A_880 = arith.constant true
      %reduce_sum3A_881 = vector.broadcast %reduce_sum3A_880 : i1 to vector<16xi1>
      %reduce_sum3A_882 = tpu.scan <sum>, %select_n3A_879 masked %reduce_sum3A_881 : vector<16xi32>, vector<16xi1> -> vector<16xi32>
      %reduce_sum3A_883 = vector.extract %reduce_sum3A_882[15] : i32 from vector<16xi32>
      %jit3A_884 = arith.constant 128 : i32
      %div3A_885 = arith.divsi %reduce_sum3A_873, %jit3A_884 : i32
      %sign3A_886 = arith.constant 0 : i32
      %sign3A_887 = arith.cmpi sgt, %reduce_sum3A_873, %sign3A_886 : i32
      %sign3A_888 = arith.extui %sign3A_887 : i1 to i32
      %sign3A_889 = arith.constant 0 : i32
      %sign3A_890 = arith.cmpi slt, %reduce_sum3A_873, %sign3A_889 : i32
      %sign3A_891 = arith.extui %sign3A_890 : i1 to i32
      %sign3A_892 = arith.subi %sign3A_888, %sign3A_891 : i32
      %sign3A_893 = arith.constant 0 : i32
      %sign3A_894 = arith.cmpi sgt, %jit3A_884, %sign3A_893 : i32
      %sign3A_895 = arith.extui %sign3A_894 : i1 to i32
      %sign3A_896 = arith.constant 0 : i32
      %sign3A_897 = arith.cmpi slt, %jit3A_884, %sign3A_896 : i32
      %sign3A_898 = arith.extui %sign3A_897 : i1 to i32
      %sign3A_899 = arith.subi %sign3A_895, %sign3A_898 : i32
      %ne3A_900 = arith.cmpi ne, %sign3A_892, %sign3A_899 : i32
      %rem3A_901 = arith.remsi %reduce_sum3A_873, %jit3A_884 : i32
      %ne3A_902 = arith.constant 0 : i32
      %ne3A_903 = arith.cmpi ne, %rem3A_901, %ne3A_902 : i32
      %and3A_904 = arith.andi %ne3A_900, %ne3A_903 : i1
      %sub3A_905 = arith.constant 1 : i32
      %sub3A_906 = arith.subi %div3A_885, %sub3A_905 : i32
      %select_n3A_907 = arith.select %and3A_904, %sub3A_906, %div3A_885 : i32
      %mul3A_908 = arith.constant 128 : i32
      %mul3A_909 = arith.muli %select_n3A_907, %mul3A_908 : i32
      %multiple_of3A_910 = tpu.assume_multiple %mul3A_909, 128 : i32
      %jit3A_911 = arith.constant 128 : i32
      %div3A_912 = arith.divsi %reduce_sum3A_883, %jit3A_911 : i32
      %sign3A_913 = arith.constant 0 : i32
      %sign3A_914 = arith.cmpi sgt, %reduce_sum3A_883, %sign3A_913 : i32
      %sign3A_915 = arith.extui %sign3A_914 : i1 to i32
      %sign3A_916 = arith.constant 0 : i32
      %sign3A_917 = arith.cmpi slt, %reduce_sum3A_883, %sign3A_916 : i32
      %sign3A_918 = arith.extui %sign3A_917 : i1 to i32
      %sign3A_919 = arith.subi %sign3A_915, %sign3A_918 : i32
      %sign3A_920 = arith.constant 0 : i32
      %sign3A_921 = arith.cmpi sgt, %jit3A_911, %sign3A_920 : i32
      %sign3A_922 = arith.extui %sign3A_921 : i1 to i32
      %sign3A_923 = arith.constant 0 : i32
      %sign3A_924 = arith.cmpi slt, %jit3A_911, %sign3A_923 : i32
      %sign3A_925 = arith.extui %sign3A_924 : i1 to i32
      %sign3A_926 = arith.subi %sign3A_922, %sign3A_925 : i32
      %ne3A_927 = arith.cmpi ne, %sign3A_919, %sign3A_926 : i32
      %rem3A_928 = arith.remsi %reduce_sum3A_883, %jit3A_911 : i32
      %ne3A_929 = arith.constant 0 : i32
      %ne3A_930 = arith.cmpi ne, %rem3A_928, %ne3A_929 : i32
      %and3A_931 = arith.andi %ne3A_927, %ne3A_930 : i1
      %sub3A_932 = arith.constant 1 : i32
      %sub3A_933 = arith.subi %div3A_912, %sub3A_932 : i32
      %select_n3A_934 = arith.select %and3A_931, %sub3A_933, %div3A_912 : i32
      %mul3A_935 = arith.constant 128 : i32
      %mul3A_936 = arith.muli %select_n3A_934, %mul3A_935 : i32
      %multiple_of3A_937 = tpu.assume_multiple %mul3A_936, 128 : i32
      %dma_start3A_938 = arith.constant 270 : i32
      %dma_start3A_939 = arith.constant 0 : i32
      %dma_start3A_940 = tpu.memref_slice %arg10[%dma_start3A_938, %dma_start3A_939] : memref<480x128xf32, #tpu.memory_space<vmem>> -> memref<30x128xf32, #tpu.memory_space<vmem>>
      %dma_start3A_941 = arith.constant 0 : i32
      %dma_start3A_942 = tpu.memref_slice %arg4[%dma_start3A_941, %multiple_of3A_910] : memref<30x1000000xf32, #tpu.memory_space<hbm>> -> memref<30x128xf32, #tpu.memory_space<hbm>>
      %dma_start3A_943 = arith.constant 270 : i32
      %dma_start3A_944 = arith.constant 0 : i32
      %dma_start3A_945 = tpu.memref_slice %arg10[%dma_start3A_943, %dma_start3A_944] : memref<480x128xf32, #tpu.memory_space<vmem>> -> memref<30x128xf32, #tpu.memory_space<vmem>>
      %dma_start3A_946 = arith.constant 0 : i32
      %dma_start3A_947 = tpu.memref_slice %arg4[%dma_start3A_946, %multiple_of3A_910] : memref<30x1000000xf32, #tpu.memory_space<hbm>> -> memref<30x128xf32, #tpu.memory_space<hbm>>
      tpu.enqueue_dma source(%dma_start3A_947 : memref<30x128xf32, #tpu.memory_space<hbm>>) target(%dma_start3A_945 : memref<30x128xf32, #tpu.memory_space<vmem>>) target_semaphore(%arg14 : memref<!tpu.dma_semaphore, #tpu.memory_space<semaphore_mem>>)
      %dma_start3A_948 = arith.constant 90 : i32
      %dma_start3A_949 = arith.constant 0 : i32
      %dma_start3A_950 = tpu.memref_slice %arg11[%dma_start3A_948, %dma_start3A_949] : memref<160x128xf32, #tpu.memory_space<vmem>> -> memref<10x128xf32, #tpu.memory_space<vmem>>
      %dma_start3A_951 = arith.constant 0 : i32
      %dma_start3A_952 = tpu.memref_slice %arg5[%dma_start3A_951, %multiple_of3A_937] : memref<10x100000xf32, #tpu.memory_space<hbm>> -> memref<10x128xf32, #tpu.memory_space<hbm>>
      %dma_start3A_953 = arith.constant 90 : i32
      %dma_start3A_954 = arith.constant 0 : i32
      %dma_start3A_955 = tpu.memref_slice %arg11[%dma_start3A_953, %dma_start3A_954] : memref<160x128xf32, #tpu.memory_space<vmem>> -> memref<10x128xf32, #tpu.memory_space<vmem>>
      %dma_start3A_956 = arith.constant 0 : i32
      %dma_start3A_957 = tpu.memref_slice %arg5[%dma_start3A_956, %multiple_of3A_937] : memref<10x100000xf32, #tpu.memory_space<hbm>> -> memref<10x128xf32, #tpu.memory_space<hbm>>
      tpu.enqueue_dma source(%dma_start3A_957 : memref<10x128xf32, #tpu.memory_space<hbm>>) target(%dma_start3A_955 : memref<10x128xf32, #tpu.memory_space<vmem>>) target_semaphore(%arg15 : memref<!tpu.dma_semaphore, #tpu.memory_space<semaphore_mem>>)
      %eq3A_958 = arith.constant 10 : i32
      %eq3A_959 = vector.broadcast %eq3A_958 : i32 to vector<16xi32>
      %eq3A_960 = arith.cmpi eq, %iota3A, %eq3A_959 : vector<16xi32>
      %jit3A_961 = arith.constant 0 : i32
      %broadcast_in_dim3A_962 = vector.broadcast %jit3A_961 : i32 to vector<16xi32>
      %select_n3A_963 = arith.select %eq3A_960, %get3A_24, %broadcast_in_dim3A_962 : vector<16xi1>, vector<16xi32>
      %reduce_sum3A_964 = arith.constant true
      %reduce_sum3A_965 = vector.broadcast %reduce_sum3A_964 : i1 to vector<16xi1>
      %reduce_sum3A_966 = tpu.scan <sum>, %select_n3A_963 masked %reduce_sum3A_965 : vector<16xi32>, vector<16xi1> -> vector<16xi32>
      %reduce_sum3A_967 = vector.extract %reduce_sum3A_966[15] : i32 from vector<16xi32>
      %eq3A_968 = arith.constant 10 : i32
      %eq3A_969 = vector.broadcast %eq3A_968 : i32 to vector<16xi32>
      %eq3A_970 = arith.cmpi eq, %iota3A, %eq3A_969 : vector<16xi32>
      %jit3A_971 = arith.constant 0 : i32
      %broadcast_in_dim3A_972 = vector.broadcast %jit3A_971 : i32 to vector<16xi32>
      %select_n3A_973 = arith.select %eq3A_970, %get3A_28, %broadcast_in_dim3A_972 : vector<16xi1>, vector<16xi32>
      %reduce_sum3A_974 = arith.constant true
      %reduce_sum3A_975 = vector.broadcast %reduce_sum3A_974 : i1 to vector<16xi1>
      %reduce_sum3A_976 = tpu.scan <sum>, %select_n3A_973 masked %reduce_sum3A_975 : vector<16xi32>, vector<16xi1> -> vector<16xi32>
      %reduce_sum3A_977 = vector.extract %reduce_sum3A_976[15] : i32 from vector<16xi32>
      %jit3A_978 = arith.constant 128 : i32
      %div3A_979 = arith.divsi %reduce_sum3A_967, %jit3A_978 : i32
      %sign3A_980 = arith.constant 0 : i32
      %sign3A_981 = arith.cmpi sgt, %reduce_sum3A_967, %sign3A_980 : i32
      %sign3A_982 = arith.extui %sign3A_981 : i1 to i32
      %sign3A_983 = arith.constant 0 : i32
      %sign3A_984 = arith.cmpi slt, %reduce_sum3A_967, %sign3A_983 : i32
      %sign3A_985 = arith.extui %sign3A_984 : i1 to i32
      %sign3A_986 = arith.subi %sign3A_982, %sign3A_985 : i32
      %sign3A_987 = arith.constant 0 : i32
      %sign3A_988 = arith.cmpi sgt, %jit3A_978, %sign3A_987 : i32
      %sign3A_989 = arith.extui %sign3A_988 : i1 to i32
      %sign3A_990 = arith.constant 0 : i32
      %sign3A_991 = arith.cmpi slt, %jit3A_978, %sign3A_990 : i32
      %sign3A_992 = arith.extui %sign3A_991 : i1 to i32
      %sign3A_993 = arith.subi %sign3A_989, %sign3A_992 : i32
      %ne3A_994 = arith.cmpi ne, %sign3A_986, %sign3A_993 : i32
      %rem3A_995 = arith.remsi %reduce_sum3A_967, %jit3A_978 : i32
      %ne3A_996 = arith.constant 0 : i32
      %ne3A_997 = arith.cmpi ne, %rem3A_995, %ne3A_996 : i32
      %and3A_998 = arith.andi %ne3A_994, %ne3A_997 : i1
      %sub3A_999 = arith.constant 1 : i32
      %sub3A_1000 = arith.subi %div3A_979, %sub3A_999 : i32
      %select_n3A_1001 = arith.select %and3A_998, %sub3A_1000, %div3A_979 : i32
      %mul3A_1002 = arith.constant 128 : i32
      %mul3A_1003 = arith.muli %select_n3A_1001, %mul3A_1002 : i32
      %multiple_of3A_1004 = tpu.assume_multiple %mul3A_1003, 128 : i32
      %jit3A_1005 = arith.constant 128 : i32
      %div3A_1006 = arith.divsi %reduce_sum3A_977, %jit3A_1005 : i32
      %sign3A_1007 = arith.constant 0 : i32
      %sign3A_1008 = arith.cmpi sgt, %reduce_sum3A_977, %sign3A_1007 : i32
      %sign3A_1009 = arith.extui %sign3A_1008 : i1 to i32
      %sign3A_1010 = arith.constant 0 : i32
      %sign3A_1011 = arith.cmpi slt, %reduce_sum3A_977, %sign3A_1010 : i32
      %sign3A_1012 = arith.extui %sign3A_1011 : i1 to i32
      %sign3A_1013 = arith.subi %sign3A_1009, %sign3A_1012 : i32
      %sign3A_1014 = arith.constant 0 : i32
      %sign3A_1015 = arith.cmpi sgt, %jit3A_1005, %sign3A_1014 : i32
      %sign3A_1016 = arith.extui %sign3A_1015 : i1 to i32
      %sign3A_1017 = arith.constant 0 : i32
      %sign3A_1018 = arith.cmpi slt, %jit3A_1005, %sign3A_1017 : i32
      %sign3A_1019 = arith.extui %sign3A_1018 : i1 to i32
      %sign3A_1020 = arith.subi %sign3A_1016, %sign3A_1019 : i32
      %ne3A_1021 = arith.cmpi ne, %sign3A_1013, %sign3A_1020 : i32
      %rem3A_1022 = arith.remsi %reduce_sum3A_977, %jit3A_1005 : i32
      %ne3A_1023 = arith.constant 0 : i32
      %ne3A_1024 = arith.cmpi ne, %rem3A_1022, %ne3A_1023 : i32
      %and3A_1025 = arith.andi %ne3A_1021, %ne3A_1024 : i1
      %sub3A_1026 = arith.constant 1 : i32
      %sub3A_1027 = arith.subi %div3A_1006, %sub3A_1026 : i32
      %select_n3A_1028 = arith.select %and3A_1025, %sub3A_1027, %div3A_1006 : i32
      %mul3A_1029 = arith.constant 128 : i32
      %mul3A_1030 = arith.muli %select_n3A_1028, %mul3A_1029 : i32
      %multiple_of3A_1031 = tpu.assume_multiple %mul3A_1030, 128 : i32
      %dma_start3A_1032 = arith.constant 300 : i32
      %dma_start3A_1033 = arith.constant 0 : i32
      %dma_start3A_1034 = tpu.memref_slice %arg10[%dma_start3A_1032, %dma_start3A_1033] : memref<480x128xf32, #tpu.memory_space<vmem>> -> memref<30x128xf32, #tpu.memory_space<vmem>>
      %dma_start3A_1035 = arith.constant 0 : i32
      %dma_start3A_1036 = tpu.memref_slice %arg4[%dma_start3A_1035, %multiple_of3A_1004] : memref<30x1000000xf32, #tpu.memory_space<hbm>> -> memref<30x128xf32, #tpu.memory_space<hbm>>
      %dma_start3A_1037 = arith.constant 300 : i32
      %dma_start3A_1038 = arith.constant 0 : i32
      %dma_start3A_1039 = tpu.memref_slice %arg10[%dma_start3A_1037, %dma_start3A_1038] : memref<480x128xf32, #tpu.memory_space<vmem>> -> memref<30x128xf32, #tpu.memory_space<vmem>>
      %dma_start3A_1040 = arith.constant 0 : i32
      %dma_start3A_1041 = tpu.memref_slice %arg4[%dma_start3A_1040, %multiple_of3A_1004] : memref<30x1000000xf32, #tpu.memory_space<hbm>> -> memref<30x128xf32, #tpu.memory_space<hbm>>
      tpu.enqueue_dma source(%dma_start3A_1041 : memref<30x128xf32, #tpu.memory_space<hbm>>) target(%dma_start3A_1039 : memref<30x128xf32, #tpu.memory_space<vmem>>) target_semaphore(%arg14 : memref<!tpu.dma_semaphore, #tpu.memory_space<semaphore_mem>>)
      %dma_start3A_1042 = arith.constant 100 : i32
      %dma_start3A_1043 = arith.constant 0 : i32
      %dma_start3A_1044 = tpu.memref_slice %arg11[%dma_start3A_1042, %dma_start3A_1043] : memref<160x128xf32, #tpu.memory_space<vmem>> -> memref<10x128xf32, #tpu.memory_space<vmem>>
      %dma_start3A_1045 = arith.constant 0 : i32
      %dma_start3A_1046 = tpu.memref_slice %arg5[%dma_start3A_1045, %multiple_of3A_1031] : memref<10x100000xf32, #tpu.memory_space<hbm>> -> memref<10x128xf32, #tpu.memory_space<hbm>>
      %dma_start3A_1047 = arith.constant 100 : i32
      %dma_start3A_1048 = arith.constant 0 : i32
      %dma_start3A_1049 = tpu.memref_slice %arg11[%dma_start3A_1047, %dma_start3A_1048] : memref<160x128xf32, #tpu.memory_space<vmem>> -> memref<10x128xf32, #tpu.memory_space<vmem>>
      %dma_start3A_1050 = arith.constant 0 : i32
      %dma_start3A_1051 = tpu.memref_slice %arg5[%dma_start3A_1050, %multiple_of3A_1031] : memref<10x100000xf32, #tpu.memory_space<hbm>> -> memref<10x128xf32, #tpu.memory_space<hbm>>
      tpu.enqueue_dma source(%dma_start3A_1051 : memref<10x128xf32, #tpu.memory_space<hbm>>) target(%dma_start3A_1049 : memref<10x128xf32, #tpu.memory_space<vmem>>) target_semaphore(%arg15 : memref<!tpu.dma_semaphore, #tpu.memory_space<semaphore_mem>>)
      %eq3A_1052 = arith.constant 11 : i32
      %eq3A_1053 = vector.broadcast %eq3A_1052 : i32 to vector<16xi32>
      %eq3A_1054 = arith.cmpi eq, %iota3A, %eq3A_1053 : vector<16xi32>
      %jit3A_1055 = arith.constant 0 : i32
      %broadcast_in_dim3A_1056 = vector.broadcast %jit3A_1055 : i32 to vector<16xi32>
      %select_n3A_1057 = arith.select %eq3A_1054, %get3A_24, %broadcast_in_dim3A_1056 : vector<16xi1>, vector<16xi32>
      %reduce_sum3A_1058 = arith.constant true
      %reduce_sum3A_1059 = vector.broadcast %reduce_sum3A_1058 : i1 to vector<16xi1>
      %reduce_sum3A_1060 = tpu.scan <sum>, %select_n3A_1057 masked %reduce_sum3A_1059 : vector<16xi32>, vector<16xi1> -> vector<16xi32>
      %reduce_sum3A_1061 = vector.extract %reduce_sum3A_1060[15] : i32 from vector<16xi32>
      %eq3A_1062 = arith.constant 11 : i32
      %eq3A_1063 = vector.broadcast %eq3A_1062 : i32 to vector<16xi32>
      %eq3A_1064 = arith.cmpi eq, %iota3A, %eq3A_1063 : vector<16xi32>
      %jit3A_1065 = arith.constant 0 : i32
      %broadcast_in_dim3A_1066 = vector.broadcast %jit3A_1065 : i32 to vector<16xi32>
      %select_n3A_1067 = arith.select %eq3A_1064, %get3A_28, %broadcast_in_dim3A_1066 : vector<16xi1>, vector<16xi32>
      %reduce_sum3A_1068 = arith.constant true
      %reduce_sum3A_1069 = vector.broadcast %reduce_sum3A_1068 : i1 to vector<16xi1>
      %reduce_sum3A_1070 = tpu.scan <sum>, %select_n3A_1067 masked %reduce_sum3A_1069 : vector<16xi32>, vector<16xi1> -> vector<16xi32>
      %reduce_sum3A_1071 = vector.extract %reduce_sum3A_1070[15] : i32 from vector<16xi32>
      %jit3A_1072 = arith.constant 128 : i32
      %div3A_1073 = arith.divsi %reduce_sum3A_1061, %jit3A_1072 : i32
      %sign3A_1074 = arith.constant 0 : i32
      %sign3A_1075 = arith.cmpi sgt, %reduce_sum3A_1061, %sign3A_1074 : i32
      %sign3A_1076 = arith.extui %sign3A_1075 : i1 to i32
      %sign3A_1077 = arith.constant 0 : i32
      %sign3A_1078 = arith.cmpi slt, %reduce_sum3A_1061, %sign3A_1077 : i32
      %sign3A_1079 = arith.extui %sign3A_1078 : i1 to i32
      %sign3A_1080 = arith.subi %sign3A_1076, %sign3A_1079 : i32
      %sign3A_1081 = arith.constant 0 : i32
      %sign3A_1082 = arith.cmpi sgt, %jit3A_1072, %sign3A_1081 : i32
      %sign3A_1083 = arith.extui %sign3A_1082 : i1 to i32
      %sign3A_1084 = arith.constant 0 : i32
      %sign3A_1085 = arith.cmpi slt, %jit3A_1072, %sign3A_1084 : i32
      %sign3A_1086 = arith.extui %sign3A_1085 : i1 to i32
      %sign3A_1087 = arith.subi %sign3A_1083, %sign3A_1086 : i32
      %ne3A_1088 = arith.cmpi ne, %sign3A_1080, %sign3A_1087 : i32
      %rem3A_1089 = arith.remsi %reduce_sum3A_1061, %jit3A_1072 : i32
      %ne3A_1090 = arith.constant 0 : i32
      %ne3A_1091 = arith.cmpi ne, %rem3A_1089, %ne3A_1090 : i32
      %and3A_1092 = arith.andi %ne3A_1088, %ne3A_1091 : i1
      %sub3A_1093 = arith.constant 1 : i32
      %sub3A_1094 = arith.subi %div3A_1073, %sub3A_1093 : i32
      %select_n3A_1095 = arith.select %and3A_1092, %sub3A_1094, %div3A_1073 : i32
      %mul3A_1096 = arith.constant 128 : i32
      %mul3A_1097 = arith.muli %select_n3A_1095, %mul3A_1096 : i32
      %multiple_of3A_1098 = tpu.assume_multiple %mul3A_1097, 128 : i32
      %jit3A_1099 = arith.constant 128 : i32
      %div3A_1100 = arith.divsi %reduce_sum3A_1071, %jit3A_1099 : i32
      %sign3A_1101 = arith.constant 0 : i32
      %sign3A_1102 = arith.cmpi sgt, %reduce_sum3A_1071, %sign3A_1101 : i32
      %sign3A_1103 = arith.extui %sign3A_1102 : i1 to i32
      %sign3A_1104 = arith.constant 0 : i32
      %sign3A_1105 = arith.cmpi slt, %reduce_sum3A_1071, %sign3A_1104 : i32
      %sign3A_1106 = arith.extui %sign3A_1105 : i1 to i32
      %sign3A_1107 = arith.subi %sign3A_1103, %sign3A_1106 : i32
      %sign3A_1108 = arith.constant 0 : i32
      %sign3A_1109 = arith.cmpi sgt, %jit3A_1099, %sign3A_1108 : i32
      %sign3A_1110 = arith.extui %sign3A_1109 : i1 to i32
      %sign3A_1111 = arith.constant 0 : i32
      %sign3A_1112 = arith.cmpi slt, %jit3A_1099, %sign3A_1111 : i32
      %sign3A_1113 = arith.extui %sign3A_1112 : i1 to i32
      %sign3A_1114 = arith.subi %sign3A_1110, %sign3A_1113 : i32
      %ne3A_1115 = arith.cmpi ne, %sign3A_1107, %sign3A_1114 : i32
      %rem3A_1116 = arith.remsi %reduce_sum3A_1071, %jit3A_1099 : i32
      %ne3A_1117 = arith.constant 0 : i32
      %ne3A_1118 = arith.cmpi ne, %rem3A_1116, %ne3A_1117 : i32
      %and3A_1119 = arith.andi %ne3A_1115, %ne3A_1118 : i1
      %sub3A_1120 = arith.constant 1 : i32
      %sub3A_1121 = arith.subi %div3A_1100, %sub3A_1120 : i32
      %select_n3A_1122 = arith.select %and3A_1119, %sub3A_1121, %div3A_1100 : i32
      %mul3A_1123 = arith.constant 128 : i32
      %mul3A_1124 = arith.muli %select_n3A_1122, %mul3A_1123 : i32
      %multiple_of3A_1125 = tpu.assume_multiple %mul3A_1124, 128 : i32
      %dma_start3A_1126 = arith.constant 330 : i32
      %dma_start3A_1127 = arith.constant 0 : i32
      %dma_start3A_1128 = tpu.memref_slice %arg10[%dma_start3A_1126, %dma_start3A_1127] : memref<480x128xf32, #tpu.memory_space<vmem>> -> memref<30x128xf32, #tpu.memory_space<vmem>>
      %dma_start3A_1129 = arith.constant 0 : i32
      %dma_start3A_1130 = tpu.memref_slice %arg4[%dma_start3A_1129, %multiple_of3A_1098] : memref<30x1000000xf32, #tpu.memory_space<hbm>> -> memref<30x128xf32, #tpu.memory_space<hbm>>
      %dma_start3A_1131 = arith.constant 330 : i32
      %dma_start3A_1132 = arith.constant 0 : i32
      %dma_start3A_1133 = tpu.memref_slice %arg10[%dma_start3A_1131, %dma_start3A_1132] : memref<480x128xf32, #tpu.memory_space<vmem>> -> memref<30x128xf32, #tpu.memory_space<vmem>>
      %dma_start3A_1134 = arith.constant 0 : i32
      %dma_start3A_1135 = tpu.memref_slice %arg4[%dma_start3A_1134, %multiple_of3A_1098] : memref<30x1000000xf32, #tpu.memory_space<hbm>> -> memref<30x128xf32, #tpu.memory_space<hbm>>
      tpu.enqueue_dma source(%dma_start3A_1135 : memref<30x128xf32, #tpu.memory_space<hbm>>) target(%dma_start3A_1133 : memref<30x128xf32, #tpu.memory_space<vmem>>) target_semaphore(%arg14 : memref<!tpu.dma_semaphore, #tpu.memory_space<semaphore_mem>>)
      %dma_start3A_1136 = arith.constant 110 : i32
      %dma_start3A_1137 = arith.constant 0 : i32
      %dma_start3A_1138 = tpu.memref_slice %arg11[%dma_start3A_1136, %dma_start3A_1137] : memref<160x128xf32, #tpu.memory_space<vmem>> -> memref<10x128xf32, #tpu.memory_space<vmem>>
      %dma_start3A_1139 = arith.constant 0 : i32
      %dma_start3A_1140 = tpu.memref_slice %arg5[%dma_start3A_1139, %multiple_of3A_1125] : memref<10x100000xf32, #tpu.memory_space<hbm>> -> memref<10x128xf32, #tpu.memory_space<hbm>>
      %dma_start3A_1141 = arith.constant 110 : i32
      %dma_start3A_1142 = arith.constant 0 : i32
      %dma_start3A_1143 = tpu.memref_slice %arg11[%dma_start3A_1141, %dma_start3A_1142] : memref<160x128xf32, #tpu.memory_space<vmem>> -> memref<10x128xf32, #tpu.memory_space<vmem>>
      %dma_start3A_1144 = arith.constant 0 : i32
      %dma_start3A_1145 = tpu.memref_slice %arg5[%dma_start3A_1144, %multiple_of3A_1125] : memref<10x100000xf32, #tpu.memory_space<hbm>> -> memref<10x128xf32, #tpu.memory_space<hbm>>
      tpu.enqueue_dma source(%dma_start3A_1145 : memref<10x128xf32, #tpu.memory_space<hbm>>) target(%dma_start3A_1143 : memref<10x128xf32, #tpu.memory_space<vmem>>) target_semaphore(%arg15 : memref<!tpu.dma_semaphore, #tpu.memory_space<semaphore_mem>>)
      %eq3A_1146 = arith.constant 12 : i32
      %eq3A_1147 = vector.broadcast %eq3A_1146 : i32 to vector<16xi32>
      %eq3A_1148 = arith.cmpi eq, %iota3A, %eq3A_1147 : vector<16xi32>
      %jit3A_1149 = arith.constant 0 : i32
      %broadcast_in_dim3A_1150 = vector.broadcast %jit3A_1149 : i32 to vector<16xi32>
      %select_n3A_1151 = arith.select %eq3A_1148, %get3A_24, %broadcast_in_dim3A_1150 : vector<16xi1>, vector<16xi32>
      %reduce_sum3A_1152 = arith.constant true
      %reduce_sum3A_1153 = vector.broadcast %reduce_sum3A_1152 : i1 to vector<16xi1>
      %reduce_sum3A_1154 = tpu.scan <sum>, %select_n3A_1151 masked %reduce_sum3A_1153 : vector<16xi32>, vector<16xi1> -> vector<16xi32>
      %reduce_sum3A_1155 = vector.extract %reduce_sum3A_1154[15] : i32 from vector<16xi32>
      %eq3A_1156 = arith.constant 12 : i32
      %eq3A_1157 = vector.broadcast %eq3A_1156 : i32 to vector<16xi32>
      %eq3A_1158 = arith.cmpi eq, %iota3A, %eq3A_1157 : vector<16xi32>
      %jit3A_1159 = arith.constant 0 : i32
      %broadcast_in_dim3A_1160 = vector.broadcast %jit3A_1159 : i32 to vector<16xi32>
      %select_n3A_1161 = arith.select %eq3A_1158, %get3A_28, %broadcast_in_dim3A_1160 : vector<16xi1>, vector<16xi32>
      %reduce_sum3A_1162 = arith.constant true
      %reduce_sum3A_1163 = vector.broadcast %reduce_sum3A_1162 : i1 to vector<16xi1>
      %reduce_sum3A_1164 = tpu.scan <sum>, %select_n3A_1161 masked %reduce_sum3A_1163 : vector<16xi32>, vector<16xi1> -> vector<16xi32>
      %reduce_sum3A_1165 = vector.extract %reduce_sum3A_1164[15] : i32 from vector<16xi32>
      %jit3A_1166 = arith.constant 128 : i32
      %div3A_1167 = arith.divsi %reduce_sum3A_1155, %jit3A_1166 : i32
      %sign3A_1168 = arith.constant 0 : i32
      %sign3A_1169 = arith.cmpi sgt, %reduce_sum3A_1155, %sign3A_1168 : i32
      %sign3A_1170 = arith.extui %sign3A_1169 : i1 to i32
      %sign3A_1171 = arith.constant 0 : i32
      %sign3A_1172 = arith.cmpi slt, %reduce_sum3A_1155, %sign3A_1171 : i32
      %sign3A_1173 = arith.extui %sign3A_1172 : i1 to i32
      %sign3A_1174 = arith.subi %sign3A_1170, %sign3A_1173 : i32
      %sign3A_1175 = arith.constant 0 : i32
      %sign3A_1176 = arith.cmpi sgt, %jit3A_1166, %sign3A_1175 : i32
      %sign3A_1177 = arith.extui %sign3A_1176 : i1 to i32
      %sign3A_1178 = arith.constant 0 : i32
      %sign3A_1179 = arith.cmpi slt, %jit3A_1166, %sign3A_1178 : i32
      %sign3A_1180 = arith.extui %sign3A_1179 : i1 to i32
      %sign3A_1181 = arith.subi %sign3A_1177, %sign3A_1180 : i32
      %ne3A_1182 = arith.cmpi ne, %sign3A_1174, %sign3A_1181 : i32
      %rem3A_1183 = arith.remsi %reduce_sum3A_1155, %jit3A_1166 : i32
      %ne3A_1184 = arith.constant 0 : i32
      %ne3A_1185 = arith.cmpi ne, %rem3A_1183, %ne3A_1184 : i32
      %and3A_1186 = arith.andi %ne3A_1182, %ne3A_1185 : i1
      %sub3A_1187 = arith.constant 1 : i32
      %sub3A_1188 = arith.subi %div3A_1167, %sub3A_1187 : i32
      %select_n3A_1189 = arith.select %and3A_1186, %sub3A_1188, %div3A_1167 : i32
      %mul3A_1190 = arith.constant 128 : i32
      %mul3A_1191 = arith.muli %select_n3A_1189, %mul3A_1190 : i32
      %multiple_of3A_1192 = tpu.assume_multiple %mul3A_1191, 128 : i32
      %jit3A_1193 = arith.constant 128 : i32
      %div3A_1194 = arith.divsi %reduce_sum3A_1165, %jit3A_1193 : i32
      %sign3A_1195 = arith.constant 0 : i32
      %sign3A_1196 = arith.cmpi sgt, %reduce_sum3A_1165, %sign3A_1195 : i32
      %sign3A_1197 = arith.extui %sign3A_1196 : i1 to i32
      %sign3A_1198 = arith.constant 0 : i32
      %sign3A_1199 = arith.cmpi slt, %reduce_sum3A_1165, %sign3A_1198 : i32
      %sign3A_1200 = arith.extui %sign3A_1199 : i1 to i32
      %sign3A_1201 = arith.subi %sign3A_1197, %sign3A_1200 : i32
      %sign3A_1202 = arith.constant 0 : i32
      %sign3A_1203 = arith.cmpi sgt, %jit3A_1193, %sign3A_1202 : i32
      %sign3A_1204 = arith.extui %sign3A_1203 : i1 to i32
      %sign3A_1205 = arith.constant 0 : i32
      %sign3A_1206 = arith.cmpi slt, %jit3A_1193, %sign3A_1205 : i32
      %sign3A_1207 = arith.extui %sign3A_1206 : i1 to i32
      %sign3A_1208 = arith.subi %sign3A_1204, %sign3A_1207 : i32
      %ne3A_1209 = arith.cmpi ne, %sign3A_1201, %sign3A_1208 : i32
      %rem3A_1210 = arith.remsi %reduce_sum3A_1165, %jit3A_1193 : i32
      %ne3A_1211 = arith.constant 0 : i32
      %ne3A_1212 = arith.cmpi ne, %rem3A_1210, %ne3A_1211 : i32
      %and3A_1213 = arith.andi %ne3A_1209, %ne3A_1212 : i1
      %sub3A_1214 = arith.constant 1 : i32
      %sub3A_1215 = arith.subi %div3A_1194, %sub3A_1214 : i32
      %select_n3A_1216 = arith.select %and3A_1213, %sub3A_1215, %div3A_1194 : i32
      %mul3A_1217 = arith.constant 128 : i32
      %mul3A_1218 = arith.muli %select_n3A_1216, %mul3A_1217 : i32
      %multiple_of3A_1219 = tpu.assume_multiple %mul3A_1218, 128 : i32
      %dma_start3A_1220 = arith.constant 360 : i32
      %dma_start3A_1221 = arith.constant 0 : i32
      %dma_start3A_1222 = tpu.memref_slice %arg10[%dma_start3A_1220, %dma_start3A_1221] : memref<480x128xf32, #tpu.memory_space<vmem>> -> memref<30x128xf32, #tpu.memory_space<vmem>>
      %dma_start3A_1223 = arith.constant 0 : i32
      %dma_start3A_1224 = tpu.memref_slice %arg4[%dma_start3A_1223, %multiple_of3A_1192] : memref<30x1000000xf32, #tpu.memory_space<hbm>> -> memref<30x128xf32, #tpu.memory_space<hbm>>
      %dma_start3A_1225 = arith.constant 360 : i32
      %dma_start3A_1226 = arith.constant 0 : i32
      %dma_start3A_1227 = tpu.memref_slice %arg10[%dma_start3A_1225, %dma_start3A_1226] : memref<480x128xf32, #tpu.memory_space<vmem>> -> memref<30x128xf32, #tpu.memory_space<vmem>>
      %dma_start3A_1228 = arith.constant 0 : i32
      %dma_start3A_1229 = tpu.memref_slice %arg4[%dma_start3A_1228, %multiple_of3A_1192] : memref<30x1000000xf32, #tpu.memory_space<hbm>> -> memref<30x128xf32, #tpu.memory_space<hbm>>
      tpu.enqueue_dma source(%dma_start3A_1229 : memref<30x128xf32, #tpu.memory_space<hbm>>) target(%dma_start3A_1227 : memref<30x128xf32, #tpu.memory_space<vmem>>) target_semaphore(%arg14 : memref<!tpu.dma_semaphore, #tpu.memory_space<semaphore_mem>>)
      %dma_start3A_1230 = arith.constant 120 : i32
      %dma_start3A_1231 = arith.constant 0 : i32
      %dma_start3A_1232 = tpu.memref_slice %arg11[%dma_start3A_1230, %dma_start3A_1231] : memref<160x128xf32, #tpu.memory_space<vmem>> -> memref<10x128xf32, #tpu.memory_space<vmem>>
      %dma_start3A_1233 = arith.constant 0 : i32
      %dma_start3A_1234 = tpu.memref_slice %arg5[%dma_start3A_1233, %multiple_of3A_1219] : memref<10x100000xf32, #tpu.memory_space<hbm>> -> memref<10x128xf32, #tpu.memory_space<hbm>>
      %dma_start3A_1235 = arith.constant 120 : i32
      %dma_start3A_1236 = arith.constant 0 : i32
      %dma_start3A_1237 = tpu.memref_slice %arg11[%dma_start3A_1235, %dma_start3A_1236] : memref<160x128xf32, #tpu.memory_space<vmem>> -> memref<10x128xf32, #tpu.memory_space<vmem>>
      %dma_start3A_1238 = arith.constant 0 : i32
      %dma_start3A_1239 = tpu.memref_slice %arg5[%dma_start3A_1238, %multiple_of3A_1219] : memref<10x100000xf32, #tpu.memory_space<hbm>> -> memref<10x128xf32, #tpu.memory_space<hbm>>
      tpu.enqueue_dma source(%dma_start3A_1239 : memref<10x128xf32, #tpu.memory_space<hbm>>) target(%dma_start3A_1237 : memref<10x128xf32, #tpu.memory_space<vmem>>) target_semaphore(%arg15 : memref<!tpu.dma_semaphore, #tpu.memory_space<semaphore_mem>>)
      %eq3A_1240 = arith.constant 13 : i32
      %eq3A_1241 = vector.broadcast %eq3A_1240 : i32 to vector<16xi32>
      %eq3A_1242 = arith.cmpi eq, %iota3A, %eq3A_1241 : vector<16xi32>
      %jit3A_1243 = arith.constant 0 : i32
      %broadcast_in_dim3A_1244 = vector.broadcast %jit3A_1243 : i32 to vector<16xi32>
      %select_n3A_1245 = arith.select %eq3A_1242, %get3A_24, %broadcast_in_dim3A_1244 : vector<16xi1>, vector<16xi32>
      %reduce_sum3A_1246 = arith.constant true
      %reduce_sum3A_1247 = vector.broadcast %reduce_sum3A_1246 : i1 to vector<16xi1>
      %reduce_sum3A_1248 = tpu.scan <sum>, %select_n3A_1245 masked %reduce_sum3A_1247 : vector<16xi32>, vector<16xi1> -> vector<16xi32>
      %reduce_sum3A_1249 = vector.extract %reduce_sum3A_1248[15] : i32 from vector<16xi32>
      %eq3A_1250 = arith.constant 13 : i32
      %eq3A_1251 = vector.broadcast %eq3A_1250 : i32 to vector<16xi32>
      %eq3A_1252 = arith.cmpi eq, %iota3A, %eq3A_1251 : vector<16xi32>
      %jit3A_1253 = arith.constant 0 : i32
      %broadcast_in_dim3A_1254 = vector.broadcast %jit3A_1253 : i32 to vector<16xi32>
      %select_n3A_1255 = arith.select %eq3A_1252, %get3A_28, %broadcast_in_dim3A_1254 : vector<16xi1>, vector<16xi32>
      %reduce_sum3A_1256 = arith.constant true
      %reduce_sum3A_1257 = vector.broadcast %reduce_sum3A_1256 : i1 to vector<16xi1>
      %reduce_sum3A_1258 = tpu.scan <sum>, %select_n3A_1255 masked %reduce_sum3A_1257 : vector<16xi32>, vector<16xi1> -> vector<16xi32>
      %reduce_sum3A_1259 = vector.extract %reduce_sum3A_1258[15] : i32 from vector<16xi32>
      %jit3A_1260 = arith.constant 128 : i32
      %div3A_1261 = arith.divsi %reduce_sum3A_1249, %jit3A_1260 : i32
      %sign3A_1262 = arith.constant 0 : i32
      %sign3A_1263 = arith.cmpi sgt, %reduce_sum3A_1249, %sign3A_1262 : i32
      %sign3A_1264 = arith.extui %sign3A_1263 : i1 to i32
      %sign3A_1265 = arith.constant 0 : i32
      %sign3A_1266 = arith.cmpi slt, %reduce_sum3A_1249, %sign3A_1265 : i32
      %sign3A_1267 = arith.extui %sign3A_1266 : i1 to i32
      %sign3A_1268 = arith.subi %sign3A_1264, %sign3A_1267 : i32
      %sign3A_1269 = arith.constant 0 : i32
      %sign3A_1270 = arith.cmpi sgt, %jit3A_1260, %sign3A_1269 : i32
      %sign3A_1271 = arith.extui %sign3A_1270 : i1 to i32
      %sign3A_1272 = arith.constant 0 : i32
      %sign3A_1273 = arith.cmpi slt, %jit3A_1260, %sign3A_1272 : i32
      %sign3A_1274 = arith.extui %sign3A_1273 : i1 to i32
      %sign3A_1275 = arith.subi %sign3A_1271, %sign3A_1274 : i32
      %ne3A_1276 = arith.cmpi ne, %sign3A_1268, %sign3A_1275 : i32
      %rem3A_1277 = arith.remsi %reduce_sum3A_1249, %jit3A_1260 : i32
      %ne3A_1278 = arith.constant 0 : i32
      %ne3A_1279 = arith.cmpi ne, %rem3A_1277, %ne3A_1278 : i32
      %and3A_1280 = arith.andi %ne3A_1276, %ne3A_1279 : i1
      %sub3A_1281 = arith.constant 1 : i32
      %sub3A_1282 = arith.subi %div3A_1261, %sub3A_1281 : i32
      %select_n3A_1283 = arith.select %and3A_1280, %sub3A_1282, %div3A_1261 : i32
      %mul3A_1284 = arith.constant 128 : i32
      %mul3A_1285 = arith.muli %select_n3A_1283, %mul3A_1284 : i32
      %multiple_of3A_1286 = tpu.assume_multiple %mul3A_1285, 128 : i32
      %jit3A_1287 = arith.constant 128 : i32
      %div3A_1288 = arith.divsi %reduce_sum3A_1259, %jit3A_1287 : i32
      %sign3A_1289 = arith.constant 0 : i32
      %sign3A_1290 = arith.cmpi sgt, %reduce_sum3A_1259, %sign3A_1289 : i32
      %sign3A_1291 = arith.extui %sign3A_1290 : i1 to i32
      %sign3A_1292 = arith.constant 0 : i32
      %sign3A_1293 = arith.cmpi slt, %reduce_sum3A_1259, %sign3A_1292 : i32
      %sign3A_1294 = arith.extui %sign3A_1293 : i1 to i32
      %sign3A_1295 = arith.subi %sign3A_1291, %sign3A_1294 : i32
      %sign3A_1296 = arith.constant 0 : i32
      %sign3A_1297 = arith.cmpi sgt, %jit3A_1287, %sign3A_1296 : i32
      %sign3A_1298 = arith.extui %sign3A_1297 : i1 to i32
      %sign3A_1299 = arith.constant 0 : i32
      %sign3A_1300 = arith.cmpi slt, %jit3A_1287, %sign3A_1299 : i32
      %sign3A_1301 = arith.extui %sign3A_1300 : i1 to i32
      %sign3A_1302 = arith.subi %sign3A_1298, %sign3A_1301 : i32
      %ne3A_1303 = arith.cmpi ne, %sign3A_1295, %sign3A_1302 : i32
      %rem3A_1304 = arith.remsi %reduce_sum3A_1259, %jit3A_1287 : i32
      %ne3A_1305 = arith.constant 0 : i32
      %ne3A_1306 = arith.cmpi ne, %rem3A_1304, %ne3A_1305 : i32
      %and3A_1307 = arith.andi %ne3A_1303, %ne3A_1306 : i1
      %sub3A_1308 = arith.constant 1 : i32
      %sub3A_1309 = arith.subi %div3A_1288, %sub3A_1308 : i32
      %select_n3A_1310 = arith.select %and3A_1307, %sub3A_1309, %div3A_1288 : i32
      %mul3A_1311 = arith.constant 128 : i32
      %mul3A_1312 = arith.muli %select_n3A_1310, %mul3A_1311 : i32
      %multiple_of3A_1313 = tpu.assume_multiple %mul3A_1312, 128 : i32
      %dma_start3A_1314 = arith.constant 390 : i32
      %dma_start3A_1315 = arith.constant 0 : i32
      %dma_start3A_1316 = tpu.memref_slice %arg10[%dma_start3A_1314, %dma_start3A_1315] : memref<480x128xf32, #tpu.memory_space<vmem>> -> memref<30x128xf32, #tpu.memory_space<vmem>>
      %dma_start3A_1317 = arith.constant 0 : i32
      %dma_start3A_1318 = tpu.memref_slice %arg4[%dma_start3A_1317, %multiple_of3A_1286] : memref<30x1000000xf32, #tpu.memory_space<hbm>> -> memref<30x128xf32, #tpu.memory_space<hbm>>
      %dma_start3A_1319 = arith.constant 390 : i32
      %dma_start3A_1320 = arith.constant 0 : i32
      %dma_start3A_1321 = tpu.memref_slice %arg10[%dma_start3A_1319, %dma_start3A_1320] : memref<480x128xf32, #tpu.memory_space<vmem>> -> memref<30x128xf32, #tpu.memory_space<vmem>>
      %dma_start3A_1322 = arith.constant 0 : i32
      %dma_start3A_1323 = tpu.memref_slice %arg4[%dma_start3A_1322, %multiple_of3A_1286] : memref<30x1000000xf32, #tpu.memory_space<hbm>> -> memref<30x128xf32, #tpu.memory_space<hbm>>
      tpu.enqueue_dma source(%dma_start3A_1323 : memref<30x128xf32, #tpu.memory_space<hbm>>) target(%dma_start3A_1321 : memref<30x128xf32, #tpu.memory_space<vmem>>) target_semaphore(%arg14 : memref<!tpu.dma_semaphore, #tpu.memory_space<semaphore_mem>>)
      %dma_start3A_1324 = arith.constant 130 : i32
      %dma_start3A_1325 = arith.constant 0 : i32
      %dma_start3A_1326 = tpu.memref_slice %arg11[%dma_start3A_1324, %dma_start3A_1325] : memref<160x128xf32, #tpu.memory_space<vmem>> -> memref<10x128xf32, #tpu.memory_space<vmem>>
      %dma_start3A_1327 = arith.constant 0 : i32
      %dma_start3A_1328 = tpu.memref_slice %arg5[%dma_start3A_1327, %multiple_of3A_1313] : memref<10x100000xf32, #tpu.memory_space<hbm>> -> memref<10x128xf32, #tpu.memory_space<hbm>>
      %dma_start3A_1329 = arith.constant 130 : i32
      %dma_start3A_1330 = arith.constant 0 : i32
      %dma_start3A_1331 = tpu.memref_slice %arg11[%dma_start3A_1329, %dma_start3A_1330] : memref<160x128xf32, #tpu.memory_space<vmem>> -> memref<10x128xf32, #tpu.memory_space<vmem>>
      %dma_start3A_1332 = arith.constant 0 : i32
      %dma_start3A_1333 = tpu.memref_slice %arg5[%dma_start3A_1332, %multiple_of3A_1313] : memref<10x100000xf32, #tpu.memory_space<hbm>> -> memref<10x128xf32, #tpu.memory_space<hbm>>
      tpu.enqueue_dma source(%dma_start3A_1333 : memref<10x128xf32, #tpu.memory_space<hbm>>) target(%dma_start3A_1331 : memref<10x128xf32, #tpu.memory_space<vmem>>) target_semaphore(%arg15 : memref<!tpu.dma_semaphore, #tpu.memory_space<semaphore_mem>>)
      %eq3A_1334 = arith.constant 14 : i32
      %eq3A_1335 = vector.broadcast %eq3A_1334 : i32 to vector<16xi32>
      %eq3A_1336 = arith.cmpi eq, %iota3A, %eq3A_1335 : vector<16xi32>
      %jit3A_1337 = arith.constant 0 : i32
      %broadcast_in_dim3A_1338 = vector.broadcast %jit3A_1337 : i32 to vector<16xi32>
      %select_n3A_1339 = arith.select %eq3A_1336, %get3A_24, %broadcast_in_dim3A_1338 : vector<16xi1>, vector<16xi32>
      %reduce_sum3A_1340 = arith.constant true
      %reduce_sum3A_1341 = vector.broadcast %reduce_sum3A_1340 : i1 to vector<16xi1>
      %reduce_sum3A_1342 = tpu.scan <sum>, %select_n3A_1339 masked %reduce_sum3A_1341 : vector<16xi32>, vector<16xi1> -> vector<16xi32>
      %reduce_sum3A_1343 = vector.extract %reduce_sum3A_1342[15] : i32 from vector<16xi32>
      %eq3A_1344 = arith.constant 14 : i32
      %eq3A_1345 = vector.broadcast %eq3A_1344 : i32 to vector<16xi32>
      %eq3A_1346 = arith.cmpi eq, %iota3A, %eq3A_1345 : vector<16xi32>
      %jit3A_1347 = arith.constant 0 : i32
      %broadcast_in_dim3A_1348 = vector.broadcast %jit3A_1347 : i32 to vector<16xi32>
      %select_n3A_1349 = arith.select %eq3A_1346, %get3A_28, %broadcast_in_dim3A_1348 : vector<16xi1>, vector<16xi32>
      %reduce_sum3A_1350 = arith.constant true
      %reduce_sum3A_1351 = vector.broadcast %reduce_sum3A_1350 : i1 to vector<16xi1>
      %reduce_sum3A_1352 = tpu.scan <sum>, %select_n3A_1349 masked %reduce_sum3A_1351 : vector<16xi32>, vector<16xi1> -> vector<16xi32>
      %reduce_sum3A_1353 = vector.extract %reduce_sum3A_1352[15] : i32 from vector<16xi32>
      %jit3A_1354 = arith.constant 128 : i32
      %div3A_1355 = arith.divsi %reduce_sum3A_1343, %jit3A_1354 : i32
      %sign3A_1356 = arith.constant 0 : i32
      %sign3A_1357 = arith.cmpi sgt, %reduce_sum3A_1343, %sign3A_1356 : i32
      %sign3A_1358 = arith.extui %sign3A_1357 : i1 to i32
      %sign3A_1359 = arith.constant 0 : i32
      %sign3A_1360 = arith.cmpi slt, %reduce_sum3A_1343, %sign3A_1359 : i32
      %sign3A_1361 = arith.extui %sign3A_1360 : i1 to i32
      %sign3A_1362 = arith.subi %sign3A_1358, %sign3A_1361 : i32
      %sign3A_1363 = arith.constant 0 : i32
      %sign3A_1364 = arith.cmpi sgt, %jit3A_1354, %sign3A_1363 : i32
      %sign3A_1365 = arith.extui %sign3A_1364 : i1 to i32
      %sign3A_1366 = arith.constant 0 : i32
      %sign3A_1367 = arith.cmpi slt, %jit3A_1354, %sign3A_1366 : i32
      %sign3A_1368 = arith.extui %sign3A_1367 : i1 to i32
      %sign3A_1369 = arith.subi %sign3A_1365, %sign3A_1368 : i32
      %ne3A_1370 = arith.cmpi ne, %sign3A_1362, %sign3A_1369 : i32
      %rem3A_1371 = arith.remsi %reduce_sum3A_1343, %jit3A_1354 : i32
      %ne3A_1372 = arith.constant 0 : i32
      %ne3A_1373 = arith.cmpi ne, %rem3A_1371, %ne3A_1372 : i32
      %and3A_1374 = arith.andi %ne3A_1370, %ne3A_1373 : i1
      %sub3A_1375 = arith.constant 1 : i32
      %sub3A_1376 = arith.subi %div3A_1355, %sub3A_1375 : i32
      %select_n3A_1377 = arith.select %and3A_1374, %sub3A_1376, %div3A_1355 : i32
      %mul3A_1378 = arith.constant 128 : i32
      %mul3A_1379 = arith.muli %select_n3A_1377, %mul3A_1378 : i32
      %multiple_of3A_1380 = tpu.assume_multiple %mul3A_1379, 128 : i32
      %jit3A_1381 = arith.constant 128 : i32
      %div3A_1382 = arith.divsi %reduce_sum3A_1353, %jit3A_1381 : i32
      %sign3A_1383 = arith.constant 0 : i32
      %sign3A_1384 = arith.cmpi sgt, %reduce_sum3A_1353, %sign3A_1383 : i32
      %sign3A_1385 = arith.extui %sign3A_1384 : i1 to i32
      %sign3A_1386 = arith.constant 0 : i32
      %sign3A_1387 = arith.cmpi slt, %reduce_sum3A_1353, %sign3A_1386 : i32
      %sign3A_1388 = arith.extui %sign3A_1387 : i1 to i32
      %sign3A_1389 = arith.subi %sign3A_1385, %sign3A_1388 : i32
      %sign3A_1390 = arith.constant 0 : i32
      %sign3A_1391 = arith.cmpi sgt, %jit3A_1381, %sign3A_1390 : i32
      %sign3A_1392 = arith.extui %sign3A_1391 : i1 to i32
      %sign3A_1393 = arith.constant 0 : i32
      %sign3A_1394 = arith.cmpi slt, %jit3A_1381, %sign3A_1393 : i32
      %sign3A_1395 = arith.extui %sign3A_1394 : i1 to i32
      %sign3A_1396 = arith.subi %sign3A_1392, %sign3A_1395 : i32
      %ne3A_1397 = arith.cmpi ne, %sign3A_1389, %sign3A_1396 : i32
      %rem3A_1398 = arith.remsi %reduce_sum3A_1353, %jit3A_1381 : i32
      %ne3A_1399 = arith.constant 0 : i32
      %ne3A_1400 = arith.cmpi ne, %rem3A_1398, %ne3A_1399 : i32
      %and3A_1401 = arith.andi %ne3A_1397, %ne3A_1400 : i1
      %sub3A_1402 = arith.constant 1 : i32
      %sub3A_1403 = arith.subi %div3A_1382, %sub3A_1402 : i32
      %select_n3A_1404 = arith.select %and3A_1401, %sub3A_1403, %div3A_1382 : i32
      %mul3A_1405 = arith.constant 128 : i32
      %mul3A_1406 = arith.muli %select_n3A_1404, %mul3A_1405 : i32
      %multiple_of3A_1407 = tpu.assume_multiple %mul3A_1406, 128 : i32
      %dma_start3A_1408 = arith.constant 420 : i32
      %dma_start3A_1409 = arith.constant 0 : i32
      %dma_start3A_1410 = tpu.memref_slice %arg10[%dma_start3A_1408, %dma_start3A_1409] : memref<480x128xf32, #tpu.memory_space<vmem>> -> memref<30x128xf32, #tpu.memory_space<vmem>>
      %dma_start3A_1411 = arith.constant 0 : i32
      %dma_start3A_1412 = tpu.memref_slice %arg4[%dma_start3A_1411, %multiple_of3A_1380] : memref<30x1000000xf32, #tpu.memory_space<hbm>> -> memref<30x128xf32, #tpu.memory_space<hbm>>
      %dma_start3A_1413 = arith.constant 420 : i32
      %dma_start3A_1414 = arith.constant 0 : i32
      %dma_start3A_1415 = tpu.memref_slice %arg10[%dma_start3A_1413, %dma_start3A_1414] : memref<480x128xf32, #tpu.memory_space<vmem>> -> memref<30x128xf32, #tpu.memory_space<vmem>>
      %dma_start3A_1416 = arith.constant 0 : i32
      %dma_start3A_1417 = tpu.memref_slice %arg4[%dma_start3A_1416, %multiple_of3A_1380] : memref<30x1000000xf32, #tpu.memory_space<hbm>> -> memref<30x128xf32, #tpu.memory_space<hbm>>
      tpu.enqueue_dma source(%dma_start3A_1417 : memref<30x128xf32, #tpu.memory_space<hbm>>) target(%dma_start3A_1415 : memref<30x128xf32, #tpu.memory_space<vmem>>) target_semaphore(%arg14 : memref<!tpu.dma_semaphore, #tpu.memory_space<semaphore_mem>>)
      %dma_start3A_1418 = arith.constant 140 : i32
      %dma_start3A_1419 = arith.constant 0 : i32
      %dma_start3A_1420 = tpu.memref_slice %arg11[%dma_start3A_1418, %dma_start3A_1419] : memref<160x128xf32, #tpu.memory_space<vmem>> -> memref<10x128xf32, #tpu.memory_space<vmem>>
      %dma_start3A_1421 = arith.constant 0 : i32
      %dma_start3A_1422 = tpu.memref_slice %arg5[%dma_start3A_1421, %multiple_of3A_1407] : memref<10x100000xf32, #tpu.memory_space<hbm>> -> memref<10x128xf32, #tpu.memory_space<hbm>>
      %dma_start3A_1423 = arith.constant 140 : i32
      %dma_start3A_1424 = arith.constant 0 : i32
      %dma_start3A_1425 = tpu.memref_slice %arg11[%dma_start3A_1423, %dma_start3A_1424] : memref<160x128xf32, #tpu.memory_space<vmem>> -> memref<10x128xf32, #tpu.memory_space<vmem>>
      %dma_start3A_1426 = arith.constant 0 : i32
      %dma_start3A_1427 = tpu.memref_slice %arg5[%dma_start3A_1426, %multiple_of3A_1407] : memref<10x100000xf32, #tpu.memory_space<hbm>> -> memref<10x128xf32, #tpu.memory_space<hbm>>
      tpu.enqueue_dma source(%dma_start3A_1427 : memref<10x128xf32, #tpu.memory_space<hbm>>) target(%dma_start3A_1425 : memref<10x128xf32, #tpu.memory_space<vmem>>) target_semaphore(%arg15 : memref<!tpu.dma_semaphore, #tpu.memory_space<semaphore_mem>>)
      %eq3A_1428 = arith.constant 15 : i32
      %eq3A_1429 = vector.broadcast %eq3A_1428 : i32 to vector<16xi32>
      %eq3A_1430 = arith.cmpi eq, %iota3A, %eq3A_1429 : vector<16xi32>
      %jit3A_1431 = arith.constant 0 : i32
      %broadcast_in_dim3A_1432 = vector.broadcast %jit3A_1431 : i32 to vector<16xi32>
      %select_n3A_1433 = arith.select %eq3A_1430, %get3A_24, %broadcast_in_dim3A_1432 : vector<16xi1>, vector<16xi32>
      %reduce_sum3A_1434 = arith.constant true
      %reduce_sum3A_1435 = vector.broadcast %reduce_sum3A_1434 : i1 to vector<16xi1>
      %reduce_sum3A_1436 = tpu.scan <sum>, %select_n3A_1433 masked %reduce_sum3A_1435 : vector<16xi32>, vector<16xi1> -> vector<16xi32>
      %reduce_sum3A_1437 = vector.extract %reduce_sum3A_1436[15] : i32 from vector<16xi32>
      %eq3A_1438 = arith.constant 15 : i32
      %eq3A_1439 = vector.broadcast %eq3A_1438 : i32 to vector<16xi32>
      %eq3A_1440 = arith.cmpi eq, %iota3A, %eq3A_1439 : vector<16xi32>
      %jit3A_1441 = arith.constant 0 : i32
      %broadcast_in_dim3A_1442 = vector.broadcast %jit3A_1441 : i32 to vector<16xi32>
      %select_n3A_1443 = arith.select %eq3A_1440, %get3A_28, %broadcast_in_dim3A_1442 : vector<16xi1>, vector<16xi32>
      %reduce_sum3A_1444 = arith.constant true
      %reduce_sum3A_1445 = vector.broadcast %reduce_sum3A_1444 : i1 to vector<16xi1>
      %reduce_sum3A_1446 = tpu.scan <sum>, %select_n3A_1443 masked %reduce_sum3A_1445 : vector<16xi32>, vector<16xi1> -> vector<16xi32>
      %reduce_sum3A_1447 = vector.extract %reduce_sum3A_1446[15] : i32 from vector<16xi32>
      %jit3A_1448 = arith.constant 128 : i32
      %div3A_1449 = arith.divsi %reduce_sum3A_1437, %jit3A_1448 : i32
      %sign3A_1450 = arith.constant 0 : i32
      %sign3A_1451 = arith.cmpi sgt, %reduce_sum3A_1437, %sign3A_1450 : i32
      %sign3A_1452 = arith.extui %sign3A_1451 : i1 to i32
      %sign3A_1453 = arith.constant 0 : i32
      %sign3A_1454 = arith.cmpi slt, %reduce_sum3A_1437, %sign3A_1453 : i32
      %sign3A_1455 = arith.extui %sign3A_1454 : i1 to i32
      %sign3A_1456 = arith.subi %sign3A_1452, %sign3A_1455 : i32
      %sign3A_1457 = arith.constant 0 : i32
      %sign3A_1458 = arith.cmpi sgt, %jit3A_1448, %sign3A_1457 : i32
      %sign3A_1459 = arith.extui %sign3A_1458 : i1 to i32
      %sign3A_1460 = arith.constant 0 : i32
      %sign3A_1461 = arith.cmpi slt, %jit3A_1448, %sign3A_1460 : i32
      %sign3A_1462 = arith.extui %sign3A_1461 : i1 to i32
      %sign3A_1463 = arith.subi %sign3A_1459, %sign3A_1462 : i32
      %ne3A_1464 = arith.cmpi ne, %sign3A_1456, %sign3A_1463 : i32
      %rem3A_1465 = arith.remsi %reduce_sum3A_1437, %jit3A_1448 : i32
      %ne3A_1466 = arith.constant 0 : i32
      %ne3A_1467 = arith.cmpi ne, %rem3A_1465, %ne3A_1466 : i32
      %and3A_1468 = arith.andi %ne3A_1464, %ne3A_1467 : i1
      %sub3A_1469 = arith.constant 1 : i32
      %sub3A_1470 = arith.subi %div3A_1449, %sub3A_1469 : i32
      %select_n3A_1471 = arith.select %and3A_1468, %sub3A_1470, %div3A_1449 : i32
      %mul3A_1472 = arith.constant 128 : i32
      %mul3A_1473 = arith.muli %select_n3A_1471, %mul3A_1472 : i32
      %multiple_of3A_1474 = tpu.assume_multiple %mul3A_1473, 128 : i32
      %jit3A_1475 = arith.constant 128 : i32
      %div3A_1476 = arith.divsi %reduce_sum3A_1447, %jit3A_1475 : i32
      %sign3A_1477 = arith.constant 0 : i32
      %sign3A_1478 = arith.cmpi sgt, %reduce_sum3A_1447, %sign3A_1477 : i32
      %sign3A_1479 = arith.extui %sign3A_1478 : i1 to i32
      %sign3A_1480 = arith.constant 0 : i32
      %sign3A_1481 = arith.cmpi slt, %reduce_sum3A_1447, %sign3A_1480 : i32
      %sign3A_1482 = arith.extui %sign3A_1481 : i1 to i32
      %sign3A_1483 = arith.subi %sign3A_1479, %sign3A_1482 : i32
      %sign3A_1484 = arith.constant 0 : i32
      %sign3A_1485 = arith.cmpi sgt, %jit3A_1475, %sign3A_1484 : i32
      %sign3A_1486 = arith.extui %sign3A_1485 : i1 to i32
      %sign3A_1487 = arith.constant 0 : i32
      %sign3A_1488 = arith.cmpi slt, %jit3A_1475, %sign3A_1487 : i32
      %sign3A_1489 = arith.extui %sign3A_1488 : i1 to i32
      %sign3A_1490 = arith.subi %sign3A_1486, %sign3A_1489 : i32
      %ne3A_1491 = arith.cmpi ne, %sign3A_1483, %sign3A_1490 : i32
      %rem3A_1492 = arith.remsi %reduce_sum3A_1447, %jit3A_1475 : i32
      %ne3A_1493 = arith.constant 0 : i32
      %ne3A_1494 = arith.cmpi ne, %rem3A_1492, %ne3A_1493 : i32
      %and3A_1495 = arith.andi %ne3A_1491, %ne3A_1494 : i1
      %sub3A_1496 = arith.constant 1 : i32
      %sub3A_1497 = arith.subi %div3A_1476, %sub3A_1496 : i32
      %select_n3A_1498 = arith.select %and3A_1495, %sub3A_1497, %div3A_1476 : i32
      %mul3A_1499 = arith.constant 128 : i32
      %mul3A_1500 = arith.muli %select_n3A_1498, %mul3A_1499 : i32
      %multiple_of3A_1501 = tpu.assume_multiple %mul3A_1500, 128 : i32
      %dma_start3A_1502 = arith.constant 450 : i32
      %dma_start3A_1503 = arith.constant 0 : i32
      %dma_start3A_1504 = tpu.memref_slice %arg10[%dma_start3A_1502, %dma_start3A_1503] : memref<480x128xf32, #tpu.memory_space<vmem>> -> memref<30x128xf32, #tpu.memory_space<vmem>>
      %dma_start3A_1505 = arith.constant 0 : i32
      %dma_start3A_1506 = tpu.memref_slice %arg4[%dma_start3A_1505, %multiple_of3A_1474] : memref<30x1000000xf32, #tpu.memory_space<hbm>> -> memref<30x128xf32, #tpu.memory_space<hbm>>
      %dma_start3A_1507 = arith.constant 450 : i32
      %dma_start3A_1508 = arith.constant 0 : i32
      %dma_start3A_1509 = tpu.memref_slice %arg10[%dma_start3A_1507, %dma_start3A_1508] : memref<480x128xf32, #tpu.memory_space<vmem>> -> memref<30x128xf32, #tpu.memory_space<vmem>>
      %dma_start3A_1510 = arith.constant 0 : i32
      %dma_start3A_1511 = tpu.memref_slice %arg4[%dma_start3A_1510, %multiple_of3A_1474] : memref<30x1000000xf32, #tpu.memory_space<hbm>> -> memref<30x128xf32, #tpu.memory_space<hbm>>
      tpu.enqueue_dma source(%dma_start3A_1511 : memref<30x128xf32, #tpu.memory_space<hbm>>) target(%dma_start3A_1509 : memref<30x128xf32, #tpu.memory_space<vmem>>) target_semaphore(%arg14 : memref<!tpu.dma_semaphore, #tpu.memory_space<semaphore_mem>>)
      %dma_start3A_1512 = arith.constant 150 : i32
      %dma_start3A_1513 = arith.constant 0 : i32
      %dma_start3A_1514 = tpu.memref_slice %arg11[%dma_start3A_1512, %dma_start3A_1513] : memref<160x128xf32, #tpu.memory_space<vmem>> -> memref<10x128xf32, #tpu.memory_space<vmem>>
      %dma_start3A_1515 = arith.constant 0 : i32
      %dma_start3A_1516 = tpu.memref_slice %arg5[%dma_start3A_1515, %multiple_of3A_1501] : memref<10x100000xf32, #tpu.memory_space<hbm>> -> memref<10x128xf32, #tpu.memory_space<hbm>>
      %dma_start3A_1517 = arith.constant 150 : i32
      %dma_start3A_1518 = arith.constant 0 : i32
      %dma_start3A_1519 = tpu.memref_slice %arg11[%dma_start3A_1517, %dma_start3A_1518] : memref<160x128xf32, #tpu.memory_space<vmem>> -> memref<10x128xf32, #tpu.memory_space<vmem>>
      %dma_start3A_1520 = arith.constant 0 : i32
      %dma_start3A_1521 = tpu.memref_slice %arg5[%dma_start3A_1520, %multiple_of3A_1501] : memref<10x100000xf32, #tpu.memory_space<hbm>> -> memref<10x128xf32, #tpu.memory_space<hbm>>
      tpu.enqueue_dma source(%dma_start3A_1521 : memref<10x128xf32, #tpu.memory_space<hbm>>) target(%dma_start3A_1519 : memref<10x128xf32, #tpu.memory_space<vmem>>) target_semaphore(%arg15 : memref<!tpu.dma_semaphore, #tpu.memory_space<semaphore_mem>>)
      %dma_wait3A_1522 = arith.constant 0 : i32
      %dma_wait3A_1523 = arith.constant 0 : i32
      %dma_wait3A_1524 = tpu.memref_slice %arg10[%dma_wait3A_1522, %dma_wait3A_1523] : memref<480x128xf32, #tpu.memory_space<vmem>> -> memref<30x128xf32, #tpu.memory_space<vmem>>
      %dma_wait3A_1525 = arith.constant 0 : i32
      %dma_wait3A_1526 = tpu.memref_slice %arg4[%dma_wait3A_1525, %multiple_of3A_64] : memref<30x1000000xf32, #tpu.memory_space<hbm>> -> memref<30x128xf32, #tpu.memory_space<hbm>>
      %dma_wait3A_1527 = arith.constant 0 : i32
      %dma_wait3A_1528 = arith.constant 0 : i32
      %dma_wait3A_1529 = tpu.memref_slice %arg10[%dma_wait3A_1527, %dma_wait3A_1528] : memref<480x128xf32, #tpu.memory_space<vmem>> -> memref<30x128xf32, #tpu.memory_space<vmem>>
      %dma_wait3A_1530 = arith.constant 0 : i32
      %dma_wait3A_1531 = tpu.memref_slice %arg4[%dma_wait3A_1530, %multiple_of3A_64] : memref<30x1000000xf32, #tpu.memory_space<hbm>> -> memref<30x128xf32, #tpu.memory_space<hbm>>
      tpu.wait_dma2 semaphore(%arg14 : memref<!tpu.dma_semaphore, #tpu.memory_space<semaphore_mem>>) src(%dma_wait3A_1531 : memref<30x128xf32, #tpu.memory_space<hbm>>) dst(%dma_wait3A_1529 : memref<30x128xf32, #tpu.memory_space<vmem>>)
      %dma_wait3A_1532 = arith.constant 0 : i32
      %dma_wait3A_1533 = arith.constant 0 : i32
      %dma_wait3A_1534 = tpu.memref_slice %arg11[%dma_wait3A_1532, %dma_wait3A_1533] : memref<160x128xf32, #tpu.memory_space<vmem>> -> memref<10x128xf32, #tpu.memory_space<vmem>>
      %dma_wait3A_1535 = arith.constant 0 : i32
      %dma_wait3A_1536 = tpu.memref_slice %arg5[%dma_wait3A_1535, %multiple_of3A_91] : memref<10x100000xf32, #tpu.memory_space<hbm>> -> memref<10x128xf32, #tpu.memory_space<hbm>>
      %dma_wait3A_1537 = arith.constant 0 : i32
      %dma_wait3A_1538 = arith.constant 0 : i32
      %dma_wait3A_1539 = tpu.memref_slice %arg11[%dma_wait3A_1537, %dma_wait3A_1538] : memref<160x128xf32, #tpu.memory_space<vmem>> -> memref<10x128xf32, #tpu.memory_space<vmem>>
      %dma_wait3A_1540 = arith.constant 0 : i32
      %dma_wait3A_1541 = tpu.memref_slice %arg5[%dma_wait3A_1540, %multiple_of3A_91] : memref<10x100000xf32, #tpu.memory_space<hbm>> -> memref<10x128xf32, #tpu.memory_space<hbm>>
      tpu.wait_dma2 semaphore(%arg15 : memref<!tpu.dma_semaphore, #tpu.memory_space<semaphore_mem>>) src(%dma_wait3A_1541 : memref<10x128xf32, #tpu.memory_space<hbm>>) dst(%dma_wait3A_1539 : memref<10x128xf32, #tpu.memory_space<vmem>>)
      %dma_wait3A_1542 = arith.constant 30 : i32
      %dma_wait3A_1543 = arith.constant 0 : i32
      %dma_wait3A_1544 = tpu.memref_slice %arg10[%dma_wait3A_1542, %dma_wait3A_1543] : memref<480x128xf32, #tpu.memory_space<vmem>> -> memref<30x128xf32, #tpu.memory_space<vmem>>
      %dma_wait3A_1545 = arith.constant 0 : i32
      %dma_wait3A_1546 = tpu.memref_slice %arg4[%dma_wait3A_1545, %multiple_of3A_158] : memref<30x1000000xf32, #tpu.memory_space<hbm>> -> memref<30x128xf32, #tpu.memory_space<hbm>>
      %dma_wait3A_1547 = arith.constant 30 : i32
      %dma_wait3A_1548 = arith.constant 0 : i32
      %dma_wait3A_1549 = tpu.memref_slice %arg10[%dma_wait3A_1547, %dma_wait3A_1548] : memref<480x128xf32, #tpu.memory_space<vmem>> -> memref<30x128xf32, #tpu.memory_space<vmem>>
      %dma_wait3A_1550 = arith.constant 0 : i32
      %dma_wait3A_1551 = tpu.memref_slice %arg4[%dma_wait3A_1550, %multiple_of3A_158] : memref<30x1000000xf32, #tpu.memory_space<hbm>> -> memref<30x128xf32, #tpu.memory_space<hbm>>
      tpu.wait_dma2 semaphore(%arg14 : memref<!tpu.dma_semaphore, #tpu.memory_space<semaphore_mem>>) src(%dma_wait3A_1551 : memref<30x128xf32, #tpu.memory_space<hbm>>) dst(%dma_wait3A_1549 : memref<30x128xf32, #tpu.memory_space<vmem>>)
      %dma_wait3A_1552 = arith.constant 10 : i32
      %dma_wait3A_1553 = arith.constant 0 : i32
      %dma_wait3A_1554 = tpu.memref_slice %arg11[%dma_wait3A_1552, %dma_wait3A_1553] : memref<160x128xf32, #tpu.memory_space<vmem>> -> memref<10x128xf32, #tpu.memory_space<vmem>>
      %dma_wait3A_1555 = arith.constant 0 : i32
      %dma_wait3A_1556 = tpu.memref_slice %arg5[%dma_wait3A_1555, %multiple_of3A_185] : memref<10x100000xf32, #tpu.memory_space<hbm>> -> memref<10x128xf32, #tpu.memory_space<hbm>>
      %dma_wait3A_1557 = arith.constant 10 : i32
      %dma_wait3A_1558 = arith.constant 0 : i32
      %dma_wait3A_1559 = tpu.memref_slice %arg11[%dma_wait3A_1557, %dma_wait3A_1558] : memref<160x128xf32, #tpu.memory_space<vmem>> -> memref<10x128xf32, #tpu.memory_space<vmem>>
      %dma_wait3A_1560 = arith.constant 0 : i32
      %dma_wait3A_1561 = tpu.memref_slice %arg5[%dma_wait3A_1560, %multiple_of3A_185] : memref<10x100000xf32, #tpu.memory_space<hbm>> -> memref<10x128xf32, #tpu.memory_space<hbm>>
      tpu.wait_dma2 semaphore(%arg15 : memref<!tpu.dma_semaphore, #tpu.memory_space<semaphore_mem>>) src(%dma_wait3A_1561 : memref<10x128xf32, #tpu.memory_space<hbm>>) dst(%dma_wait3A_1559 : memref<10x128xf32, #tpu.memory_space<vmem>>)
      %dma_wait3A_1562 = arith.constant 60 : i32
      %dma_wait3A_1563 = arith.constant 0 : i32
      %dma_wait3A_1564 = tpu.memref_slice %arg10[%dma_wait3A_1562, %dma_wait3A_1563] : memref<480x128xf32, #tpu.memory_space<vmem>> -> memref<30x128xf32, #tpu.memory_space<vmem>>
      %dma_wait3A_1565 = arith.constant 0 : i32
      %dma_wait3A_1566 = tpu.memref_slice %arg4[%dma_wait3A_1565, %multiple_of3A_252] : memref<30x1000000xf32, #tpu.memory_space<hbm>> -> memref<30x128xf32, #tpu.memory_space<hbm>>
      %dma_wait3A_1567 = arith.constant 60 : i32
      %dma_wait3A_1568 = arith.constant 0 : i32
      %dma_wait3A_1569 = tpu.memref_slice %arg10[%dma_wait3A_1567, %dma_wait3A_1568] : memref<480x128xf32, #tpu.memory_space<vmem>> -> memref<30x128xf32, #tpu.memory_space<vmem>>
      %dma_wait3A_1570 = arith.constant 0 : i32
      %dma_wait3A_1571 = tpu.memref_slice %arg4[%dma_wait3A_1570, %multiple_of3A_252] : memref<30x1000000xf32, #tpu.memory_space<hbm>> -> memref<30x128xf32, #tpu.memory_space<hbm>>
      tpu.wait_dma2 semaphore(%arg14 : memref<!tpu.dma_semaphore, #tpu.memory_space<semaphore_mem>>) src(%dma_wait3A_1571 : memref<30x128xf32, #tpu.memory_space<hbm>>) dst(%dma_wait3A_1569 : memref<30x128xf32, #tpu.memory_space<vmem>>)
      %dma_wait3A_1572 = arith.constant 20 : i32
      %dma_wait3A_1573 = arith.constant 0 : i32
      %dma_wait3A_1574 = tpu.memref_slice %arg11[%dma_wait3A_1572, %dma_wait3A_1573] : memref<160x128xf32, #tpu.memory_space<vmem>> -> memref<10x128xf32, #tpu.memory_space<vmem>>
      %dma_wait3A_1575 = arith.constant 0 : i32
      %dma_wait3A_1576 = tpu.memref_slice %arg5[%dma_wait3A_1575, %multiple_of3A_279] : memref<10x100000xf32, #tpu.memory_space<hbm>> -> memref<10x128xf32, #tpu.memory_space<hbm>>
      %dma_wait3A_1577 = arith.constant 20 : i32
      %dma_wait3A_1578 = arith.constant 0 : i32
      %dma_wait3A_1579 = tpu.memref_slice %arg11[%dma_wait3A_1577, %dma_wait3A_1578] : memref<160x128xf32, #tpu.memory_space<vmem>> -> memref<10x128xf32, #tpu.memory_space<vmem>>
      %dma_wait3A_1580 = arith.constant 0 : i32
      %dma_wait3A_1581 = tpu.memref_slice %arg5[%dma_wait3A_1580, %multiple_of3A_279] : memref<10x100000xf32, #tpu.memory_space<hbm>> -> memref<10x128xf32, #tpu.memory_space<hbm>>
      tpu.wait_dma2 semaphore(%arg15 : memref<!tpu.dma_semaphore, #tpu.memory_space<semaphore_mem>>) src(%dma_wait3A_1581 : memref<10x128xf32, #tpu.memory_space<hbm>>) dst(%dma_wait3A_1579 : memref<10x128xf32, #tpu.memory_space<vmem>>)
      %dma_wait3A_1582 = arith.constant 90 : i32
      %dma_wait3A_1583 = arith.constant 0 : i32
      %dma_wait3A_1584 = tpu.memref_slice %arg10[%dma_wait3A_1582, %dma_wait3A_1583] : memref<480x128xf32, #tpu.memory_space<vmem>> -> memref<30x128xf32, #tpu.memory_space<vmem>>
      %dma_wait3A_1585 = arith.constant 0 : i32
      %dma_wait3A_1586 = tpu.memref_slice %arg4[%dma_wait3A_1585, %multiple_of3A_346] : memref<30x1000000xf32, #tpu.memory_space<hbm>> -> memref<30x128xf32, #tpu.memory_space<hbm>>
      %dma_wait3A_1587 = arith.constant 90 : i32
      %dma_wait3A_1588 = arith.constant 0 : i32
      %dma_wait3A_1589 = tpu.memref_slice %arg10[%dma_wait3A_1587, %dma_wait3A_1588] : memref<480x128xf32, #tpu.memory_space<vmem>> -> memref<30x128xf32, #tpu.memory_space<vmem>>
      %dma_wait3A_1590 = arith.constant 0 : i32
      %dma_wait3A_1591 = tpu.memref_slice %arg4[%dma_wait3A_1590, %multiple_of3A_346] : memref<30x1000000xf32, #tpu.memory_space<hbm>> -> memref<30x128xf32, #tpu.memory_space<hbm>>
      tpu.wait_dma2 semaphore(%arg14 : memref<!tpu.dma_semaphore, #tpu.memory_space<semaphore_mem>>) src(%dma_wait3A_1591 : memref<30x128xf32, #tpu.memory_space<hbm>>) dst(%dma_wait3A_1589 : memref<30x128xf32, #tpu.memory_space<vmem>>)
      %dma_wait3A_1592 = arith.constant 30 : i32
      %dma_wait3A_1593 = arith.constant 0 : i32
      %dma_wait3A_1594 = tpu.memref_slice %arg11[%dma_wait3A_1592, %dma_wait3A_1593] : memref<160x128xf32, #tpu.memory_space<vmem>> -> memref<10x128xf32, #tpu.memory_space<vmem>>
      %dma_wait3A_1595 = arith.constant 0 : i32
      %dma_wait3A_1596 = tpu.memref_slice %arg5[%dma_wait3A_1595, %multiple_of3A_373] : memref<10x100000xf32, #tpu.memory_space<hbm>> -> memref<10x128xf32, #tpu.memory_space<hbm>>
      %dma_wait3A_1597 = arith.constant 30 : i32
      %dma_wait3A_1598 = arith.constant 0 : i32
      %dma_wait3A_1599 = tpu.memref_slice %arg11[%dma_wait3A_1597, %dma_wait3A_1598] : memref<160x128xf32, #tpu.memory_space<vmem>> -> memref<10x128xf32, #tpu.memory_space<vmem>>
      %dma_wait3A_1600 = arith.constant 0 : i32
      %dma_wait3A_1601 = tpu.memref_slice %arg5[%dma_wait3A_1600, %multiple_of3A_373] : memref<10x100000xf32, #tpu.memory_space<hbm>> -> memref<10x128xf32, #tpu.memory_space<hbm>>
      tpu.wait_dma2 semaphore(%arg15 : memref<!tpu.dma_semaphore, #tpu.memory_space<semaphore_mem>>) src(%dma_wait3A_1601 : memref<10x128xf32, #tpu.memory_space<hbm>>) dst(%dma_wait3A_1599 : memref<10x128xf32, #tpu.memory_space<vmem>>)
      %dma_wait3A_1602 = arith.constant 120 : i32
      %dma_wait3A_1603 = arith.constant 0 : i32
      %dma_wait3A_1604 = tpu.memref_slice %arg10[%dma_wait3A_1602, %dma_wait3A_1603] : memref<480x128xf32, #tpu.memory_space<vmem>> -> memref<30x128xf32, #tpu.memory_space<vmem>>
      %dma_wait3A_1605 = arith.constant 0 : i32
      %dma_wait3A_1606 = tpu.memref_slice %arg4[%dma_wait3A_1605, %multiple_of3A_440] : memref<30x1000000xf32, #tpu.memory_space<hbm>> -> memref<30x128xf32, #tpu.memory_space<hbm>>
      %dma_wait3A_1607 = arith.constant 120 : i32
      %dma_wait3A_1608 = arith.constant 0 : i32
      %dma_wait3A_1609 = tpu.memref_slice %arg10[%dma_wait3A_1607, %dma_wait3A_1608] : memref<480x128xf32, #tpu.memory_space<vmem>> -> memref<30x128xf32, #tpu.memory_space<vmem>>
      %dma_wait3A_1610 = arith.constant 0 : i32
      %dma_wait3A_1611 = tpu.memref_slice %arg4[%dma_wait3A_1610, %multiple_of3A_440] : memref<30x1000000xf32, #tpu.memory_space<hbm>> -> memref<30x128xf32, #tpu.memory_space<hbm>>
      tpu.wait_dma2 semaphore(%arg14 : memref<!tpu.dma_semaphore, #tpu.memory_space<semaphore_mem>>) src(%dma_wait3A_1611 : memref<30x128xf32, #tpu.memory_space<hbm>>) dst(%dma_wait3A_1609 : memref<30x128xf32, #tpu.memory_space<vmem>>)
      %dma_wait3A_1612 = arith.constant 40 : i32
      %dma_wait3A_1613 = arith.constant 0 : i32
      %dma_wait3A_1614 = tpu.memref_slice %arg11[%dma_wait3A_1612, %dma_wait3A_1613] : memref<160x128xf32, #tpu.memory_space<vmem>> -> memref<10x128xf32, #tpu.memory_space<vmem>>
      %dma_wait3A_1615 = arith.constant 0 : i32
      %dma_wait3A_1616 = tpu.memref_slice %arg5[%dma_wait3A_1615, %multiple_of3A_467] : memref<10x100000xf32, #tpu.memory_space<hbm>> -> memref<10x128xf32, #tpu.memory_space<hbm>>
      %dma_wait3A_1617 = arith.constant 40 : i32
      %dma_wait3A_1618 = arith.constant 0 : i32
      %dma_wait3A_1619 = tpu.memref_slice %arg11[%dma_wait3A_1617, %dma_wait3A_1618] : memref<160x128xf32, #tpu.memory_space<vmem>> -> memref<10x128xf32, #tpu.memory_space<vmem>>
      %dma_wait3A_1620 = arith.constant 0 : i32
      %dma_wait3A_1621 = tpu.memref_slice %arg5[%dma_wait3A_1620, %multiple_of3A_467] : memref<10x100000xf32, #tpu.memory_space<hbm>> -> memref<10x128xf32, #tpu.memory_space<hbm>>
      tpu.wait_dma2 semaphore(%arg15 : memref<!tpu.dma_semaphore, #tpu.memory_space<semaphore_mem>>) src(%dma_wait3A_1621 : memref<10x128xf32, #tpu.memory_space<hbm>>) dst(%dma_wait3A_1619 : memref<10x128xf32, #tpu.memory_space<vmem>>)
      %dma_wait3A_1622 = arith.constant 150 : i32
      %dma_wait3A_1623 = arith.constant 0 : i32
      %dma_wait3A_1624 = tpu.memref_slice %arg10[%dma_wait3A_1622, %dma_wait3A_1623] : memref<480x128xf32, #tpu.memory_space<vmem>> -> memref<30x128xf32, #tpu.memory_space<vmem>>
      %dma_wait3A_1625 = arith.constant 0 : i32
      %dma_wait3A_1626 = tpu.memref_slice %arg4[%dma_wait3A_1625, %multiple_of3A_534] : memref<30x1000000xf32, #tpu.memory_space<hbm>> -> memref<30x128xf32, #tpu.memory_space<hbm>>
      %dma_wait3A_1627 = arith.constant 150 : i32
      %dma_wait3A_1628 = arith.constant 0 : i32
      %dma_wait3A_1629 = tpu.memref_slice %arg10[%dma_wait3A_1627, %dma_wait3A_1628] : memref<480x128xf32, #tpu.memory_space<vmem>> -> memref<30x128xf32, #tpu.memory_space<vmem>>
      %dma_wait3A_1630 = arith.constant 0 : i32
      %dma_wait3A_1631 = tpu.memref_slice %arg4[%dma_wait3A_1630, %multiple_of3A_534] : memref<30x1000000xf32, #tpu.memory_space<hbm>> -> memref<30x128xf32, #tpu.memory_space<hbm>>
      tpu.wait_dma2 semaphore(%arg14 : memref<!tpu.dma_semaphore, #tpu.memory_space<semaphore_mem>>) src(%dma_wait3A_1631 : memref<30x128xf32, #tpu.memory_space<hbm>>) dst(%dma_wait3A_1629 : memref<30x128xf32, #tpu.memory_space<vmem>>)
      %dma_wait3A_1632 = arith.constant 50 : i32
      %dma_wait3A_1633 = arith.constant 0 : i32
      %dma_wait3A_1634 = tpu.memref_slice %arg11[%dma_wait3A_1632, %dma_wait3A_1633] : memref<160x128xf32, #tpu.memory_space<vmem>> -> memref<10x128xf32, #tpu.memory_space<vmem>>
      %dma_wait3A_1635 = arith.constant 0 : i32
      %dma_wait3A_1636 = tpu.memref_slice %arg5[%dma_wait3A_1635, %multiple_of3A_561] : memref<10x100000xf32, #tpu.memory_space<hbm>> -> memref<10x128xf32, #tpu.memory_space<hbm>>
      %dma_wait3A_1637 = arith.constant 50 : i32
      %dma_wait3A_1638 = arith.constant 0 : i32
      %dma_wait3A_1639 = tpu.memref_slice %arg11[%dma_wait3A_1637, %dma_wait3A_1638] : memref<160x128xf32, #tpu.memory_space<vmem>> -> memref<10x128xf32, #tpu.memory_space<vmem>>
      %dma_wait3A_1640 = arith.constant 0 : i32
      %dma_wait3A_1641 = tpu.memref_slice %arg5[%dma_wait3A_1640, %multiple_of3A_561] : memref<10x100000xf32, #tpu.memory_space<hbm>> -> memref<10x128xf32, #tpu.memory_space<hbm>>
      tpu.wait_dma2 semaphore(%arg15 : memref<!tpu.dma_semaphore, #tpu.memory_space<semaphore_mem>>) src(%dma_wait3A_1641 : memref<10x128xf32, #tpu.memory_space<hbm>>) dst(%dma_wait3A_1639 : memref<10x128xf32, #tpu.memory_space<vmem>>)
      %dma_wait3A_1642 = arith.constant 180 : i32
      %dma_wait3A_1643 = arith.constant 0 : i32
      %dma_wait3A_1644 = tpu.memref_slice %arg10[%dma_wait3A_1642, %dma_wait3A_1643] : memref<480x128xf32, #tpu.memory_space<vmem>> -> memref<30x128xf32, #tpu.memory_space<vmem>>
      %dma_wait3A_1645 = arith.constant 0 : i32
      %dma_wait3A_1646 = tpu.memref_slice %arg4[%dma_wait3A_1645, %multiple_of3A_628] : memref<30x1000000xf32, #tpu.memory_space<hbm>> -> memref<30x128xf32, #tpu.memory_space<hbm>>
      %dma_wait3A_1647 = arith.constant 180 : i32
      %dma_wait3A_1648 = arith.constant 0 : i32
      %dma_wait3A_1649 = tpu.memref_slice %arg10[%dma_wait3A_1647, %dma_wait3A_1648] : memref<480x128xf32, #tpu.memory_space<vmem>> -> memref<30x128xf32, #tpu.memory_space<vmem>>
      %dma_wait3A_1650 = arith.constant 0 : i32
      %dma_wait3A_1651 = tpu.memref_slice %arg4[%dma_wait3A_1650, %multiple_of3A_628] : memref<30x1000000xf32, #tpu.memory_space<hbm>> -> memref<30x128xf32, #tpu.memory_space<hbm>>
      tpu.wait_dma2 semaphore(%arg14 : memref<!tpu.dma_semaphore, #tpu.memory_space<semaphore_mem>>) src(%dma_wait3A_1651 : memref<30x128xf32, #tpu.memory_space<hbm>>) dst(%dma_wait3A_1649 : memref<30x128xf32, #tpu.memory_space<vmem>>)
      %dma_wait3A_1652 = arith.constant 60 : i32
      %dma_wait3A_1653 = arith.constant 0 : i32
      %dma_wait3A_1654 = tpu.memref_slice %arg11[%dma_wait3A_1652, %dma_wait3A_1653] : memref<160x128xf32, #tpu.memory_space<vmem>> -> memref<10x128xf32, #tpu.memory_space<vmem>>
      %dma_wait3A_1655 = arith.constant 0 : i32
      %dma_wait3A_1656 = tpu.memref_slice %arg5[%dma_wait3A_1655, %multiple_of3A_655] : memref<10x100000xf32, #tpu.memory_space<hbm>> -> memref<10x128xf32, #tpu.memory_space<hbm>>
      %dma_wait3A_1657 = arith.constant 60 : i32
      %dma_wait3A_1658 = arith.constant 0 : i32
      %dma_wait3A_1659 = tpu.memref_slice %arg11[%dma_wait3A_1657, %dma_wait3A_1658] : memref<160x128xf32, #tpu.memory_space<vmem>> -> memref<10x128xf32, #tpu.memory_space<vmem>>
      %dma_wait3A_1660 = arith.constant 0 : i32
      %dma_wait3A_1661 = tpu.memref_slice %arg5[%dma_wait3A_1660, %multiple_of3A_655] : memref<10x100000xf32, #tpu.memory_space<hbm>> -> memref<10x128xf32, #tpu.memory_space<hbm>>
      tpu.wait_dma2 semaphore(%arg15 : memref<!tpu.dma_semaphore, #tpu.memory_space<semaphore_mem>>) src(%dma_wait3A_1661 : memref<10x128xf32, #tpu.memory_space<hbm>>) dst(%dma_wait3A_1659 : memref<10x128xf32, #tpu.memory_space<vmem>>)
      %dma_wait3A_1662 = arith.constant 210 : i32
      %dma_wait3A_1663 = arith.constant 0 : i32
      %dma_wait3A_1664 = tpu.memref_slice %arg10[%dma_wait3A_1662, %dma_wait3A_1663] : memref<480x128xf32, #tpu.memory_space<vmem>> -> memref<30x128xf32, #tpu.memory_space<vmem>>
      %dma_wait3A_1665 = arith.constant 0 : i32
      %dma_wait3A_1666 = tpu.memref_slice %arg4[%dma_wait3A_1665, %multiple_of3A_722] : memref<30x1000000xf32, #tpu.memory_space<hbm>> -> memref<30x128xf32, #tpu.memory_space<hbm>>
      %dma_wait3A_1667 = arith.constant 210 : i32
      %dma_wait3A_1668 = arith.constant 0 : i32
      %dma_wait3A_1669 = tpu.memref_slice %arg10[%dma_wait3A_1667, %dma_wait3A_1668] : memref<480x128xf32, #tpu.memory_space<vmem>> -> memref<30x128xf32, #tpu.memory_space<vmem>>
      %dma_wait3A_1670 = arith.constant 0 : i32
      %dma_wait3A_1671 = tpu.memref_slice %arg4[%dma_wait3A_1670, %multiple_of3A_722] : memref<30x1000000xf32, #tpu.memory_space<hbm>> -> memref<30x128xf32, #tpu.memory_space<hbm>>
      tpu.wait_dma2 semaphore(%arg14 : memref<!tpu.dma_semaphore, #tpu.memory_space<semaphore_mem>>) src(%dma_wait3A_1671 : memref<30x128xf32, #tpu.memory_space<hbm>>) dst(%dma_wait3A_1669 : memref<30x128xf32, #tpu.memory_space<vmem>>)
      %dma_wait3A_1672 = arith.constant 70 : i32
      %dma_wait3A_1673 = arith.constant 0 : i32
      %dma_wait3A_1674 = tpu.memref_slice %arg11[%dma_wait3A_1672, %dma_wait3A_1673] : memref<160x128xf32, #tpu.memory_space<vmem>> -> memref<10x128xf32, #tpu.memory_space<vmem>>
      %dma_wait3A_1675 = arith.constant 0 : i32
      %dma_wait3A_1676 = tpu.memref_slice %arg5[%dma_wait3A_1675, %multiple_of3A_749] : memref<10x100000xf32, #tpu.memory_space<hbm>> -> memref<10x128xf32, #tpu.memory_space<hbm>>
      %dma_wait3A_1677 = arith.constant 70 : i32
      %dma_wait3A_1678 = arith.constant 0 : i32
      %dma_wait3A_1679 = tpu.memref_slice %arg11[%dma_wait3A_1677, %dma_wait3A_1678] : memref<160x128xf32, #tpu.memory_space<vmem>> -> memref<10x128xf32, #tpu.memory_space<vmem>>
      %dma_wait3A_1680 = arith.constant 0 : i32
      %dma_wait3A_1681 = tpu.memref_slice %arg5[%dma_wait3A_1680, %multiple_of3A_749] : memref<10x100000xf32, #tpu.memory_space<hbm>> -> memref<10x128xf32, #tpu.memory_space<hbm>>
      tpu.wait_dma2 semaphore(%arg15 : memref<!tpu.dma_semaphore, #tpu.memory_space<semaphore_mem>>) src(%dma_wait3A_1681 : memref<10x128xf32, #tpu.memory_space<hbm>>) dst(%dma_wait3A_1679 : memref<10x128xf32, #tpu.memory_space<vmem>>)
      %dma_wait3A_1682 = arith.constant 240 : i32
      %dma_wait3A_1683 = arith.constant 0 : i32
      %dma_wait3A_1684 = tpu.memref_slice %arg10[%dma_wait3A_1682, %dma_wait3A_1683] : memref<480x128xf32, #tpu.memory_space<vmem>> -> memref<30x128xf32, #tpu.memory_space<vmem>>
      %dma_wait3A_1685 = arith.constant 0 : i32
      %dma_wait3A_1686 = tpu.memref_slice %arg4[%dma_wait3A_1685, %multiple_of3A_816] : memref<30x1000000xf32, #tpu.memory_space<hbm>> -> memref<30x128xf32, #tpu.memory_space<hbm>>
      %dma_wait3A_1687 = arith.constant 240 : i32
      %dma_wait3A_1688 = arith.constant 0 : i32
      %dma_wait3A_1689 = tpu.memref_slice %arg10[%dma_wait3A_1687, %dma_wait3A_1688] : memref<480x128xf32, #tpu.memory_space<vmem>> -> memref<30x128xf32, #tpu.memory_space<vmem>>
      %dma_wait3A_1690 = arith.constant 0 : i32
      %dma_wait3A_1691 = tpu.memref_slice %arg4[%dma_wait3A_1690, %multiple_of3A_816] : memref<30x1000000xf32, #tpu.memory_space<hbm>> -> memref<30x128xf32, #tpu.memory_space<hbm>>
      tpu.wait_dma2 semaphore(%arg14 : memref<!tpu.dma_semaphore, #tpu.memory_space<semaphore_mem>>) src(%dma_wait3A_1691 : memref<30x128xf32, #tpu.memory_space<hbm>>) dst(%dma_wait3A_1689 : memref<30x128xf32, #tpu.memory_space<vmem>>)
      %dma_wait3A_1692 = arith.constant 80 : i32
      %dma_wait3A_1693 = arith.constant 0 : i32
      %dma_wait3A_1694 = tpu.memref_slice %arg11[%dma_wait3A_1692, %dma_wait3A_1693] : memref<160x128xf32, #tpu.memory_space<vmem>> -> memref<10x128xf32, #tpu.memory_space<vmem>>
      %dma_wait3A_1695 = arith.constant 0 : i32
      %dma_wait3A_1696 = tpu.memref_slice %arg5[%dma_wait3A_1695, %multiple_of3A_843] : memref<10x100000xf32, #tpu.memory_space<hbm>> -> memref<10x128xf32, #tpu.memory_space<hbm>>
      %dma_wait3A_1697 = arith.constant 80 : i32
      %dma_wait3A_1698 = arith.constant 0 : i32
      %dma_wait3A_1699 = tpu.memref_slice %arg11[%dma_wait3A_1697, %dma_wait3A_1698] : memref<160x128xf32, #tpu.memory_space<vmem>> -> memref<10x128xf32, #tpu.memory_space<vmem>>
      %dma_wait3A_1700 = arith.constant 0 : i32
      %dma_wait3A_1701 = tpu.memref_slice %arg5[%dma_wait3A_1700, %multiple_of3A_843] : memref<10x100000xf32, #tpu.memory_space<hbm>> -> memref<10x128xf32, #tpu.memory_space<hbm>>
      tpu.wait_dma2 semaphore(%arg15 : memref<!tpu.dma_semaphore, #tpu.memory_space<semaphore_mem>>) src(%dma_wait3A_1701 : memref<10x128xf32, #tpu.memory_space<hbm>>) dst(%dma_wait3A_1699 : memref<10x128xf32, #tpu.memory_space<vmem>>)
      %dma_wait3A_1702 = arith.constant 270 : i32
      %dma_wait3A_1703 = arith.constant 0 : i32
      %dma_wait3A_1704 = tpu.memref_slice %arg10[%dma_wait3A_1702, %dma_wait3A_1703] : memref<480x128xf32, #tpu.memory_space<vmem>> -> memref<30x128xf32, #tpu.memory_space<vmem>>
      %dma_wait3A_1705 = arith.constant 0 : i32
      %dma_wait3A_1706 = tpu.memref_slice %arg4[%dma_wait3A_1705, %multiple_of3A_910] : memref<30x1000000xf32, #tpu.memory_space<hbm>> -> memref<30x128xf32, #tpu.memory_space<hbm>>
      %dma_wait3A_1707 = arith.constant 270 : i32
      %dma_wait3A_1708 = arith.constant 0 : i32
      %dma_wait3A_1709 = tpu.memref_slice %arg10[%dma_wait3A_1707, %dma_wait3A_1708] : memref<480x128xf32, #tpu.memory_space<vmem>> -> memref<30x128xf32, #tpu.memory_space<vmem>>
      %dma_wait3A_1710 = arith.constant 0 : i32
      %dma_wait3A_1711 = tpu.memref_slice %arg4[%dma_wait3A_1710, %multiple_of3A_910] : memref<30x1000000xf32, #tpu.memory_space<hbm>> -> memref<30x128xf32, #tpu.memory_space<hbm>>
      tpu.wait_dma2 semaphore(%arg14 : memref<!tpu.dma_semaphore, #tpu.memory_space<semaphore_mem>>) src(%dma_wait3A_1711 : memref<30x128xf32, #tpu.memory_space<hbm>>) dst(%dma_wait3A_1709 : memref<30x128xf32, #tpu.memory_space<vmem>>)
      %dma_wait3A_1712 = arith.constant 90 : i32
      %dma_wait3A_1713 = arith.constant 0 : i32
      %dma_wait3A_1714 = tpu.memref_slice %arg11[%dma_wait3A_1712, %dma_wait3A_1713] : memref<160x128xf32, #tpu.memory_space<vmem>> -> memref<10x128xf32, #tpu.memory_space<vmem>>
      %dma_wait3A_1715 = arith.constant 0 : i32
      %dma_wait3A_1716 = tpu.memref_slice %arg5[%dma_wait3A_1715, %multiple_of3A_937] : memref<10x100000xf32, #tpu.memory_space<hbm>> -> memref<10x128xf32, #tpu.memory_space<hbm>>
      %dma_wait3A_1717 = arith.constant 90 : i32
      %dma_wait3A_1718 = arith.constant 0 : i32
      %dma_wait3A_1719 = tpu.memref_slice %arg11[%dma_wait3A_1717, %dma_wait3A_1718] : memref<160x128xf32, #tpu.memory_space<vmem>> -> memref<10x128xf32, #tpu.memory_space<vmem>>
      %dma_wait3A_1720 = arith.constant 0 : i32
      %dma_wait3A_1721 = tpu.memref_slice %arg5[%dma_wait3A_1720, %multiple_of3A_937] : memref<10x100000xf32, #tpu.memory_space<hbm>> -> memref<10x128xf32, #tpu.memory_space<hbm>>
      tpu.wait_dma2 semaphore(%arg15 : memref<!tpu.dma_semaphore, #tpu.memory_space<semaphore_mem>>) src(%dma_wait3A_1721 : memref<10x128xf32, #tpu.memory_space<hbm>>) dst(%dma_wait3A_1719 : memref<10x128xf32, #tpu.memory_space<vmem>>)
      %dma_wait3A_1722 = arith.constant 300 : i32
      %dma_wait3A_1723 = arith.constant 0 : i32
      %dma_wait3A_1724 = tpu.memref_slice %arg10[%dma_wait3A_1722, %dma_wait3A_1723] : memref<480x128xf32, #tpu.memory_space<vmem>> -> memref<30x128xf32, #tpu.memory_space<vmem>>
      %dma_wait3A_1725 = arith.constant 0 : i32
      %dma_wait3A_1726 = tpu.memref_slice %arg4[%dma_wait3A_1725, %multiple_of3A_1004] : memref<30x1000000xf32, #tpu.memory_space<hbm>> -> memref<30x128xf32, #tpu.memory_space<hbm>>
      %dma_wait3A_1727 = arith.constant 300 : i32
      %dma_wait3A_1728 = arith.constant 0 : i32
      %dma_wait3A_1729 = tpu.memref_slice %arg10[%dma_wait3A_1727, %dma_wait3A_1728] : memref<480x128xf32, #tpu.memory_space<vmem>> -> memref<30x128xf32, #tpu.memory_space<vmem>>
      %dma_wait3A_1730 = arith.constant 0 : i32
      %dma_wait3A_1731 = tpu.memref_slice %arg4[%dma_wait3A_1730, %multiple_of3A_1004] : memref<30x1000000xf32, #tpu.memory_space<hbm>> -> memref<30x128xf32, #tpu.memory_space<hbm>>
      tpu.wait_dma2 semaphore(%arg14 : memref<!tpu.dma_semaphore, #tpu.memory_space<semaphore_mem>>) src(%dma_wait3A_1731 : memref<30x128xf32, #tpu.memory_space<hbm>>) dst(%dma_wait3A_1729 : memref<30x128xf32, #tpu.memory_space<vmem>>)
      %dma_wait3A_1732 = arith.constant 100 : i32
      %dma_wait3A_1733 = arith.constant 0 : i32
      %dma_wait3A_1734 = tpu.memref_slice %arg11[%dma_wait3A_1732, %dma_wait3A_1733] : memref<160x128xf32, #tpu.memory_space<vmem>> -> memref<10x128xf32, #tpu.memory_space<vmem>>
      %dma_wait3A_1735 = arith.constant 0 : i32
      %dma_wait3A_1736 = tpu.memref_slice %arg5[%dma_wait3A_1735, %multiple_of3A_1031] : memref<10x100000xf32, #tpu.memory_space<hbm>> -> memref<10x128xf32, #tpu.memory_space<hbm>>
      %dma_wait3A_1737 = arith.constant 100 : i32
      %dma_wait3A_1738 = arith.constant 0 : i32
      %dma_wait3A_1739 = tpu.memref_slice %arg11[%dma_wait3A_1737, %dma_wait3A_1738] : memref<160x128xf32, #tpu.memory_space<vmem>> -> memref<10x128xf32, #tpu.memory_space<vmem>>
      %dma_wait3A_1740 = arith.constant 0 : i32
      %dma_wait3A_1741 = tpu.memref_slice %arg5[%dma_wait3A_1740, %multiple_of3A_1031] : memref<10x100000xf32, #tpu.memory_space<hbm>> -> memref<10x128xf32, #tpu.memory_space<hbm>>
      tpu.wait_dma2 semaphore(%arg15 : memref<!tpu.dma_semaphore, #tpu.memory_space<semaphore_mem>>) src(%dma_wait3A_1741 : memref<10x128xf32, #tpu.memory_space<hbm>>) dst(%dma_wait3A_1739 : memref<10x128xf32, #tpu.memory_space<vmem>>)
      %dma_wait3A_1742 = arith.constant 330 : i32
      %dma_wait3A_1743 = arith.constant 0 : i32
      %dma_wait3A_1744 = tpu.memref_slice %arg10[%dma_wait3A_1742, %dma_wait3A_1743] : memref<480x128xf32, #tpu.memory_space<vmem>> -> memref<30x128xf32, #tpu.memory_space<vmem>>
      %dma_wait3A_1745 = arith.constant 0 : i32
      %dma_wait3A_1746 = tpu.memref_slice %arg4[%dma_wait3A_1745, %multiple_of3A_1098] : memref<30x1000000xf32, #tpu.memory_space<hbm>> -> memref<30x128xf32, #tpu.memory_space<hbm>>
      %dma_wait3A_1747 = arith.constant 330 : i32
      %dma_wait3A_1748 = arith.constant 0 : i32
      %dma_wait3A_1749 = tpu.memref_slice %arg10[%dma_wait3A_1747, %dma_wait3A_1748] : memref<480x128xf32, #tpu.memory_space<vmem>> -> memref<30x128xf32, #tpu.memory_space<vmem>>
      %dma_wait3A_1750 = arith.constant 0 : i32
      %dma_wait3A_1751 = tpu.memref_slice %arg4[%dma_wait3A_1750, %multiple_of3A_1098] : memref<30x1000000xf32, #tpu.memory_space<hbm>> -> memref<30x128xf32, #tpu.memory_space<hbm>>
      tpu.wait_dma2 semaphore(%arg14 : memref<!tpu.dma_semaphore, #tpu.memory_space<semaphore_mem>>) src(%dma_wait3A_1751 : memref<30x128xf32, #tpu.memory_space<hbm>>) dst(%dma_wait3A_1749 : memref<30x128xf32, #tpu.memory_space<vmem>>)
      %dma_wait3A_1752 = arith.constant 110 : i32
      %dma_wait3A_1753 = arith.constant 0 : i32
      %dma_wait3A_1754 = tpu.memref_slice %arg11[%dma_wait3A_1752, %dma_wait3A_1753] : memref<160x128xf32, #tpu.memory_space<vmem>> -> memref<10x128xf32, #tpu.memory_space<vmem>>
      %dma_wait3A_1755 = arith.constant 0 : i32
      %dma_wait3A_1756 = tpu.memref_slice %arg5[%dma_wait3A_1755, %multiple_of3A_1125] : memref<10x100000xf32, #tpu.memory_space<hbm>> -> memref<10x128xf32, #tpu.memory_space<hbm>>
      %dma_wait3A_1757 = arith.constant 110 : i32
      %dma_wait3A_1758 = arith.constant 0 : i32
      %dma_wait3A_1759 = tpu.memref_slice %arg11[%dma_wait3A_1757, %dma_wait3A_1758] : memref<160x128xf32, #tpu.memory_space<vmem>> -> memref<10x128xf32, #tpu.memory_space<vmem>>
      %dma_wait3A_1760 = arith.constant 0 : i32
      %dma_wait3A_1761 = tpu.memref_slice %arg5[%dma_wait3A_1760, %multiple_of3A_1125] : memref<10x100000xf32, #tpu.memory_space<hbm>> -> memref<10x128xf32, #tpu.memory_space<hbm>>
      tpu.wait_dma2 semaphore(%arg15 : memref<!tpu.dma_semaphore, #tpu.memory_space<semaphore_mem>>) src(%dma_wait3A_1761 : memref<10x128xf32, #tpu.memory_space<hbm>>) dst(%dma_wait3A_1759 : memref<10x128xf32, #tpu.memory_space<vmem>>)
      %dma_wait3A_1762 = arith.constant 360 : i32
      %dma_wait3A_1763 = arith.constant 0 : i32
      %dma_wait3A_1764 = tpu.memref_slice %arg10[%dma_wait3A_1762, %dma_wait3A_1763] : memref<480x128xf32, #tpu.memory_space<vmem>> -> memref<30x128xf32, #tpu.memory_space<vmem>>
      %dma_wait3A_1765 = arith.constant 0 : i32
      %dma_wait3A_1766 = tpu.memref_slice %arg4[%dma_wait3A_1765, %multiple_of3A_1192] : memref<30x1000000xf32, #tpu.memory_space<hbm>> -> memref<30x128xf32, #tpu.memory_space<hbm>>
      %dma_wait3A_1767 = arith.constant 360 : i32
      %dma_wait3A_1768 = arith.constant 0 : i32
      %dma_wait3A_1769 = tpu.memref_slice %arg10[%dma_wait3A_1767, %dma_wait3A_1768] : memref<480x128xf32, #tpu.memory_space<vmem>> -> memref<30x128xf32, #tpu.memory_space<vmem>>
      %dma_wait3A_1770 = arith.constant 0 : i32
      %dma_wait3A_1771 = tpu.memref_slice %arg4[%dma_wait3A_1770, %multiple_of3A_1192] : memref<30x1000000xf32, #tpu.memory_space<hbm>> -> memref<30x128xf32, #tpu.memory_space<hbm>>
      tpu.wait_dma2 semaphore(%arg14 : memref<!tpu.dma_semaphore, #tpu.memory_space<semaphore_mem>>) src(%dma_wait3A_1771 : memref<30x128xf32, #tpu.memory_space<hbm>>) dst(%dma_wait3A_1769 : memref<30x128xf32, #tpu.memory_space<vmem>>)
      %dma_wait3A_1772 = arith.constant 120 : i32
      %dma_wait3A_1773 = arith.constant 0 : i32
      %dma_wait3A_1774 = tpu.memref_slice %arg11[%dma_wait3A_1772, %dma_wait3A_1773] : memref<160x128xf32, #tpu.memory_space<vmem>> -> memref<10x128xf32, #tpu.memory_space<vmem>>
      %dma_wait3A_1775 = arith.constant 0 : i32
      %dma_wait3A_1776 = tpu.memref_slice %arg5[%dma_wait3A_1775, %multiple_of3A_1219] : memref<10x100000xf32, #tpu.memory_space<hbm>> -> memref<10x128xf32, #tpu.memory_space<hbm>>
      %dma_wait3A_1777 = arith.constant 120 : i32
      %dma_wait3A_1778 = arith.constant 0 : i32
      %dma_wait3A_1779 = tpu.memref_slice %arg11[%dma_wait3A_1777, %dma_wait3A_1778] : memref<160x128xf32, #tpu.memory_space<vmem>> -> memref<10x128xf32, #tpu.memory_space<vmem>>
      %dma_wait3A_1780 = arith.constant 0 : i32
      %dma_wait3A_1781 = tpu.memref_slice %arg5[%dma_wait3A_1780, %multiple_of3A_1219] : memref<10x100000xf32, #tpu.memory_space<hbm>> -> memref<10x128xf32, #tpu.memory_space<hbm>>
      tpu.wait_dma2 semaphore(%arg15 : memref<!tpu.dma_semaphore, #tpu.memory_space<semaphore_mem>>) src(%dma_wait3A_1781 : memref<10x128xf32, #tpu.memory_space<hbm>>) dst(%dma_wait3A_1779 : memref<10x128xf32, #tpu.memory_space<vmem>>)
      %dma_wait3A_1782 = arith.constant 390 : i32
      %dma_wait3A_1783 = arith.constant 0 : i32
      %dma_wait3A_1784 = tpu.memref_slice %arg10[%dma_wait3A_1782, %dma_wait3A_1783] : memref<480x128xf32, #tpu.memory_space<vmem>> -> memref<30x128xf32, #tpu.memory_space<vmem>>
      %dma_wait3A_1785 = arith.constant 0 : i32
      %dma_wait3A_1786 = tpu.memref_slice %arg4[%dma_wait3A_1785, %multiple_of3A_1286] : memref<30x1000000xf32, #tpu.memory_space<hbm>> -> memref<30x128xf32, #tpu.memory_space<hbm>>
      %dma_wait3A_1787 = arith.constant 390 : i32
      %dma_wait3A_1788 = arith.constant 0 : i32
      %dma_wait3A_1789 = tpu.memref_slice %arg10[%dma_wait3A_1787, %dma_wait3A_1788] : memref<480x128xf32, #tpu.memory_space<vmem>> -> memref<30x128xf32, #tpu.memory_space<vmem>>
      %dma_wait3A_1790 = arith.constant 0 : i32
      %dma_wait3A_1791 = tpu.memref_slice %arg4[%dma_wait3A_1790, %multiple_of3A_1286] : memref<30x1000000xf32, #tpu.memory_space<hbm>> -> memref<30x128xf32, #tpu.memory_space<hbm>>
      tpu.wait_dma2 semaphore(%arg14 : memref<!tpu.dma_semaphore, #tpu.memory_space<semaphore_mem>>) src(%dma_wait3A_1791 : memref<30x128xf32, #tpu.memory_space<hbm>>) dst(%dma_wait3A_1789 : memref<30x128xf32, #tpu.memory_space<vmem>>)
      %dma_wait3A_1792 = arith.constant 130 : i32
      %dma_wait3A_1793 = arith.constant 0 : i32
      %dma_wait3A_1794 = tpu.memref_slice %arg11[%dma_wait3A_1792, %dma_wait3A_1793] : memref<160x128xf32, #tpu.memory_space<vmem>> -> memref<10x128xf32, #tpu.memory_space<vmem>>
      %dma_wait3A_1795 = arith.constant 0 : i32
      %dma_wait3A_1796 = tpu.memref_slice %arg5[%dma_wait3A_1795, %multiple_of3A_1313] : memref<10x100000xf32, #tpu.memory_space<hbm>> -> memref<10x128xf32, #tpu.memory_space<hbm>>
      %dma_wait3A_1797 = arith.constant 130 : i32
      %dma_wait3A_1798 = arith.constant 0 : i32
      %dma_wait3A_1799 = tpu.memref_slice %arg11[%dma_wait3A_1797, %dma_wait3A_1798] : memref<160x128xf32, #tpu.memory_space<vmem>> -> memref<10x128xf32, #tpu.memory_space<vmem>>
      %dma_wait3A_1800 = arith.constant 0 : i32
      %dma_wait3A_1801 = tpu.memref_slice %arg5[%dma_wait3A_1800, %multiple_of3A_1313] : memref<10x100000xf32, #tpu.memory_space<hbm>> -> memref<10x128xf32, #tpu.memory_space<hbm>>
      tpu.wait_dma2 semaphore(%arg15 : memref<!tpu.dma_semaphore, #tpu.memory_space<semaphore_mem>>) src(%dma_wait3A_1801 : memref<10x128xf32, #tpu.memory_space<hbm>>) dst(%dma_wait3A_1799 : memref<10x128xf32, #tpu.memory_space<vmem>>)
      %dma_wait3A_1802 = arith.constant 420 : i32
      %dma_wait3A_1803 = arith.constant 0 : i32
      %dma_wait3A_1804 = tpu.memref_slice %arg10[%dma_wait3A_1802, %dma_wait3A_1803] : memref<480x128xf32, #tpu.memory_space<vmem>> -> memref<30x128xf32, #tpu.memory_space<vmem>>
      %dma_wait3A_1805 = arith.constant 0 : i32
      %dma_wait3A_1806 = tpu.memref_slice %arg4[%dma_wait3A_1805, %multiple_of3A_1380] : memref<30x1000000xf32, #tpu.memory_space<hbm>> -> memref<30x128xf32, #tpu.memory_space<hbm>>
      %dma_wait3A_1807 = arith.constant 420 : i32
      %dma_wait3A_1808 = arith.constant 0 : i32
      %dma_wait3A_1809 = tpu.memref_slice %arg10[%dma_wait3A_1807, %dma_wait3A_1808] : memref<480x128xf32, #tpu.memory_space<vmem>> -> memref<30x128xf32, #tpu.memory_space<vmem>>
      %dma_wait3A_1810 = arith.constant 0 : i32
      %dma_wait3A_1811 = tpu.memref_slice %arg4[%dma_wait3A_1810, %multiple_of3A_1380] : memref<30x1000000xf32, #tpu.memory_space<hbm>> -> memref<30x128xf32, #tpu.memory_space<hbm>>
      tpu.wait_dma2 semaphore(%arg14 : memref<!tpu.dma_semaphore, #tpu.memory_space<semaphore_mem>>) src(%dma_wait3A_1811 : memref<30x128xf32, #tpu.memory_space<hbm>>) dst(%dma_wait3A_1809 : memref<30x128xf32, #tpu.memory_space<vmem>>)
      %dma_wait3A_1812 = arith.constant 140 : i32
      %dma_wait3A_1813 = arith.constant 0 : i32
      %dma_wait3A_1814 = tpu.memref_slice %arg11[%dma_wait3A_1812, %dma_wait3A_1813] : memref<160x128xf32, #tpu.memory_space<vmem>> -> memref<10x128xf32, #tpu.memory_space<vmem>>
      %dma_wait3A_1815 = arith.constant 0 : i32
      %dma_wait3A_1816 = tpu.memref_slice %arg5[%dma_wait3A_1815, %multiple_of3A_1407] : memref<10x100000xf32, #tpu.memory_space<hbm>> -> memref<10x128xf32, #tpu.memory_space<hbm>>
      %dma_wait3A_1817 = arith.constant 140 : i32
      %dma_wait3A_1818 = arith.constant 0 : i32
      %dma_wait3A_1819 = tpu.memref_slice %arg11[%dma_wait3A_1817, %dma_wait3A_1818] : memref<160x128xf32, #tpu.memory_space<vmem>> -> memref<10x128xf32, #tpu.memory_space<vmem>>
      %dma_wait3A_1820 = arith.constant 0 : i32
      %dma_wait3A_1821 = tpu.memref_slice %arg5[%dma_wait3A_1820, %multiple_of3A_1407] : memref<10x100000xf32, #tpu.memory_space<hbm>> -> memref<10x128xf32, #tpu.memory_space<hbm>>
      tpu.wait_dma2 semaphore(%arg15 : memref<!tpu.dma_semaphore, #tpu.memory_space<semaphore_mem>>) src(%dma_wait3A_1821 : memref<10x128xf32, #tpu.memory_space<hbm>>) dst(%dma_wait3A_1819 : memref<10x128xf32, #tpu.memory_space<vmem>>)
      %dma_wait3A_1822 = arith.constant 450 : i32
      %dma_wait3A_1823 = arith.constant 0 : i32
      %dma_wait3A_1824 = tpu.memref_slice %arg10[%dma_wait3A_1822, %dma_wait3A_1823] : memref<480x128xf32, #tpu.memory_space<vmem>> -> memref<30x128xf32, #tpu.memory_space<vmem>>
      %dma_wait3A_1825 = arith.constant 0 : i32
      %dma_wait3A_1826 = tpu.memref_slice %arg4[%dma_wait3A_1825, %multiple_of3A_1474] : memref<30x1000000xf32, #tpu.memory_space<hbm>> -> memref<30x128xf32, #tpu.memory_space<hbm>>
      %dma_wait3A_1827 = arith.constant 450 : i32
      %dma_wait3A_1828 = arith.constant 0 : i32
      %dma_wait3A_1829 = tpu.memref_slice %arg10[%dma_wait3A_1827, %dma_wait3A_1828] : memref<480x128xf32, #tpu.memory_space<vmem>> -> memref<30x128xf32, #tpu.memory_space<vmem>>
      %dma_wait3A_1830 = arith.constant 0 : i32
      %dma_wait3A_1831 = tpu.memref_slice %arg4[%dma_wait3A_1830, %multiple_of3A_1474] : memref<30x1000000xf32, #tpu.memory_space<hbm>> -> memref<30x128xf32, #tpu.memory_space<hbm>>
      tpu.wait_dma2 semaphore(%arg14 : memref<!tpu.dma_semaphore, #tpu.memory_space<semaphore_mem>>) src(%dma_wait3A_1831 : memref<30x128xf32, #tpu.memory_space<hbm>>) dst(%dma_wait3A_1829 : memref<30x128xf32, #tpu.memory_space<vmem>>)
      %dma_wait3A_1832 = arith.constant 150 : i32
      %dma_wait3A_1833 = arith.constant 0 : i32
      %dma_wait3A_1834 = tpu.memref_slice %arg11[%dma_wait3A_1832, %dma_wait3A_1833] : memref<160x128xf32, #tpu.memory_space<vmem>> -> memref<10x128xf32, #tpu.memory_space<vmem>>
      %dma_wait3A_1835 = arith.constant 0 : i32
      %dma_wait3A_1836 = tpu.memref_slice %arg5[%dma_wait3A_1835, %multiple_of3A_1501] : memref<10x100000xf32, #tpu.memory_space<hbm>> -> memref<10x128xf32, #tpu.memory_space<hbm>>
      %dma_wait3A_1837 = arith.constant 150 : i32
      %dma_wait3A_1838 = arith.constant 0 : i32
      %dma_wait3A_1839 = tpu.memref_slice %arg11[%dma_wait3A_1837, %dma_wait3A_1838] : memref<160x128xf32, #tpu.memory_space<vmem>> -> memref<10x128xf32, #tpu.memory_space<vmem>>
      %dma_wait3A_1840 = arith.constant 0 : i32
      %dma_wait3A_1841 = tpu.memref_slice %arg5[%dma_wait3A_1840, %multiple_of3A_1501] : memref<10x100000xf32, #tpu.memory_space<hbm>> -> memref<10x128xf32, #tpu.memory_space<hbm>>
      tpu.wait_dma2 semaphore(%arg15 : memref<!tpu.dma_semaphore, #tpu.memory_space<semaphore_mem>>) src(%dma_wait3A_1841 : memref<10x128xf32, #tpu.memory_space<hbm>>) dst(%dma_wait3A_1839 : memref<10x128xf32, #tpu.memory_space<vmem>>)
      %rem3A_1842 = arith.constant 128 : i32
      %rem3A_1843 = vector.broadcast %rem3A_1842 : i32 to vector<16xi32>
      %rem3A_1844 = arith.remsi %get3A_24, %rem3A_1843 : vector<16xi32>
      %rem3A_1845 = arith.constant 128 : i32
      %rem3A_1846 = vector.broadcast %rem3A_1845 : i32 to vector<16xi32>
      %rem3A_1847 = arith.remsi %get3A_28, %rem3A_1846 : vector<16xi32>
      %mul3A_1848 = arith.constant 16 : i32
      %mul3A_1849 = arith.muli %scan3A_21, %mul3A_1848 : i32
      %add3A_1850 = vector.broadcast %mul3A_1849 : i32 to vector<16xi32>
      %add3A_1851 = arith.addi %add3A_1850, %iota3A : vector<16xi32>
      %scan3A_1852 = arith.constant 0 : i32
      %scan3A_1853 = arith.constant 30 : i32
      %scan3A_1854 = arith.addi %scan3A_1852, %scan3A_1853 : i32
      %scan3A_1855 = arith.constant 1 : i32
      scf.for %scan3A_1862 = %scan3A_1852 to %scan3A_1854 step %scan3A_1855  : i32 {
        %broadcast_in_dim3A_1863 = vector.broadcast %scan3A_1862 : i32 to vector<16xi32>
        %mul3A_1864 = arith.constant 30 : i32
        %mul3A_1865 = vector.broadcast %mul3A_1864 : i32 to vector<16xi32>
        %mul3A_1866 = arith.muli %iota3A, %mul3A_1865 : vector<16xi32>
        %add3A_1867 = arith.addi %mul3A_1866, %broadcast_in_dim3A_1863 : vector<16xi32>
        %gather3A = tpu.vector_load_idx %arg10[%add3A_1867, %rem3A_1844] : memref<480x128xf32, #tpu.memory_space<vmem>>[vector<16xi32>, vector<16xi32>], vector<16xf32>,
        tpu.vector_store_idx %arg12[%broadcast_in_dim3A_1863, %add3A_1851], %gather3A : memref<30x128xf32, #tpu.memory_space<vmem>>[vector<16xi32>, vector<16xi32>], vector<16xf32>,
      }
      %scan3A_1856 = arith.constant 30 : i32
      %scan3A_1857 = arith.constant 0 : i32
      %scan3A_1858 = arith.constant 10 : i32
      %scan3A_1859 = arith.addi %scan3A_1857, %scan3A_1858 : i32
      %scan3A_1860 = arith.constant 1 : i32
      scf.for %scan3A_1862 = %scan3A_1857 to %scan3A_1859 step %scan3A_1860  : i32 {
        %broadcast_in_dim3A_1863 = vector.broadcast %scan3A_1862 : i32 to vector<16xi32>
        %mul3A_1864 = arith.constant 10 : i32
        %mul3A_1865 = vector.broadcast %mul3A_1864 : i32 to vector<16xi32>
        %mul3A_1866 = arith.muli %iota3A, %mul3A_1865 : vector<16xi32>
        %add3A_1867 = arith.addi %mul3A_1866, %broadcast_in_dim3A_1863 : vector<16xi32>
        %gather3A = tpu.vector_load_idx %arg11[%add3A_1867, %rem3A_1847] : memref<160x128xf32, #tpu.memory_space<vmem>>[vector<16xi32>, vector<16xi32>], vector<16xf32>,
        tpu.vector_store_idx %arg13[%broadcast_in_dim3A_1863, %add3A_1851], %gather3A : memref<10x128xf32, #tpu.memory_space<vmem>>[vector<16xi32>, vector<16xi32>], vector<16xf32>,
      }
      %scan3A_1861 = arith.constant 10 : i32
    }
    %scan3A_6 = arith.constant 8 : i32
    %dma_start3A = arith.constant 0 : i32
    %dma_start3A_7 = tpu.memref_slice %arg6[%dma_start3A, %multiple_of3A] : memref<30x4096xf32, #tpu.memory_space<hbm>> -> memref<30x128xf32, #tpu.memory_space<hbm>>
    %dma_start3A_8 = arith.constant 0 : i32
    %dma_start3A_9 = tpu.memref_slice %arg6[%dma_start3A_8, %multiple_of3A] : memref<30x4096xf32, #tpu.memory_space<hbm>> -> memref<30x128xf32, #tpu.memory_space<hbm>>
    tpu.enqueue_dma source(%arg12 : memref<30x128xf32, #tpu.memory_space<vmem>>) target(%dma_start3A_9 : memref<30x128xf32, #tpu.memory_space<hbm>>) target_semaphore(%arg16 : memref<!tpu.dma_semaphore, #tpu.memory_space<semaphore_mem>>)
    %dma_start3A_10 = arith.constant 0 : i32
    %dma_start3A_11 = tpu.memref_slice %arg7[%dma_start3A_10, %multiple_of3A] : memref<10x4096xf32, #tpu.memory_space<hbm>> -> memref<10x128xf32, #tpu.memory_space<hbm>>
    %dma_start3A_12 = arith.constant 0 : i32
    %dma_start3A_13 = tpu.memref_slice %arg7[%dma_start3A_12, %multiple_of3A] : memref<10x4096xf32, #tpu.memory_space<hbm>> -> memref<10x128xf32, #tpu.memory_space<hbm>>
    tpu.enqueue_dma source(%arg13 : memref<10x128xf32, #tpu.memory_space<vmem>>) target(%dma_start3A_13 : memref<10x128xf32, #tpu.memory_space<hbm>>) target_semaphore(%arg16 : memref<!tpu.dma_semaphore, #tpu.memory_space<semaphore_mem>>)
    %dma_wait3A = arith.constant 0 : i32
    %dma_wait3A_14 = tpu.memref_slice %arg6[%dma_wait3A, %multiple_of3A] : memref<30x4096xf32, #tpu.memory_space<hbm>> -> memref<30x128xf32, #tpu.memory_space<hbm>>
    %dma_wait3A_15 = arith.constant 0 : i32
    %dma_wait3A_16 = tpu.memref_slice %arg6[%dma_wait3A_15, %multiple_of3A] : memref<30x4096xf32, #tpu.memory_space<hbm>> -> memref<30x128xf32, #tpu.memory_space<hbm>>
    tpu.wait_dma2 semaphore(%arg16 : memref<!tpu.dma_semaphore, #tpu.memory_space<semaphore_mem>>) src(%arg12 : memref<30x128xf32, #tpu.memory_space<vmem>>) dst(%dma_wait3A_16 : memref<30x128xf32, #tpu.memory_space<hbm>>)
    %dma_wait3A_17 = arith.constant 0 : i32
    %dma_wait3A_18 = tpu.memref_slice %arg7[%dma_wait3A_17, %multiple_of3A] : memref<10x4096xf32, #tpu.memory_space<hbm>> -> memref<10x128xf32, #tpu.memory_space<hbm>>
    %dma_wait3A_19 = arith.constant 0 : i32
    %dma_wait3A_20 = tpu.memref_slice %arg7[%dma_wait3A_19, %multiple_of3A] : memref<10x4096xf32, #tpu.memory_space<hbm>> -> memref<10x128xf32, #tpu.memory_space<hbm>>
    tpu.wait_dma2 semaphore(%arg16 : memref<!tpu.dma_semaphore, #tpu.memory_space<semaphore_mem>>) src(%arg13 : memref<10x128xf32, #tpu.memory_space<vmem>>) dst(%dma_wait3A_20 : memref<10x128xf32, #tpu.memory_space<hbm>>)
    return
  }
}

module attributes {stable_mosaic.version = 14 : i64} {
  func.func @_tc_combine_body(%arg0: i32, %arg1: memref<30x2048xf32, #tpu.memory_space<vmem>>, %arg2: memref<10x2048xf32, #tpu.memory_space<vmem>>, %arg3: memref<30x2048xf32, #tpu.memory_space<vmem>>, %arg4: memref<1x30xf32, #tpu.memory_space<vmem>>, %arg5: memref<1x1xf32, #tpu.memory_space<vmem>>, %arg6: memref<1x2048xf32, #tpu.memory_space<vmem>>) attributes {dimension_semantics = [#tpu.dimension_semantics<arbitrary>], iteration_bounds = array<i64: 2>, scalar_prefetch = 0 : i64, scratch_operands = 0 : i64, tpu.core_type = #tpu.core_type<tc>, window_params = [{transform_indices = @transform_0, window_bounds = array<i64: 30, 2048>}, {transform_indices = @transform_1, window_bounds = array<i64: 10, 2048>}, {transform_indices = @transform_2, window_bounds = array<i64: 30, 2048>}, {pipeline_mode = #tpu.pipeline_mode<synchronous>, transform_indices = @transform_3, window_bounds = array<i64: 1, 30>}, {pipeline_mode = #tpu.pipeline_mode<synchronous>, transform_indices = @transform_4, window_bounds = array<i64: 1, 1>}, {transform_indices = @transform_5, window_bounds = array<i64: 1, 2048>}]} {
    %iota3A = tpu.iota {dimensions = array<i32: 0>} : vector<30x10xi32>
    %iota3A_0 = tpu.iota {dimensions = array<i32: 1>} : vector<30x10xi32>
    %eq3A = arith.cmpi eq, %iota3A, %iota3A_0 : vector<30x10xi32>
    %convert_element_type3A = arith.extui %eq3A : vector<30x10xi1> to vector<30x10xi32>
    %convert_element_type3A_1 = arith.sitofp %convert_element_type3A : vector<30x10xi32> to vector<30x10xf32>
    %get3A = arith.constant 0 : index
    %get3A_2 = arith.constant 0 : index
    %get3A_3 = vector.load %arg3[%get3A, %get3A_2] : memref<30x2048xf32, #tpu.memory_space<vmem>>, vector<30x2048xf32>
    %get3A_4 = arith.constant 0 : index
    %get3A_5 = arith.constant 0 : index
    %get3A_6 = vector.load %arg2[%get3A_4, %get3A_5] : memref<10x2048xf32, #tpu.memory_space<vmem>>, vector<10x2048xf32>
    %dot_general3A = arith.constant dense<0.000000e+00> : vector<30x2048xf32>
    %dot_general3A_7 = tpu.matmul %convert_element_type3A_1, %get3A_6, %dot_general3A {dimension_numbers = #tpu.dot_dimension_numbers<[1], [0], [0], [1], [0, 0, 1, 1], [], []>, transpose_lhs_hint = false} : vector<30x10xf32>, vector<10x2048xf32>, vector<30x2048xf32> -> vector<30x2048xf32>
    %add3A = arith.addf %get3A_3, %dot_general3A_7 : vector<30x2048xf32>
    %get3A_8 = arith.constant 0 : index
    %get3A_9 = arith.constant 0 : index
    %get3A_10 = vector.load %arg1[%get3A_8, %get3A_9] : memref<30x2048xf32, #tpu.memory_space<vmem>>, vector<30x2048xf32>
    %mul3A = arith.mulf %get3A_10, %add3A : vector<30x2048xf32>
    %get3A_11 = arith.constant 0 : index
    %get3A_12 = arith.constant 0 : index
    %get3A_13 = vector.load %arg4[%get3A_11, %get3A_12] : memref<1x30xf32, #tpu.memory_space<vmem>>, vector<1x30xf32>
    %dot_general3A_14 = arith.constant dense<0.000000e+00> : vector<1x2048xf32>
    %dot_general3A_15 = tpu.matmul %get3A_13, %mul3A, %dot_general3A_14 {dimension_numbers = #tpu.dot_dimension_numbers<[1], [0], [0], [1], [0, 0, 1, 1], [], []>, transpose_lhs_hint = false} : vector<1x30xf32>, vector<30x2048xf32>, vector<1x2048xf32> -> vector<1x2048xf32>
    %get3A_16 = arith.constant 0 : index
    %get3A_17 = arith.constant 0 : index
    %get3A_18 = vector.load %arg5[%get3A_16, %get3A_17] : memref<1x1xf32, #tpu.memory_space<vmem>>, vector<1x1xf32>
    %add3A_19 = vector.broadcast %get3A_18 : vector<1x1xf32> to vector<1x2048xf32>
    %add3A_20 = arith.addf %dot_general3A_15, %add3A_19 : vector<1x2048xf32>
    %logistic3A = arith.negf %add3A_20 : vector<1x2048xf32>
    %logistic3A_21 = math.exp %logistic3A : vector<1x2048xf32>
    %logistic3A_22 = arith.constant 1.000000e+00 : f32
    %logistic3A_23 = vector.broadcast %logistic3A_22 : f32 to vector<1x2048xf32>
    %logistic3A_24 = arith.addf %logistic3A_23, %logistic3A_21 : vector<1x2048xf32>
    %logistic3A_25 = arith.divf %logistic3A_23, %logistic3A_24 : vector<1x2048xf32>
    %swap3A = arith.constant 0 : index
    %swap3A_26 = arith.constant 0 : index
    %swap3A_27 = vector.load %arg6[%swap3A, %swap3A_26] : memref<1x2048xf32, #tpu.memory_space<vmem>>, vector<1x2048xf32>
    tpu.vector_store %arg6[%swap3A, %swap3A_26], %logistic3A_25 {strides = array<i32>} : memref<1x2048xf32, #tpu.memory_space<vmem>>, vector<1x2048xf32>,
    return
  }
  func.func @transform_0(%arg0: i32) -> (i32, i32) {
    %c0_i32 = arith.constant 0 : i32
    %c0_i32_0 = arith.constant 0 : i32
    return %c0_i32, %arg0 : i32, i32
  }
  func.func @transform_1(%arg0: i32) -> (i32, i32) {
    %c0_i32 = arith.constant 0 : i32
    %c0_i32_0 = arith.constant 0 : i32
    return %c0_i32, %arg0 : i32, i32
  }
  func.func @transform_2(%arg0: i32) -> (i32, i32) {
    %c0_i32 = arith.constant 0 : i32
    %c0_i32_0 = arith.constant 0 : i32
    return %c0_i32, %arg0 : i32, i32
  }
  func.func @transform_3(%arg0: i32) -> (i32, i32) {
    %c0_i32 = arith.constant 0 : i32
    %c0_i32_0 = arith.constant 0 : i32
    %c0_i32_1 = arith.constant 0 : i32
    return %c0_i32, %c0_i32_0 : i32, i32
  }
  func.func @transform_4(%arg0: i32) -> (i32, i32) {
    %c0_i32 = arith.constant 0 : i32
    %c0_i32_0 = arith.constant 0 : i32
    %c0_i32_1 = arith.constant 0 : i32
    return %c0_i32, %c0_i32_0 : i32, i32
  }
  func.func @transform_5(%arg0: i32) -> (i32, i32) {
    %c0_i32 = arith.constant 0 : i32
    %c0_i32_0 = arith.constant 0 : i32
    return %c0_i32, %arg0 : i32, i32
  }
}

module attributes {stable_mosaic.version = 14 : i64} {
  func.func @_tc_dense_body(%arg0: i32, %arg1: memref<1x512xf32, #tpu.memory_space<vmem>>, %arg2: memref<21x512xf32, #tpu.memory_space<vmem>>, %arg3: memref<3026x512xf32, #tpu.memory_space<vmem>>, %arg4: memref<9x21xf32, #tpu.memory_space<vmem>>, %arg5: memref<9x1xf32, #tpu.memory_space<vmem>>, %arg6: memref<10x3026xf32, #tpu.memory_space<vmem>>, %arg7: memref<10x1xf32, #tpu.memory_space<vmem>>, %arg8: memref<30x512xf32, #tpu.memory_space<vmem>>) attributes {dimension_semantics = [#tpu.dimension_semantics<arbitrary>], iteration_bounds = array<i64: 8>, scalar_prefetch = 0 : i64, scratch_operands = 0 : i64, tpu.core_type = #tpu.core_type<tc>, window_params = [{transform_indices = @transform_0, window_bounds = array<i64: 1, 512>}, {transform_indices = @transform_1, window_bounds = array<i64: 21, 512>}, {transform_indices = @transform_2, window_bounds = array<i64: 3026, 512>}, {pipeline_mode = #tpu.pipeline_mode<synchronous>, transform_indices = @transform_3, window_bounds = array<i64: 9, 21>}, {pipeline_mode = #tpu.pipeline_mode<synchronous>, transform_indices = @transform_4, window_bounds = array<i64: 9, 1>}, {pipeline_mode = #tpu.pipeline_mode<synchronous>, transform_indices = @transform_5, window_bounds = array<i64: 10, 3026>}, {pipeline_mode = #tpu.pipeline_mode<synchronous>, transform_indices = @transform_6, window_bounds = array<i64: 10, 1>}, {transform_indices = @transform_7, window_bounds = array<i64: 30, 512>}]} {
    %iota3A = tpu.iota {dimensions = array<i32: 0>} : vector<30x9xi32>
    %iota3A_0 = tpu.iota {dimensions = array<i32: 1>} : vector<30x9xi32>
    %add3A = arith.constant 10 : i32
    %add3A_1 = vector.broadcast %add3A : i32 to vector<30x9xi32>
    %add3A_2 = arith.addi %iota3A_0, %add3A_1 : vector<30x9xi32>
    %add3A_3 = arith.constant 1 : i32
    %add3A_4 = vector.broadcast %add3A_3 : i32 to vector<30x9xi32>
    %add3A_5 = arith.addi %add3A_2, %add3A_4 : vector<30x9xi32>
    %eq3A = arith.cmpi eq, %iota3A, %add3A_5 : vector<30x9xi32>
    %convert_element_type3A = arith.extui %eq3A : vector<30x9xi1> to vector<30x9xi32>
    %convert_element_type3A_6 = arith.sitofp %convert_element_type3A : vector<30x9xi32> to vector<30x9xf32>
    %iota3A_7 = tpu.iota {dimensions = array<i32: 0>} : vector<30x10xi32>
    %iota3A_8 = tpu.iota {dimensions = array<i32: 1>} : vector<30x10xi32>
    %add3A_9 = arith.constant 10 : i32
    %add3A_10 = vector.broadcast %add3A_9 : i32 to vector<30x10xi32>
    %add3A_11 = arith.addi %iota3A_8, %add3A_10 : vector<30x10xi32>
    %add3A_12 = arith.constant 1 : i32
    %add3A_13 = vector.broadcast %add3A_12 : i32 to vector<30x10xi32>
    %add3A_14 = arith.addi %add3A_11, %add3A_13 : vector<30x10xi32>
    %add3A_15 = arith.constant 9 : i32
    %add3A_16 = vector.broadcast %add3A_15 : i32 to vector<30x10xi32>
    %add3A_17 = arith.addi %add3A_14, %add3A_16 : vector<30x10xi32>
    %eq3A_18 = arith.cmpi eq, %iota3A_7, %add3A_17 : vector<30x10xi32>
    %convert_element_type3A_19 = arith.extui %eq3A_18 : vector<30x10xi1> to vector<30x10xi32>
    %convert_element_type3A_20 = arith.sitofp %convert_element_type3A_19 : vector<30x10xi32> to vector<30x10xf32>
    %iota3A_21 = tpu.iota {dimensions = array<i32: 0>} : vector<30x1xi32>
    %eq3A_22 = arith.constant 10 : i32
    %eq3A_23 = vector.broadcast %eq3A_22 : i32 to vector<30x1xi32>
    %eq3A_24 = arith.cmpi eq, %iota3A_21, %eq3A_23 : vector<30x1xi32>
    %convert_element_type3A_25 = arith.extui %eq3A_24 : vector<30x1xi1> to vector<30x1xi32>
    %convert_element_type3A_26 = arith.sitofp %convert_element_type3A_25 : vector<30x1xi32> to vector<30x1xf32>
    %get3A = arith.constant 0 : index
    %get3A_27 = arith.constant 0 : index
    %get3A_28 = vector.load %arg4[%get3A, %get3A_27] : memref<9x21xf32, #tpu.memory_space<vmem>>, vector<9x21xf32>
    %dot_general3A = arith.constant dense<0.000000e+00> : vector<30x21xf32>
    %dot_general3A_29 = tpu.matmul %convert_element_type3A_6, %get3A_28, %dot_general3A {dimension_numbers = #tpu.dot_dimension_numbers<[1], [0], [0], [1], [0, 0, 1, 1], [], []>, transpose_lhs_hint = false} : vector<30x9xf32>, vector<9x21xf32>, vector<30x21xf32> -> vector<30x21xf32>
    %get3A_30 = arith.constant 0 : index
    %get3A_31 = arith.constant 0 : index
    %get3A_32 = vector.load %arg6[%get3A_30, %get3A_31] : memref<10x3026xf32, #tpu.memory_space<vmem>>, vector<10x3026xf32>
    %dot_general3A_33 = arith.constant dense<0.000000e+00> : vector<30x3026xf32>
    %dot_general3A_34 = tpu.matmul %convert_element_type3A_20, %get3A_32, %dot_general3A_33 {dimension_numbers = #tpu.dot_dimension_numbers<[1], [0], [0], [1], [0, 0, 1, 1], [], []>, transpose_lhs_hint = false} : vector<30x10xf32>, vector<10x3026xf32>, vector<30x3026xf32> -> vector<30x3026xf32>
    %get3A_35 = arith.constant 0 : index
    %get3A_36 = arith.constant 0 : index
    %get3A_37 = vector.load %arg5[%get3A_35, %get3A_36] : memref<9x1xf32, #tpu.memory_space<vmem>>, vector<9x1xf32>
    %dot_general3A_38 = arith.constant dense<0.000000e+00> : vector<30x1xf32>
    %dot_general3A_39 = tpu.matmul %convert_element_type3A_6, %get3A_37, %dot_general3A_38 {dimension_numbers = #tpu.dot_dimension_numbers<[1], [0], [0], [1], [0, 0, 1, 1], [], []>, transpose_lhs_hint = false} : vector<30x9xf32>, vector<9x1xf32>, vector<30x1xf32> -> vector<30x1xf32>
    %get3A_40 = arith.constant 0 : index
    %get3A_41 = arith.constant 0 : index
    %get3A_42 = vector.load %arg7[%get3A_40, %get3A_41] : memref<10x1xf32, #tpu.memory_space<vmem>>, vector<10x1xf32>
    %dot_general3A_43 = arith.constant dense<0.000000e+00> : vector<30x1xf32>
    %dot_general3A_44 = tpu.matmul %convert_element_type3A_20, %get3A_42, %dot_general3A_43 {dimension_numbers = #tpu.dot_dimension_numbers<[1], [0], [0], [1], [0, 0, 1, 1], [], []>, transpose_lhs_hint = false} : vector<30x10xf32>, vector<10x1xf32>, vector<30x1xf32> -> vector<30x1xf32>
    %add3A_45 = arith.addf %dot_general3A_39, %dot_general3A_44 : vector<30x1xf32>
    %get3A_46 = arith.constant 0 : index
    %get3A_47 = arith.constant 0 : index
    %get3A_48 = vector.load %arg2[%get3A_46, %get3A_47] : memref<21x512xf32, #tpu.memory_space<vmem>>, vector<21x512xf32>
    %dot_general3A_49 = arith.constant dense<0.000000e+00> : vector<30x512xf32>
    %dot_general3A_50 = tpu.matmul %dot_general3A_29, %get3A_48, %dot_general3A_49 {dimension_numbers = #tpu.dot_dimension_numbers<[1], [0], [0], [1], [0, 0, 1, 1], [], []>, transpose_lhs_hint = false} : vector<30x21xf32>, vector<21x512xf32>, vector<30x512xf32> -> vector<30x512xf32>
    %get3A_51 = arith.constant 0 : index
    %get3A_52 = arith.constant 0 : index
    %get3A_53 = vector.load %arg3[%get3A_51, %get3A_52] : memref<3026x512xf32, #tpu.memory_space<vmem>>, vector<3026x512xf32>
    %dot_general3A_54 = arith.constant dense<0.000000e+00> : vector<30x512xf32>
    %dot_general3A_55 = tpu.matmul %dot_general3A_34, %get3A_53, %dot_general3A_54 {dimension_numbers = #tpu.dot_dimension_numbers<[1], [0], [0], [1], [0, 0, 1, 1], [], []>, transpose_lhs_hint = false} : vector<30x3026xf32>, vector<3026x512xf32>, vector<30x512xf32> -> vector<30x512xf32>
    %add3A_56 = arith.addf %dot_general3A_50, %dot_general3A_55 : vector<30x512xf32>
    %get3A_57 = arith.constant 0 : index
    %get3A_58 = arith.constant 0 : index
    %get3A_59 = vector.load %arg1[%get3A_57, %get3A_58] : memref<1x512xf32, #tpu.memory_space<vmem>>, vector<1x512xf32>
    %mul3A = vector.broadcast %convert_element_type3A_26 : vector<30x1xf32> to vector<30x512xf32>
    %mul3A_60 = vector.broadcast %get3A_59 : vector<1x512xf32> to vector<30x512xf32>
    %mul3A_61 = arith.mulf %mul3A, %mul3A_60 : vector<30x512xf32>
    %add3A_62 = arith.addf %add3A_56, %mul3A_61 : vector<30x512xf32>
    %add3A_63 = vector.broadcast %add3A_45 : vector<30x1xf32> to vector<30x512xf32>
    %add3A_64 = arith.addf %add3A_62, %add3A_63 : vector<30x512xf32>
    %swap3A = arith.constant 0 : index
    %swap3A_65 = arith.constant 0 : index
    %swap3A_66 = vector.load %arg8[%swap3A, %swap3A_65] : memref<30x512xf32, #tpu.memory_space<vmem>>, vector<30x512xf32>
    tpu.vector_store %arg8[%swap3A, %swap3A_65], %add3A_64 {strides = array<i32>} : memref<30x512xf32, #tpu.memory_space<vmem>>, vector<30x512xf32>,
    return
  }
  func.func @transform_0(%arg0: i32) -> (i32, i32) {
    %c0_i32 = arith.constant 0 : i32
    %c0_i32_0 = arith.constant 0 : i32
    return %c0_i32, %arg0 : i32, i32
  }
  func.func @transform_1(%arg0: i32) -> (i32, i32) {
    %c0_i32 = arith.constant 0 : i32
    %c0_i32_0 = arith.constant 0 : i32
    return %c0_i32, %arg0 : i32, i32
  }
  func.func @transform_2(%arg0: i32) -> (i32, i32) {
    %c0_i32 = arith.constant 0 : i32
    %c0_i32_0 = arith.constant 0 : i32
    return %c0_i32, %arg0 : i32, i32
  }
  func.func @transform_3(%arg0: i32) -> (i32, i32) {
    %c0_i32 = arith.constant 0 : i32
    %c0_i32_0 = arith.constant 0 : i32
    %c0_i32_1 = arith.constant 0 : i32
    return %c0_i32, %c0_i32_0 : i32, i32
  }
  func.func @transform_4(%arg0: i32) -> (i32, i32) {
    %c0_i32 = arith.constant 0 : i32
    %c0_i32_0 = arith.constant 0 : i32
    %c0_i32_1 = arith.constant 0 : i32
    return %c0_i32, %c0_i32_0 : i32, i32
  }
  func.func @transform_5(%arg0: i32) -> (i32, i32) {
    %c0_i32 = arith.constant 0 : i32
    %c0_i32_0 = arith.constant 0 : i32
    %c0_i32_1 = arith.constant 0 : i32
    return %c0_i32, %c0_i32_0 : i32, i32
  }
  func.func @transform_6(%arg0: i32) -> (i32, i32) {
    %c0_i32 = arith.constant 0 : i32
    %c0_i32_0 = arith.constant 0 : i32
    %c0_i32_1 = arith.constant 0 : i32
    return %c0_i32, %c0_i32_0 : i32, i32
  }
  func.func @transform_7(%arg0: i32) -> (i32, i32) {
    %c0_i32 = arith.constant 0 : i32
    %c0_i32_0 = arith.constant 0 : i32
    return %c0_i32, %arg0 : i32, i32
  }
}

</mosaic_0001>

<sc_bundles>
// kernel: kernel.5.cloned.1.call-start
scs
__scs_entry_jumppad:
0x0: {  	(pc) =	sbr.rel $0x88, $3  }
0x1: {  	(tag) =	ssettag $0x0;
	lr =	simm.s32 $0x1  }
0x2: {  	[smem:$0x3F94] =	sst lr;
	_ =	strace $0xD0000000  }
0x3: {  	_ = 	snop  }
0x4: {  	_ = 	snop  }
0x5: {  	_ = 	snop  }
0x6: {  	_ = 	snop  }
0x7: {  	_ = 	snop  }
__scs_overlays_trampoline_lowered:
0x8: {  	[smem:$0x3FA3] =	sst s0  }
0x9: {  	[smem:$0x3FA4] =	sst s1  }
0xa: {  	[smem:$0x3FA5] =	sst s2  }
0xb: {  	[smem:$0x3FA6] =	sst s3  }
0xc: {  	[smem:$0x3FA7] =	sst s4  }
0xd: {  	[smem:$0x3FA8] =	sst s5  }
0xe: {  	[smem:$0x3FA9] =	sst s6  }
0xf: {  	[smem:$0x3FAA] =	sst s7  }
0x10: {  	[smem:$0x3FAB] =	sst s8  }
0x11: {  	[smem:$0x3FAC] =	sst s9;
	s0 =	simm.s32 @!p0 $0x0  }
0x12: {  	s1 =	sld [smem:$0x3F92];
	s0 =	simm.s32 @p0 $0x1  }
0x13: {  	[smem:$0x3FAD] =	sst s0;
	s0 =	simm.s32 @!p1 $0x0  }
0x14: {  	s2 =	sld [smem:$0x3F91];
	s0 =	simm.s32 @p1 $0x1  }
0x15: {  	[smem:$0x3FAE] =	sst s0;
	s0 =	simm.s32 @!p2 $0x0  }
0x16: {  	s3 =	sld [smem:$0x3FDB];
	s0 =	simm.s32 @p2 $0x1  }
0x17: {  	s4 =	simm.s32 $0x1BF5;
	[smem:$0x3FB0] =	sst s0  }
0x18: {  	s0 =	sld [smem:$0x3F93];
	_ =	swait.ge [sflag:s4], $0x0  }
0x19: {  	s7 =	sld [smem:$0x3F94]  }
0x1a: {  	s8 =	sadd.s32 $0xFFFFE003, lr  }
0x1b: {  	s9 =	sadd.s32 $0xFFFFFEF7, lr;
	s5 =	simm.s32 $0xFFFFFFFF;
	p2 =	slt.u32 s8, $0xFFFFF086  }
0x1c: {  	p1 =	slt.u32 s9, $0xF7A;
	s5 =	simm.s32 @!p2 $0x0  }
0x1d: {  	s5 =	simm.s32 @p1 $0x1;
	p0 =	seq.s32 s7, s2  }
0x1e: {  	s7 =	smul.u32 @!p0 $0xF7A, s2;
	p2 =	seq.s32 @!p0 s5, $0x0  }
0x1f: {  	s9 =	smul.u32 $0xF7A, s1;
	s8 =	simm.s32 @!p0 $0x1BF5;
	p2 =	por !p2, p0  }
0x20: {  	[sflag:s8] =	ssyncset.s32 @!p0 $0xFFFFF086;
	s6 =	sadd.s32 @!p0 s3, s7;
	s7 =	simm.s32 @!p0 $0x108  }
0x21: {  	s3 =	sadd.s32 s3, s9;
	s6 =	sadd.s32 @!p0 $0x88, s6;
	s7 =	simm.s32 @p2 $0x1082  }
0x22: {  	[simem:s7], [sflag:s8] =	dma.local @!p0 [hbm:s6], $0xF7A  }
0x23: {  	s9 =	sor.u32 $0xD0000000, s2;
	s6 =	simm.s32 $0x108;
	_ =	swait.ge @!p0 [sflag:s8], $0x0  }
0x24: {  	s3 =	sadd.s32 $0x88, s3;
	s6 =	simm.s32 @!p1 $0x1082;
	[sflag:s4] =	ssyncset.s32 $0xFFFFF086  }
0x25: {  	[simem:s6], [sflag:s4] =	dma.local [hbm:s3], $0xF7A  }
0x26: {  	[smem:$0x3F94] =	sst s1;
	(tag) =	ssettag s2;
	_ =	strace s9  }
0x27: {  	s1 =	sld [smem:$0x3FA4]  }
0x28: {  	s2 =	sld [smem:$0x3FA5]  }
0x29: {  	s4 =	sld [smem:$0x3FA7]  }
0x2a: {  	p0 =	seq.s32 s5, $0x0;
	s5 =	sld [smem:$0x3FA8]  }
0x2b: {  	s6 =	sld [smem:$0x3FA9]  }
0x2c: {  	s7 =	sld [smem:$0x3FAA]  }
0x2d: {  	s3 =	simm.s32 $0x108;
	s8 =	sld [smem:$0x3FAB]  }
0x2e: {  	s3 =	simm.s32 @!p0 $0x1082;
	s9 =	sld [smem:$0x3FAC]  }
0x2f: {  	lr =	sadd.s32 s0, s3;
	s0 =	sld [smem:$0x3FA3]  }
0x30: {  	s3 =	sld [smem:$0x3FA6]  }
0x31: {  	[smem:$0x3FAF] =	sst s10  }
0x32: {  	s10 =	sld [smem:$0x3FAD];
	_ =	sdelay $0x3  }
0x33: {  	p0 =	seq.s32 s10, $0x1;
	s10 =	sld [smem:$0x3FAF];
	_ =	sdelay $0x3  }
0x34: {  	[smem:$0x3FAF] =	sst s10  }
0x35: {  	s10 =	sld [smem:$0x3FAE];
	_ =	sdelay $0x3  }
0x36: {  	p1 =	seq.s32 s10, $0x1;
	s10 =	sld [smem:$0x3FAF];
	_ =	sdelay $0x3  }
0x37: {  	[smem:$0x3FAF] =	sst s10  }
0x38: {  	s10 =	sld [smem:$0x3FB0]  }
0x39: {  	_ = 	snop;
	(pc) =	sbr.ind lr, $3  }
0x3a: {  	_ = 	snop  }
0x3b: {  	_ = 	snop  }
0x3c: {  	p2 =	seq.s32 s10, $0x1;
	s10 =	sld [smem:$0x3FAF]  }
0x3d: {  	_ =	shalt  }
0x3e: {  	_ =	shalt  }
0x3f: {  	_ =	shalt  }
0x40: {  	_ =	shalt  }
0x41: {  	_ =	shalt  }
0x42: {  	_ =	shalt  }
0x43: {  	_ =	shalt  }
0x44: {  	_ =	shalt  }
0x45: {  	_ =	shalt  }
0x46: {  	_ =	shalt  }
0x47: {  	_ =	shalt  }
0x48: {  	_ =	shalt  }
0x49: {  	_ =	shalt  }
0x4a: {  	_ =	shalt  }
0x4b: {  	_ =	shalt  }
0x4c: {  	_ =	shalt  }
0x4d: {  	_ =	shalt  }
0x4e: {  	_ =	shalt  }
0x4f: {  	_ =	shalt  }
0x50: {  	_ =	shalt  }
0x51: {  	_ =	shalt  }
0x52: {  	_ =	shalt  }
0x53: {  	_ =	shalt  }
0x54: {  	_ =	shalt  }
0x55: {  	_ =	shalt  }
0x56: {  	_ =	shalt  }
0x57: {  	_ =	shalt  }
0x58: {  	_ =	shalt  }
0x59: {  	_ =	shalt  }
0x5a: {  	_ =	shalt  }
0x5b: {  	_ =	shalt  }
0x5c: {  	_ =	shalt  }
0x5d: {  	_ =	shalt  }
0x5e: {  	_ =	shalt  }
0x5f: {  	_ =	shalt  }
0x60: {  	_ =	shalt  }
0x61: {  	_ =	shalt  }
0x62: {  	_ =	shalt  }
0x63: {  	_ =	shalt  }
0x64: {  	_ =	shalt  }
0x65: {  	_ =	shalt  }
0x66: {  	_ =	shalt  }
0x67: {  	_ =	shalt  }
0x68: {  	_ =	shalt  }
0x69: {  	_ =	shalt  }
0x6a: {  	_ =	shalt  }
0x6b: {  	_ =	shalt  }
0x6c: {  	_ =	shalt  }
0x6d: {  	_ =	shalt  }
0x6e: {  	_ =	shalt  }
0x6f: {  	_ =	shalt  }
0x70: {  	_ =	shalt  }
0x71: {  	_ =	shalt  }
0x72: {  	_ =	shalt  }
0x73: {  	_ =	shalt  }
0x74: {  	_ =	shalt  }
0x75: {  	_ =	shalt  }
0x76: {  	_ =	shalt  }
0x77: {  	_ =	shalt  }
0x78: {  	_ =	shalt  }
0x79: {  	_ =	shalt  }
0x7a: {  	_ =	shalt  }
0x7b: {  	_ =	shalt  }
0x7c: {  	_ =	shalt  }
0x7d: {  	_ =	shalt  }
0x7e: {  	_ =	shalt  }
0x7f: {  	_ =	shalt  }
0x80: {  	_ =	shalt  }
0x81: {  	_ =	shalt  }
0x82: {  	_ =	shalt  }
0x83: {  	_ =	shalt  }
0x84: {  	_ =	shalt  }
0x85: {  	_ =	shalt  }
0x86: {  	_ =	shalt  }
0x87: {  	_ =	shalt  }
.Lfunc_end0:
.L_simem_size_0:
called_computation_lowered:
.L_overlay_start_0:
0x88: {  	s2 =	sld [smem:$0x3FD9]  }
0x89: {  	s3 =	sld [smem:$0x3FFE];
	_ =	sdelay $0x1  }
0x8a: {  	s1 =	srdreg.scid  }
0x8b: {  	s0 =	sand.u32 $0x1, s1  }
0x8c: {  	s17 =	sshll.u32 s0, $0xA;
	s2 =	sadd.s32 s3, s2  }
0x8d: {  	s2 =	sadd.s32 s2, s17  }
0x8e: {  	[smem:$0x3FBB] =	sst s2  }
0x8f: {  	_ = 	snop  }
0x90: {  	s2 =	sld [smem:$0x3FC9]  }
0x91: {  	s18 =	sld [smem:$0x3FC8]  }
0x92: {  	s4 =	sld [smem:$0x3FC4]  }
0x93: {  	s5 =	sld [smem:$0x3FC3];
	(tm) =	ssettm $0x1  }
0x94: {  	s6 =	sld [smem:$0x3FFB];
	_ =	sdelay $0x3  }
0x95: {  	_ =	strace s6  }
0x96: {  	s6 =	sld [smem:$0x3FFC];
	_ =	sdelay $0x3  }
0x97: {  	_ =	strace s6  }
0x98: {  	s6 =	sld [smem:$0x3FFD];
	_ =	sdelay $0x3  }
0x99: {  	_ =	strace s6  }
0x9a: {  	_ =	strace $0x8FFFFFFF  }
0x9b: {  	s19 =	sld [smem:$0x3FDB];
	_ =	sdelay $0x1  }
0x9c: {  	s7 =	simm.s32 $_scs_section_size  }
0x9d: {  	s8 =	simm.s32 $_size__tile_overlayer_lowered;
	s9 =	simm.s32 $_tile_overlayer_lowered  }
0x9e: {  	s22 =	simm.s32 $0x1BFF;
	s21 =	sshll.u32 s9, $0x1;
	s6 =	sadd.s32 s7, s19  }
0x9f: {  	s10 =	simm.s32 $0x0;
	s20 =	sshll.u32 s8, $0x1;
	s8 =	sadd.s32 s21, s6  }
0xa0: {  	[timem:s10], [sflag:s22] =	dma.local [hbm:s8], s20  }
0xa1: {  	_ =	swait.ge [sflag:s22], s20  }
0xa2: {  	s7 =	ssub.s32 $0x0, s20;
	[sflag:s22] =	ssyncset.done $0x0  }
0xa3: {  	[sflag:s22] =	ssyncadd.s32 s7;
	_ =	sdelay $0x1  }
0xa4: {  	s23 =	simm.s32 $0x1B8B  }
0xa5: {  	_ =	swait.ge [sflag:s23], $0x1  }
0xa6: {  	[sflag:s23] =	ssyncset.done $0x0  }
0xa7: {  	s25 =	simm.s32 $0x1B8E;
	s24 =	sld [smem:$0x3FFE];
	[sflag:s23] =	ssyncadd.s32 $0xFFFFFFFF  }
0xa8: {  	s26 =	simm.s32 $execute0_lowered;
	[smem:$0x3FD2] =	sst s25  }
0xa9: {  	s8 =	sshll.u32 s26, $0x1;
	_ =	strace $0x80000046;
	[dreg:$0x1] =	wrdreg $0xFFFFFFFF  }
0xaa: {  	s28 =	simm.s32 $_size_execute0_lowered;
	s6 =	sadd.s32 s6, s8;
	[dreg:$0x0] =	wrdreg $0x0  }
0xab: {  	s8 =	sshll.u32 s28, $0x1;
	[dreg:$0x2] =	wrdreg s6  }
0xac: {  	[dreg:$0x3] =	wrdreg s8  }
0xad: {  	[dreg:$0x4] =	wrdreg $0xC0  }
0xae: {  	_ =	task [dreg:s10], $0x5FFFF  }
0xaf: {  	[dreg:$0x1] =	wrdreg $0xFFFFFFFF  }
0xb0: {  	[dreg:$0x0] =	wrdreg $0x60  }
0xb1: {  	[dreg:$0x2] =	wrdreg s2  }
0xb2: {  	[dreg:$0x3] =	wrdreg s18  }
0xb3: {  	[dreg:$0x4] =	wrdreg s4  }
0xb4: {  	[dreg:$0x5] =	wrdreg s5  }
0xb5: {  	[dreg:$0x6] =	wrdreg s24  }
0xb6: {  	[dreg:$0x7] =	wrdreg $0x9  }
0xb7: {  	_ =	task.clear_ibuf [dreg:s10], $0x8FFFF;
	_ =	strace $0x90000046  }
0xb8: {  	s29 =	simm.s32 $0x9;
	_ =	strace $0x80000048  }
0xb9: {  	_ =	swait.ge [sflag:s29], $0x1  }
0xba: {  	[sflag:s29] =	ssyncadd.s32 $0xFFFFFFFF  }
0xbb: {  	_ =	strace $0x90000048  }
0xbc: {  	_ =	sfence  }
0xbd: {  	s30 =	sld [smem:$0x0];
	_ =	sdelay $0x2  }
0xbe: {  	s31 =	sshll.u32 s1, $0xD;
	s1 =	sshrl.u32 s1, $0x2  }
0xbf: {  	s3 =	sand.u32 $0x4000, s31;
	s1 =	sadd.s32 s1, s30  }
0xc0: {  	s0 =	sor.u32 s3, s0;
	s1 =	sshll.u32 s1, $0x11  }
0xc1: {  	s0 =	sor.u32 s1, s0  }
0xc2: {  	s0 =	sadd.s32 $0x8F2B, s0  }
0xc3: {  	[sflag:s0] =	ssyncadd.remote.s32 $0x1  }
0xc4: {  	_ =	sfence.sel $0xFFFF  }
0xc5: {  	[dreg:$0x0] =	wrdreg $0xFFFFFFFF;
	(pc) =	sbr.abs _section_cstart, $3  }
0xc6: {  	[dreg:$0x1] =	wrdreg $0xFFFFFFFF  }
0xc7: {  	_ =	task.clear_ibuf [dreg:s10], $0x2FFFF;
	_ =	strace $0x9FFFFFFF  }
0xc8: {  	(tm) =	ssettm $0x7FFFFFFF  }
0xc9: {  	_ =	shalt  }
tec
execute0_lowered:
.L_overlay_start_1:
0x0: {  	(tag) =	ssettag $0x1  }
0x1: {  	s0 =	rddreg [dreg:$0x0]  }
0x2: {  	s3 =	rddreg [dreg:$0x1]  }
0x3: {  	s1 =	rddreg [dreg:$0x2]  }
0x4: {  	s2 =	rddreg [dreg:$0x3]  }
0x5: {  	s4 =	rddreg [dreg:$0x4]  }
0x6: {  	s7 =	simm.s32 $0x0;
	s5 =	srdreg.scid;
	s6 =	stileid.u32  }
0x7: {  	s12 =	simm.s32 $0x1;
	s13 =	simm.s32 $0x400;
	s14 =	simm.s32 $0x7A1400  }
0x8: {  	s15 =	simm.s32 $0x100;
	s17 =	simm.s32 $0xF100;
	s16 =	simm.s32 $0x12D00  }
0x9: {  	s18 =	simm.s32 $0x13100;
	s19 =	simm.s32 $0xC400;
	s20 =	simm.s32 $0xD000  }
0xa: {  	s21 =	simm.s32 $0x13200;
	s28 =	simm.s32 $0xE200;
	s29 =	simm.s32 $0xEE00  }
0xb: {  	s30 =	simm.s32 $0x13C00;
	s31 =	simm.s32 $0x14000;
	s11 =	simm.s32 $0x15100  }
0xc: {  	[smem:$0x7FF] =	sst s7;
	s5 =	sand.u32 $0x1, s5;
	s6 =	sshll.u32 s6, $0x1  }
0xd: {  	s7 =	simm.s32 $0x0;
	_ =	strace $0x80000047;
	s6 =	sor.u32 s5, s6  }
0xe: {  	s5 =	ssub.s32 $0x2, s5;
	s22 =	sshll.u32 s6, $0x7;
	s6 =	sshll.u32 s6, $0x4  }
0xf: {  	vm0 =	vmmov $0x1;
	s8 =	sshrl.u32 s5, $0x1;
	s4 =	sadd.s32 s22, s4;
	s0 =	sadd.s32 s0, s6  }
0x10: {  	vm1 =	vcmask $0x308;
	vm2 =	vcmask $0x70C;
	vm3 =	vcmask $0xB10;
	s5 =	ssub.s32 s5, s8;
	s23 =	sadd.s32 s3, s6;
	[dreg:$0x6] =	wrdreg s0  }
0x11: {  	vm4 =	vcmask $0xF14;
	vm5 =	vcmask $0x1318;
	vm6 =	vcmask $0x171C;
	s22 =	simm.s32 $0x13600;
	[dreg:$0x7] =	wrdreg s23;
	s24 =	sadd.s32 $0x1A00, s4  }
0x12: {  	vm7 =	vcmask $0x1B20;
	vm8 =	vcmask $0x1F24;
	vm9 =	vcmask $0x2328;
	s3 =	simm.s32 $0x14100;
	s25 =	sadd.s32 $0x5A00, s4;
	[dreg:$0x8] =	wrdreg s24  }
0x13: {  	vm10 =	vcmask $0x272C;
	vm11 =	vcmask $0x2B30;
	vm12 =	vcmask $0x2F34;
	s26 =	smax.u32 s5, $0x1;
	s5 =	simm.s32 $0x0;
	[dreg:$0x9] =	wrdreg s25  }
0x14: {  	vm13 =	vcmask $0x3338;
	vm14 =	vcmask $0x373C;
	v0 =	vlaneseq.u32;
	s23 =	simm.s32 $0xD300;
	s0 =	simm.s32 $0x2;
	[dreg:$0xa] =	wrdreg s26  }
0x15: {  	vm15 =	vmmov $0x7fff;
	v1 =	vmul.u32 $0xF00, v0;
	v2 =	vmul.u32 $0x500, v0;
	s24 =	simm.s32 $0xDF00;
	s25 =	simm.s32 $0x13700;
	s26 =	simm.s32 $0x13B00  }
.LBB2_1:
0x16: {  	[dreg:$0xb] =	wrdreg s7  }
0x17: {  	s4 =	rddreg [dreg:$0x6];
	s6 =	simm.s32 $0x4  }
0x18: {  	[tilespmem:s5], [sflag:$0x4] =	stream.linear.gather [hbm4b:s4+s5], $0x80, $0x38;
	[tilespmem:$0x15900] =	vst v63  }
0x19: {  	_ =	swait.ge [sflag:s6], $0x80  }
0x1a: {  	[sflag:s6] =	ssyncset.done $0x0  }
0x1b: {  	s10 =	simm.s32 $0x80;
	s9 =	rddreg [dreg:$0x7];
	[sflag:s6] =	ssyncadd.s32 $0xFFFFFF80  }
0x1c: {  	[tilespmem:s10], [sflag:$0x4] =	stream.linear.gather [hbm4b:s9+s5], $0x80, $0x38;
	[tilespmem:$0x15900] =	vst v63  }
0x1d: {  	_ =	swait.ge [sflag:s6], $0x80  }
0x1e: {  	[sflag:s6] =	ssyncset.done $0x0  }
0x1f: {  	s5 =	simm.s32 $0x0;
	[sflag:s6] =	ssyncadd.s32 $0xFFFFFF80  }
.LBB2_2:
0x20: {  	s6 =	sshll.u32 s5, $0x4  }
0x21: {  	v3 =	vld [tilespmem:s6+$0x80]  }
0x22: {  	v4 =	vld [tilespmem:s6+$0x0];
	_ =	sdelay $0x3  }
0x23: {  	v5 =	vnsel vm0, $0x0, v3  }
0x24: {  	(xrf0) =	vadd.scan.msk.s32 $0xffff, v5;
	v5 =	vnsel vm0, $0x0, v4  }
0x25: {  	(xrf0) =	vadd.scan.msk.s32 $0xffff, v5;
	_ =	sdelay $0x4  }
0x26: {  	v5, _, _ =	vpop (xrf0)  }
0x27: {  	(v2sf) =	vpush v5, $0xF;
	v5, _, _ =	vpop (xrf0)  }
0x28: {  	(v2sf) =	vpush v5, $0xF;
	_ =	sdelay $0x9  }
0x29: {  	v5 =	vsel vm1, $0x0, v3  }
0x2a: {  	(xrf0) =	vadd.scan.msk.s32 $0xffff, v5;
	v5 =	vsel vm1, $0x0, v4  }
0x2b: {  	(xrf0) =	vadd.scan.msk.s32 $0xffff, v5;
	_ =	sdelay $0x1  }
0x2c: {  	s9 =	spop (v2sf)  }
0x2d: {  	s7 =	spop (v2sf)  }
0x2e: {  	s8 =	sshra.s32 s9, $0x1F;
	p3 =	slt.s32 s9, $0x1;
	s4 =	sand.u32 $0x7F, s7  }
0x2f: {  	v5, _, _ =	vpop (xrf0);
	s10 =	sshra.s32 s7, $0x1F;
	p0 =	slt.s32 s7, $0x1;
	p1 =	sne.s32 s4, $0x0  }
0x30: {  	(v2sf) =	vpush v5, $0xF;
	v5, _, _ =	vpop (xrf0);
	s4 =	sshrl.u32 s8, $0x19;
	s10 =	sshrl.u32 s10, $0x19;
	s8 =	simm.s32 $0x1  }
0x31: {  	(v2sf) =	vpush v5, $0xF;
	p0 =	por !p0, !p1;
	s7 =	sadd.s32 s10, s7;
	s10 =	sand.u32 $0x7F, s9  }
0x32: {  	s4 =	sadd.s32 s4, s9;
	p0 =	por !p0, !p0;
	p4 =	sne.s32 s10, $0x0  }
0x33: {  	s7 =	sshrl.u32 s7, $0x7;
	s8 =	simm.s32 @!p0 $0x0;
	p0 =	por !p3, !p4  }
0x34: {  	s7 =	ssub.s32 s7, s8;
	p0 =	por !p0, !p0;
	s8 =	simm.s32 $0x1  }
0x35: {  	s4 =	sshrl.u32 s4, $0x7;
	s7 =	sshll.u32 s7, $0x7;
	s8 =	simm.s32 @!p0 $0x0  }
0x36: {  	s7 =	sand.u32 $0x1FFFFF80, s7;
	s4 =	ssub.s32 s4, s8  }
0x37: {  	s10 =	simm.s32 $0xD00;
	s7 =	sadd.s32 s1, s7;
	s4 =	sshll.u32 s4, $0x7  }
0x38: {  	[tilespmem:s15], [sflag:$0x1] =	stream.strided.gather [hbm4b:s7+s13], $0xC00, s14, s13, $0x38;
	[tilespmem:$0x15900] =	vst v63  }
0x39: {  	s9 =	simm.s32 $0x0;
	s7 =	sadd.s32 $0x2DC780, s7;
	s4 =	sand.u32 $0x1FFFFF80, s4  }
0x3a: {  	v5 =	vsel vm2, $0x0, v3;
	[tilespmem:s10], [sflag:$0x1] =	stream.linear.gather [hbm4b:s7+s9], $0x300, $0x38;
	[tilespmem:$0x15900] =	vst v63  }
0x3b: {  	(xrf0) =	vadd.scan.msk.s32 $0xffff, v5;
	s4 =	sadd.s32 s2, s4  }
0x3c: {  	v5 =	vsel vm2, $0x0, v4;
	[tilespmem:s17], [sflag:$0x2] =	stream.linear.gather [hbm4b:s4+s9], $0x400, $0x38;
	[tilespmem:$0x15900] =	vst v63  }
0x3d: {  	(xrf0) =	vadd.scan.msk.s32 $0xffff, v5;
	s8 =	simm.s32 $0xF500;
	s4 =	sadd.s32 $0x18700, s4  }
0x3e: {  	[tilespmem:s8], [sflag:$0x2] =	stream.linear.gather [hbm4b:s4+s9], $0x100, $0x38;
	[tilespmem:$0x15900] =	vst v63  }
0x3f: {  	s4 =	spop (v2sf)  }
0x40: {  	s7 =	spop (v2sf);
	s8 =	sand.u32 $0x7F, s4  }
0x41: {  	p3 =	slt.s32 s4, $0x1;
	s10 =	sand.u32 $0x7F, s7;
	p6 =	slt.s32 s7, $0x1  }
0x42: {  	v5, _, _ =	vpop (xrf0);
	p2 =	sne.s32 s8, $0x0;
	p5 =	sne.s32 s10, $0x0;
	s10 =	sshra.s32 s7, $0x1F  }
0x43: {  	(v2sf) =	vpush v5, $0xF;
	v5, _, _ =	vpop (xrf0);
	s8 =	simm.s32 $0x1;
	p1 =	por !p6, !p5;
	s10 =	sshrl.u32 s10, $0x19  }
0x44: {  	(v2sf) =	vpush v5, $0xF;
	p0 =	por !p3, !p2;
	s7 =	sadd.s32 s10, s7;
	p1 =	por !p1, !p1  }
0x45: {  	s10 =	sshra.s32 s4, $0x1F;
	s7 =	sshrl.u32 s7, $0x7;
	s8 =	simm.s32 @!p1 $0x0  }
0x46: {  	p0 =	por !p0, !p0;
	s10 =	sshrl.u32 s10, $0x19;
	s7 =	ssub.s32 s7, s8  }
0x47: {  	s4 =	sadd.s32 s10, s4;
	s8 =	simm.s32 $0x1;
	s7 =	sshll.u32 s7, $0x7  }
0x48: {  	s4 =	sshrl.u32 s4, $0x7;
	s8 =	simm.s32 @!p0 $0x0;
	s7 =	sand.u32 $0x1FFFFF80, s7  }
0x49: {  	s10 =	simm.s32 $0x1000;
	s4 =	ssub.s32 s4, s8;
	s7 =	sadd.s32 s1, s7  }
0x4a: {  	[tilespmem:s10], [sflag:$0x1] =	stream.strided.gather [hbm4b:s7+s13], $0xC00, s14, s13, $0x38;
	[tilespmem:$0x15900] =	vst v63  }
0x4b: {  	s4 =	sshll.u32 s4, $0x7;
	s7 =	sadd.s32 $0x2DC780, s7  }
0x4c: {  	s10 =	simm.s32 $0x1C00;
	s4 =	sand.u32 $0x1FFFFF80, s4  }
0x4d: {  	v5 =	vsel vm3, $0x0, v3;
	[tilespmem:s10], [sflag:$0x1] =	stream.linear.gather [hbm4b:s7+s9], $0x300, $0x38;
	[tilespmem:$0x15900] =	vst v63  }
0x4e: {  	(xrf0) =	vadd.scan.msk.s32 $0xffff, v5;
	s4 =	sadd.s32 s2, s4;
	s10 =	simm.s32 $0xF600  }
0x4f: {  	v5 =	vsel vm3, $0x0, v4;
	[tilespmem:s10], [sflag:$0x2] =	stream.linear.gather [hbm4b:s4+s9], $0x400, $0x38;
	[tilespmem:$0x15900] =	vst v63  }
0x50: {  	(xrf0) =	vadd.scan.msk.s32 $0xffff, v5;
	s8 =	simm.s32 $0xFA00;
	s4 =	sadd.s32 $0x18700, s4  }
0x51: {  	[tilespmem:s8], [sflag:$0x2] =	stream.linear.gather [hbm4b:s4+s9], $0x100, $0x38;
	[tilespmem:$0x15900] =	vst v63  }
0x52: {  	s4 =	spop (v2sf)  }
0x53: {  	s7 =	spop (v2sf);
	s8 =	sand.u32 $0x7F, s4  }
0x54: {  	p2 =	slt.s32 s4, $0x1;
	s10 =	sand.u32 $0x7F, s7;
	p5 =	slt.s32 s7, $0x1  }
0x55: {  	v5, _, _ =	vpop (xrf0);
	p6 =	sne.s32 s8, $0x0;
	p4 =	sne.s32 s10, $0x0;
	s10 =	sshra.s32 s7, $0x1F  }
0x56: {  	(v2sf) =	vpush v5, $0xF;
	v5, _, _ =	vpop (xrf0);
	s8 =	simm.s32 $0x1;
	p1 =	por !p5, !p4;
	s10 =	sshrl.u32 s10, $0x19  }
0x57: {  	(v2sf) =	vpush v5, $0xF;
	p0 =	por !p2, !p6;
	s7 =	sadd.s32 s10, s7;
	p1 =	por !p1, !p1  }
0x58: {  	s10 =	sshra.s32 s4, $0x1F;
	s7 =	sshrl.u32 s7, $0x7;
	s8 =	simm.s32 @!p1 $0x0  }
0x59: {  	p0 =	por !p0, !p0;
	s10 =	sshrl.u32 s10, $0x19;
	s7 =	ssub.s32 s7, s8  }
0x5a: {  	s4 =	sadd.s32 s10, s4;
	s8 =	simm.s32 $0x1;
	s7 =	sshll.u32 s7, $0x7  }
0x5b: {  	s4 =	sshrl.u32 s4, $0x7;
	s8 =	simm.s32 @!p0 $0x0;
	s7 =	sand.u32 $0x1FFFFF80, s7  }
0x5c: {  	s10 =	simm.s32 $0x1F00;
	s4 =	ssub.s32 s4, s8;
	s7 =	sadd.s32 s1, s7  }
0x5d: {  	[tilespmem:s10], [sflag:$0x1] =	stream.strided.gather [hbm4b:s7+s13], $0xC00, s14, s13, $0x38;
	[tilespmem:$0x15900] =	vst v63  }
0x5e: {  	s4 =	sshll.u32 s4, $0x7;
	s7 =	sadd.s32 $0x2DC780, s7  }
0x5f: {  	s10 =	simm.s32 $0x2B00;
	s4 =	sand.u32 $0x1FFFFF80, s4  }
0x60: {  	v5 =	vsel vm4, $0x0, v3;
	[tilespmem:s10], [sflag:$0x1] =	stream.linear.gather [hbm4b:s7+s9], $0x300, $0x38;
	[tilespmem:$0x15900] =	vst v63  }
0x61: {  	(xrf0) =	vadd.scan.msk.s32 $0xffff, v5;
	s4 =	sadd.s32 s2, s4;
	s10 =	simm.s32 $0xFB00  }
0x62: {  	v5 =	vsel vm4, $0x0, v4;
	[tilespmem:s10], [sflag:$0x2] =	stream.linear.gather [hbm4b:s4+s9], $0x400, $0x38;
	[tilespmem:$0x15900] =	vst v63  }
0x63: {  	(xrf0) =	vadd.scan.msk.s32 $0xffff, v5;
	s8 =	simm.s32 $0xFF00;
	s4 =	sadd.s32 $0x18700, s4  }
0x64: {  	[tilespmem:s8], [sflag:$0x2] =	stream.linear.gather [hbm4b:s4+s9], $0x100, $0x38;
	[tilespmem:$0x15900] =	vst v63  }
0x65: {  	s4 =	spop (v2sf)  }
0x66: {  	s7 =	spop (v2sf);
	s8 =	sand.u32 $0x7F, s4  }
0x67: {  	p6 =	slt.s32 s4, $0x1;
	s10 =	sand.u32 $0x7F, s7;
	p4 =	slt.s32 s7, $0x1  }
0x68: {  	v5, _, _ =	vpop (xrf0);
	p5 =	sne.s32 s8, $0x0;
	p3 =	sne.s32 s10, $0x0;
	s10 =	sshra.s32 s7, $0x1F  }
0x69: {  	(v2sf) =	vpush v5, $0xF;
	v5, _, _ =	vpop (xrf0);
	s8 =	simm.s32 $0x1;
	p1 =	por !p4, !p3;
	s10 =	sshrl.u32 s10, $0x19  }
0x6a: {  	(v2sf) =	vpush v5, $0xF;
	p0 =	por !p6, !p5;
	s7 =	sadd.s32 s10, s7;
	p1 =	por !p1, !p1  }
0x6b: {  	s10 =	sshra.s32 s4, $0x1F;
	s7 =	sshrl.u32 s7, $0x7;
	s8 =	simm.s32 @!p1 $0x0  }
0x6c: {  	p0 =	por !p0, !p0;
	s10 =	sshrl.u32 s10, $0x19;
	s7 =	ssub.s32 s7, s8  }
0x6d: {  	s4 =	sadd.s32 s10, s4;
	s8 =	simm.s32 $0x1;
	s7 =	sshll.u32 s7, $0x7  }
0x6e: {  	s4 =	sshrl.u32 s4, $0x7;
	s8 =	simm.s32 @!p0 $0x0;
	s7 =	sand.u32 $0x1FFFFF80, s7  }
0x6f: {  	s10 =	simm.s32 $0x2E00;
	s4 =	ssub.s32 s4, s8;
	s7 =	sadd.s32 s1, s7  }
0x70: {  	[tilespmem:s10], [sflag:$0x1] =	stream.strided.gather [hbm4b:s7+s13], $0xC00, s14, s13, $0x38;
	[tilespmem:$0x15900] =	vst v63  }
0x71: {  	s4 =	sshll.u32 s4, $0x7;
	s7 =	sadd.s32 $0x2DC780, s7  }
0x72: {  	s10 =	simm.s32 $0x3A00;
	s4 =	sand.u32 $0x1FFFFF80, s4  }
0x73: {  	v5 =	vsel vm5, $0x0, v3;
	[tilespmem:s10], [sflag:$0x1] =	stream.linear.gather [hbm4b:s7+s9], $0x300, $0x38;
	[tilespmem:$0x15900] =	vst v63  }
0x74: {  	(xrf0) =	vadd.scan.msk.s32 $0xffff, v5;
	s4 =	sadd.s32 s2, s4;
	s10 =	simm.s32 $0x10000  }
0x75: {  	v5 =	vsel vm5, $0x0, v4;
	[tilespmem:s10], [sflag:$0x2] =	stream.linear.gather [hbm4b:s4+s9], $0x400, $0x38;
	[tilespmem:$0x15900] =	vst v63  }
0x76: {  	(xrf0) =	vadd.scan.msk.s32 $0xffff, v5;
	s8 =	simm.s32 $0x10400;
	s4 =	sadd.s32 $0x18700, s4  }
0x77: {  	[tilespmem:s8], [sflag:$0x2] =	stream.linear.gather [hbm4b:s4+s9], $0x100, $0x38;
	[tilespmem:$0x15900] =	vst v63  }
0x78: {  	s4 =	spop (v2sf)  }
0x79: {  	s7 =	spop (v2sf);
	s8 =	sand.u32 $0x7F, s4  }
0x7a: {  	p4 =	slt.s32 s4, $0x1;
	s10 =	sand.u32 $0x7F, s7;
	p2 =	slt.s32 s7, $0x1  }
0x7b: {  	v5, _, _ =	vpop (xrf0);
	p3 =	sne.s32 s8, $0x0;
	p1 =	sne.s32 s10, $0x0;
	s10 =	sshra.s32 s7, $0x1F  }
0x7c: {  	(v2sf) =	vpush v5, $0xF;
	v5, _, _ =	vpop (xrf0);
	s8 =	simm.s32 $0x1;
	p1 =	por !p2, !p1;
	s10 =	sshrl.u32 s10, $0x19  }
0x7d: {  	(v2sf) =	vpush v5, $0xF;
	p0 =	por !p4, !p3;
	s7 =	sadd.s32 s10, s7;
	p1 =	por !p1, !p1  }
0x7e: {  	s10 =	sshra.s32 s4, $0x1F;
	s7 =	sshrl.u32 s7, $0x7;
	s8 =	simm.s32 @!p1 $0x0  }
0x7f: {  	p0 =	por !p0, !p0;
	s10 =	sshrl.u32 s10, $0x19;
	s7 =	ssub.s32 s7, s8  }
0x80: {  	s4 =	sadd.s32 s10, s4;
	s8 =	simm.s32 $0x1;
	s7 =	sshll.u32 s7, $0x7  }
0x81: {  	s4 =	sshrl.u32 s4, $0x7;
	s8 =	simm.s32 @!p0 $0x0;
	s7 =	sand.u32 $0x1FFFFF80, s7  }
0x82: {  	s10 =	simm.s32 $0x3D00;
	s4 =	ssub.s32 s4, s8;
	s7 =	sadd.s32 s1, s7  }
0x83: {  	[tilespmem:s10], [sflag:$0x1] =	stream.strided.gather [hbm4b:s7+s13], $0xC00, s14, s13, $0x38;
	[tilespmem:$0x15900] =	vst v63  }
0x84: {  	s4 =	sshll.u32 s4, $0x7;
	s7 =	sadd.s32 $0x2DC780, s7  }
0x85: {  	s10 =	simm.s32 $0x4900;
	s4 =	sand.u32 $0x1FFFFF80, s4  }
0x86: {  	v5 =	vsel vm6, $0x0, v3;
	[tilespmem:s10], [sflag:$0x1] =	stream.linear.gather [hbm4b:s7+s9], $0x300, $0x38;
	[tilespmem:$0x15900] =	vst v63  }
0x87: {  	(xrf0) =	vadd.scan.msk.s32 $0xffff, v5;
	s4 =	sadd.s32 s2, s4;
	s10 =	simm.s32 $0x10500  }
0x88: {  	v5 =	vsel vm6, $0x0, v4;
	[tilespmem:s10], [sflag:$0x2] =	stream.linear.gather [hbm4b:s4+s9], $0x400, $0x38;
	[tilespmem:$0x15900] =	vst v63  }
0x89: {  	(xrf0) =	vadd.scan.msk.s32 $0xffff, v5;
	s8 =	simm.s32 $0x10900;
	s4 =	sadd.s32 $0x18700, s4  }
0x8a: {  	[tilespmem:s8], [sflag:$0x2] =	stream.linear.gather [hbm4b:s4+s9], $0x100, $0x38;
	[tilespmem:$0x15900] =	vst v63  }
0x8b: {  	s4 =	spop (v2sf)  }
0x8c: {  	s7 =	spop (v2sf);
	s8 =	sand.u32 $0x7F, s4  }
0x8d: {  	p3 =	slt.s32 s4, $0x1;
	s10 =	sand.u32 $0x7F, s7;
	p6 =	slt.s32 s7, $0x1  }
0x8e: {  	v5, _, _ =	vpop (xrf0);
	p2 =	sne.s32 s8, $0x0;
	p5 =	sne.s32 s10, $0x0;
	s10 =	sshra.s32 s7, $0x1F  }
0x8f: {  	(v2sf) =	vpush v5, $0xF;
	v5, _, _ =	vpop (xrf0);
	s8 =	simm.s32 $0x1;
	p1 =	por !p6, !p5;
	s10 =	sshrl.u32 s10, $0x19  }
0x90: {  	(v2sf) =	vpush v5, $0xF;
	p0 =	por !p3, !p2;
	s7 =	sadd.s32 s10, s7;
	p1 =	por !p1, !p1  }
0x91: {  	s10 =	sshra.s32 s4, $0x1F;
	s7 =	sshrl.u32 s7, $0x7;
	s8 =	simm.s32 @!p1 $0x0  }
0x92: {  	p0 =	por !p0, !p0;
	s10 =	sshrl.u32 s10, $0x19;
	s7 =	ssub.s32 s7, s8  }
0x93: {  	s4 =	sadd.s32 s10, s4;
	s8 =	simm.s32 $0x1;
	s7 =	sshll.u32 s7, $0x7  }
0x94: {  	s4 =	sshrl.u32 s4, $0x7;
	s8 =	simm.s32 @!p0 $0x0;
	s7 =	sand.u32 $0x1FFFFF80, s7  }
0x95: {  	s10 =	simm.s32 $0x4C00;
	s4 =	ssub.s32 s4, s8;
	s7 =	sadd.s32 s1, s7  }
0x96: {  	[tilespmem:s10], [sflag:$0x1] =	stream.strided.gather [hbm4b:s7+s13], $0xC00, s14, s13, $0x38;
	[tilespmem:$0x15900] =	vst v63  }
0x97: {  	s4 =	sshll.u32 s4, $0x7;
	s7 =	sadd.s32 $0x2DC780, s7  }
0x98: {  	s10 =	simm.s32 $0x5800;
	s4 =	sand.u32 $0x1FFFFF80, s4  }
0x99: {  	v5 =	vsel vm7, $0x0, v3;
	[tilespmem:s10], [sflag:$0x1] =	stream.linear.gather [hbm4b:s7+s9], $0x300, $0x38;
	[tilespmem:$0x15900] =	vst v63  }
0x9a: {  	(xrf0) =	vadd.scan.msk.s32 $0xffff, v5;
	s4 =	sadd.s32 s2, s4;
	s10 =	simm.s32 $0x10A00  }
0x9b: {  	v5 =	vsel vm7, $0x0, v4;
	[tilespmem:s10], [sflag:$0x2] =	stream.linear.gather [hbm4b:s4+s9], $0x400, $0x38;
	[tilespmem:$0x15900] =	vst v63  }
0x9c: {  	(xrf0) =	vadd.scan.msk.s32 $0xffff, v5;
	s8 =	simm.s32 $0x10E00;
	s4 =	sadd.s32 $0x18700, s4  }
0x9d: {  	[tilespmem:s8], [sflag:$0x2] =	stream.linear.gather [hbm4b:s4+s9], $0x100, $0x38;
	[tilespmem:$0x15900] =	vst v63  }
0x9e: {  	s4 =	spop (v2sf)  }
0x9f: {  	s7 =	spop (v2sf);
	s8 =	sand.u32 $0x7F, s4  }
0xa0: {  	p2 =	slt.s32 s4, $0x1;
	s10 =	sand.u32 $0x7F, s7;
	p5 =	slt.s32 s7, $0x1  }
0xa1: {  	v5, _, _ =	vpop (xrf0);
	p6 =	sne.s32 s8, $0x0;
	p4 =	sne.s32 s10, $0x0;
	s10 =	sshra.s32 s7, $0x1F  }
0xa2: {  	(v2sf) =	vpush v5, $0xF;
	v5, _, _ =	vpop (xrf0);
	s8 =	simm.s32 $0x1;
	p1 =	por !p5, !p4;
	s10 =	sshrl.u32 s10, $0x19  }
0xa3: {  	(v2sf) =	vpush v5, $0xF;
	p0 =	por !p2, !p6;
	s7 =	sadd.s32 s10, s7;
	p1 =	por !p1, !p1  }
0xa4: {  	s10 =	sshra.s32 s4, $0x1F;
	s7 =	sshrl.u32 s7, $0x7;
	s8 =	simm.s32 @!p1 $0x0  }
0xa5: {  	p0 =	por !p0, !p0;
	s10 =	sshrl.u32 s10, $0x19;
	s7 =	ssub.s32 s7, s8  }
0xa6: {  	s4 =	sadd.s32 s10, s4;
	s8 =	simm.s32 $0x1;
	s7 =	sshll.u32 s7, $0x7  }
0xa7: {  	s4 =	sshrl.u32 s4, $0x7;
	s8 =	simm.s32 @!p0 $0x0;
	s7 =	sand.u32 $0x1FFFFF80, s7  }
0xa8: {  	s10 =	simm.s32 $0x5B00;
	s4 =	ssub.s32 s4, s8;
	s7 =	sadd.s32 s1, s7  }
0xa9: {  	[tilespmem:s10], [sflag:$0x1] =	stream.strided.gather [hbm4b:s7+s13], $0xC00, s14, s13, $0x38;
	[tilespmem:$0x15900] =	vst v63  }
0xaa: {  	s4 =	sshll.u32 s4, $0x7;
	s7 =	sadd.s32 $0x2DC780, s7  }
0xab: {  	s10 =	simm.s32 $0x6700;
	s4 =	sand.u32 $0x1FFFFF80, s4  }
0xac: {  	v5 =	vsel vm8, $0x0, v3;
	[tilespmem:s10], [sflag:$0x1] =	stream.linear.gather [hbm4b:s7+s9], $0x300, $0x38;
	[tilespmem:$0x15900] =	vst v63  }
0xad: {  	(xrf0) =	vadd.scan.msk.s32 $0xffff, v5;
	s4 =	sadd.s32 s2, s4;
	s10 =	simm.s32 $0x10F00  }
0xae: {  	v5 =	vsel vm8, $0x0, v4;
	[tilespmem:s10], [sflag:$0x2] =	stream.linear.gather [hbm4b:s4+s9], $0x400, $0x38;
	[tilespmem:$0x15900] =	vst v63  }
0xaf: {  	(xrf0) =	vadd.scan.msk.s32 $0xffff, v5;
	s8 =	simm.s32 $0x11300;
	s4 =	sadd.s32 $0x18700, s4  }
0xb0: {  	[tilespmem:s8], [sflag:$0x2] =	stream.linear.gather [hbm4b:s4+s9], $0x100, $0x38;
	[tilespmem:$0x15900] =	vst v63  }
0xb1: {  	s4 =	spop (v2sf)  }
0xb2: {  	s7 =	spop (v2sf);
	s8 =	sand.u32 $0x7F, s4  }
0xb3: {  	p6 =	slt.s32 s4, $0x1;
	s10 =	sand.u32 $0x7F, s7;
	p4 =	slt.s32 s7, $0x1  }
0xb4: {  	v5, _, _ =	vpop (xrf0);
	p5 =	sne.s32 s8, $0x0;
	p3 =	sne.s32 s10, $0x0;
	s10 =	sshra.s32 s7, $0x1F  }
0xb5: {  	(v2sf) =	vpush v5, $0xF;
	v5, _, _ =	vpop (xrf0);
	s8 =	simm.s32 $0x1;
	p1 =	por !p4, !p3;
	s10 =	sshrl.u32 s10, $0x19  }
0xb6: {  	(v2sf) =	vpush v5, $0xF;
	p0 =	por !p6, !p5;
	s7 =	sadd.s32 s10, s7;
	p1 =	por !p1, !p1  }
0xb7: {  	s10 =	sshra.s32 s4, $0x1F;
	s7 =	sshrl.u32 s7, $0x7;
	s8 =	simm.s32 @!p1 $0x0  }
0xb8: {  	p0 =	por !p0, !p0;
	s10 =	sshrl.u32 s10, $0x19;
	s7 =	ssub.s32 s7, s8  }
0xb9: {  	s4 =	sadd.s32 s10, s4;
	s8 =	simm.s32 $0x1;
	s7 =	sshll.u32 s7, $0x7  }
0xba: {  	s4 =	sshrl.u32 s4, $0x7;
	s8 =	simm.s32 @!p0 $0x0;
	s7 =	sand.u32 $0x1FFFFF80, s7  }
0xbb: {  	s10 =	simm.s32 $0x6A00;
	s4 =	ssub.s32 s4, s8;
	s7 =	sadd.s32 s1, s7  }
0xbc: {  	[tilespmem:s10], [sflag:$0x1] =	stream.strided.gather [hbm4b:s7+s13], $0xC00, s14, s13, $0x38;
	[tilespmem:$0x15900] =	vst v63  }
0xbd: {  	s4 =	sshll.u32 s4, $0x7;
	s7 =	sadd.s32 $0x2DC780, s7  }
0xbe: {  	s10 =	simm.s32 $0x7600;
	s4 =	sand.u32 $0x1FFFFF80, s4  }
0xbf: {  	v5 =	vsel vm9, $0x0, v3;
	[tilespmem:s10], [sflag:$0x1] =	stream.linear.gather [hbm4b:s7+s9], $0x300, $0x38;
	[tilespmem:$0x15900] =	vst v63  }
0xc0: {  	(xrf0) =	vadd.scan.msk.s32 $0xffff, v5;
	s4 =	sadd.s32 s2, s4;
	s10 =	simm.s32 $0x11400  }
0xc1: {  	v5 =	vsel vm9, $0x0, v4;
	[tilespmem:s10], [sflag:$0x2] =	stream.linear.gather [hbm4b:s4+s9], $0x400, $0x38;
	[tilespmem:$0x15900] =	vst v63  }
0xc2: {  	(xrf0) =	vadd.scan.msk.s32 $0xffff, v5;
	s8 =	simm.s32 $0x11800;
	s4 =	sadd.s32 $0x18700, s4  }
0xc3: {  	[tilespmem:s8], [sflag:$0x2] =	stream.linear.gather [hbm4b:s4+s9], $0x100, $0x38;
	[tilespmem:$0x15900] =	vst v63  }
0xc4: {  	s4 =	spop (v2sf)  }
0xc5: {  	s7 =	spop (v2sf);
	s8 =	sand.u32 $0x7F, s4  }
0xc6: {  	p4 =	slt.s32 s4, $0x1;
	s10 =	sand.u32 $0x7F, s7;
	p2 =	slt.s32 s7, $0x1  }
0xc7: {  	v5, _, _ =	vpop (xrf0);
	p3 =	sne.s32 s8, $0x0;
	p1 =	sne.s32 s10, $0x0;
	s10 =	sshra.s32 s7, $0x1F  }
0xc8: {  	(v2sf) =	vpush v5, $0xF;
	v5, _, _ =	vpop (xrf0);
	s8 =	simm.s32 $0x1;
	p1 =	por !p2, !p1;
	s10 =	sshrl.u32 s10, $0x19  }
0xc9: {  	(v2sf) =	vpush v5, $0xF;
	p0 =	por !p4, !p3;
	s7 =	sadd.s32 s10, s7;
	p1 =	por !p1, !p1  }
0xca: {  	s10 =	sshra.s32 s4, $0x1F;
	s7 =	sshrl.u32 s7, $0x7;
	s8 =	simm.s32 @!p1 $0x0  }
0xcb: {  	p0 =	por !p0, !p0;
	s10 =	sshrl.u32 s10, $0x19;
	s7 =	ssub.s32 s7, s8  }
0xcc: {  	s4 =	sadd.s32 s10, s4;
	s8 =	simm.s32 $0x1;
	s7 =	sshll.u32 s7, $0x7  }
0xcd: {  	s4 =	sshrl.u32 s4, $0x7;
	s8 =	simm.s32 @!p0 $0x0;
	s7 =	sand.u32 $0x1FFFFF80, s7  }
0xce: {  	s10 =	simm.s32 $0x7900;
	s4 =	ssub.s32 s4, s8;
	s7 =	sadd.s32 s1, s7  }
0xcf: {  	[tilespmem:s10], [sflag:$0x1] =	stream.strided.gather [hbm4b:s7+s13], $0xC00, s14, s13, $0x38;
	[tilespmem:$0x15900] =	vst v63  }
0xd0: {  	s4 =	sshll.u32 s4, $0x7;
	s7 =	sadd.s32 $0x2DC780, s7  }
0xd1: {  	s10 =	simm.s32 $0x8500;
	s4 =	sand.u32 $0x1FFFFF80, s4  }
0xd2: {  	v5 =	vsel vm10, $0x0, v3;
	[tilespmem:s10], [sflag:$0x1] =	stream.linear.gather [hbm4b:s7+s9], $0x300, $0x38;
	[tilespmem:$0x15900] =	vst v63  }
0xd3: {  	(xrf0) =	vadd.scan.msk.s32 $0xffff, v5;
	s4 =	sadd.s32 s2, s4;
	s10 =	simm.s32 $0x11900  }
0xd4: {  	v5 =	vsel vm10, $0x0, v4;
	[tilespmem:s10], [sflag:$0x2] =	stream.linear.gather [hbm4b:s4+s9], $0x400, $0x38;
	[tilespmem:$0x15900] =	vst v63  }
0xd5: {  	(xrf0) =	vadd.scan.msk.s32 $0xffff, v5;
	s8 =	simm.s32 $0x11D00;
	s4 =	sadd.s32 $0x18700, s4  }
0xd6: {  	[tilespmem:s8], [sflag:$0x2] =	stream.linear.gather [hbm4b:s4+s9], $0x100, $0x38;
	[tilespmem:$0x15900] =	vst v63  }
0xd7: {  	s4 =	spop (v2sf)  }
0xd8: {  	s7 =	spop (v2sf);
	s8 =	sand.u32 $0x7F, s4  }
0xd9: {  	p3 =	slt.s32 s4, $0x1;
	s10 =	sand.u32 $0x7F, s7;
	p6 =	slt.s32 s7, $0x1  }
0xda: {  	v5, _, _ =	vpop (xrf0);
	p2 =	sne.s32 s8, $0x0;
	p5 =	sne.s32 s10, $0x0;
	s10 =	sshra.s32 s7, $0x1F  }
0xdb: {  	(v2sf) =	vpush v5, $0xF;
	v5, _, _ =	vpop (xrf0);
	s8 =	simm.s32 $0x1;
	p1 =	por !p6, !p5;
	s10 =	sshrl.u32 s10, $0x19  }
0xdc: {  	(v2sf) =	vpush v5, $0xF;
	p0 =	por !p3, !p2;
	s7 =	sadd.s32 s10, s7;
	p1 =	por !p1, !p1  }
0xdd: {  	s10 =	sshra.s32 s4, $0x1F;
	s7 =	sshrl.u32 s7, $0x7;
	s8 =	simm.s32 @!p1 $0x0  }
0xde: {  	p0 =	por !p0, !p0;
	s10 =	sshrl.u32 s10, $0x19;
	s7 =	ssub.s32 s7, s8  }
0xdf: {  	s4 =	sadd.s32 s10, s4;
	s8 =	simm.s32 $0x1;
	s7 =	sshll.u32 s7, $0x7  }
0xe0: {  	s4 =	sshrl.u32 s4, $0x7;
	s8 =	simm.s32 @!p0 $0x0;
	s7 =	sand.u32 $0x1FFFFF80, s7  }
0xe1: {  	s10 =	simm.s32 $0x8800;
	s4 =	ssub.s32 s4, s8;
	s7 =	sadd.s32 s1, s7  }
0xe2: {  	[tilespmem:s10], [sflag:$0x1] =	stream.strided.gather [hbm4b:s7+s13], $0xC00, s14, s13, $0x38;
	[tilespmem:$0x15900] =	vst v63  }
0xe3: {  	s4 =	sshll.u32 s4, $0x7;
	s7 =	sadd.s32 $0x2DC780, s7  }
0xe4: {  	s10 =	simm.s32 $0x9400;
	s4 =	sand.u32 $0x1FFFFF80, s4  }
0xe5: {  	v5 =	vsel vm11, $0x0, v3;
	[tilespmem:s10], [sflag:$0x1] =	stream.linear.gather [hbm4b:s7+s9], $0x300, $0x38;
	[tilespmem:$0x15900] =	vst v63  }
0xe6: {  	(xrf0) =	vadd.scan.msk.s32 $0xffff, v5;
	s4 =	sadd.s32 s2, s4;
	s10 =	simm.s32 $0x11E00  }
0xe7: {  	v5 =	vsel vm11, $0x0, v4;
	[tilespmem:s10], [sflag:$0x2] =	stream.linear.gather [hbm4b:s4+s9], $0x400, $0x38;
	[tilespmem:$0x15900] =	vst v63  }
0xe8: {  	(xrf0) =	vadd.scan.msk.s32 $0xffff, v5;
	s8 =	simm.s32 $0x12200;
	s4 =	sadd.s32 $0x18700, s4  }
0xe9: {  	[tilespmem:s8], [sflag:$0x2] =	stream.linear.gather [hbm4b:s4+s9], $0x100, $0x38;
	[tilespmem:$0x15900] =	vst v63  }
0xea: {  	s4 =	spop (v2sf)  }
0xeb: {  	s7 =	spop (v2sf);
	s8 =	sand.u32 $0x7F, s4  }
0xec: {  	p2 =	slt.s32 s4, $0x1;
	s10 =	sand.u32 $0x7F, s7;
	p5 =	slt.s32 s7, $0x1  }
0xed: {  	v5, _, _ =	vpop (xrf0);
	p6 =	sne.s32 s8, $0x0;
	p4 =	sne.s32 s10, $0x0;
	s10 =	sshra.s32 s7, $0x1F  }
0xee: {  	(v2sf) =	vpush v5, $0xF;
	v5, _, _ =	vpop (xrf0);
	s8 =	simm.s32 $0x1;
	p1 =	por !p5, !p4;
	s10 =	sshrl.u32 s10, $0x19  }
0xef: {  	(v2sf) =	vpush v5, $0xF;
	p0 =	por !p2, !p6;
	s7 =	sadd.s32 s10, s7;
	p1 =	por !p1, !p1  }
0xf0: {  	s10 =	sshra.s32 s4, $0x1F;
	s7 =	sshrl.u32 s7, $0x7;
	s8 =	simm.s32 @!p1 $0x0  }
0xf1: {  	p0 =	por !p0, !p0;
	s10 =	sshrl.u32 s10, $0x19;
	s7 =	ssub.s32 s7, s8  }
0xf2: {  	s4 =	sadd.s32 s10, s4;
	s8 =	simm.s32 $0x1;
	s7 =	sshll.u32 s7, $0x7  }
0xf3: {  	s4 =	sshrl.u32 s4, $0x7;
	s8 =	simm.s32 @!p0 $0x0;
	s7 =	sand.u32 $0x1FFFFF80, s7  }
0xf4: {  	s10 =	simm.s32 $0x9700;
	s4 =	ssub.s32 s4, s8;
	s7 =	sadd.s32 s1, s7  }
0xf5: {  	[tilespmem:s10], [sflag:$0x1] =	stream.strided.gather [hbm4b:s7+s13], $0xC00, s14, s13, $0x38;
	[tilespmem:$0x15900] =	vst v63  }
0xf6: {  	s4 =	sshll.u32 s4, $0x7;
	s7 =	sadd.s32 $0x2DC780, s7  }
0xf7: {  	s10 =	simm.s32 $0xA300;
	s4 =	sand.u32 $0x1FFFFF80, s4  }
0xf8: {  	v5 =	vsel vm12, $0x0, v3;
	[tilespmem:s10], [sflag:$0x1] =	stream.linear.gather [hbm4b:s7+s9], $0x300, $0x38;
	[tilespmem:$0x15900] =	vst v63  }
0xf9: {  	(xrf0) =	vadd.scan.msk.s32 $0xffff, v5;
	s4 =	sadd.s32 s2, s4;
	s10 =	simm.s32 $0x12300  }
0xfa: {  	v5 =	vsel vm12, $0x0, v4;
	[tilespmem:s10], [sflag:$0x2] =	stream.linear.gather [hbm4b:s4+s9], $0x400, $0x38;
	[tilespmem:$0x15900] =	vst v63  }
0xfb: {  	(xrf0) =	vadd.scan.msk.s32 $0xffff, v5;
	s8 =	simm.s32 $0x12700;
	s4 =	sadd.s32 $0x18700, s4  }
0xfc: {  	[tilespmem:s8], [sflag:$0x2] =	stream.linear.gather [hbm4b:s4+s9], $0x100, $0x38;
	[tilespmem:$0x15900] =	vst v63  }
0xfd: {  	s4 =	spop (v2sf)  }
0xfe: {  	s7 =	spop (v2sf);
	s8 =	sand.u32 $0x7F, s4  }
0xff: {  	p6 =	slt.s32 s4, $0x1;
	s10 =	sand.u32 $0x7F, s7;
	p4 =	slt.s32 s7, $0x1  }
0x100: {  	v5, _, _ =	vpop (xrf0);
	p5 =	sne.s32 s8, $0x0;
	p3 =	sne.s32 s10, $0x0;
	s10 =	sshra.s32 s7, $0x1F  }
0x101: {  	(v2sf) =	vpush v5, $0xF;
	v5, _, _ =	vpop (xrf0);
	s8 =	simm.s32 $0x1;
	p1 =	por !p4, !p3;
	s10 =	sshrl.u32 s10, $0x19  }
0x102: {  	(v2sf) =	vpush v5, $0xF;
	p0 =	por !p6, !p5;
	s7 =	sadd.s32 s10, s7;
	p1 =	por !p1, !p1  }
0x103: {  	s10 =	sshra.s32 s4, $0x1F;
	s7 =	sshrl.u32 s7, $0x7;
	s8 =	simm.s32 @!p1 $0x0  }
0x104: {  	p0 =	por !p0, !p0;
	s10 =	sshrl.u32 s10, $0x19;
	s7 =	ssub.s32 s7, s8  }
0x105: {  	s4 =	sadd.s32 s10, s4;
	s8 =	simm.s32 $0x1;
	s7 =	sshll.u32 s7, $0x7  }
0x106: {  	s4 =	sshrl.u32 s4, $0x7;
	s8 =	simm.s32 @!p0 $0x0;
	s7 =	sand.u32 $0x1FFFFF80, s7  }
0x107: {  	s10 =	simm.s32 $0xA600;
	s4 =	ssub.s32 s4, s8;
	s7 =	sadd.s32 s1, s7  }
0x108: {  	[tilespmem:s10], [sflag:$0x1] =	stream.strided.gather [hbm4b:s7+s13], $0xC00, s14, s13, $0x38;
	[tilespmem:$0x15900] =	vst v63  }
0x109: {  	s4 =	sshll.u32 s4, $0x7;
	s7 =	sadd.s32 $0x2DC780, s7  }
0x10a: {  	s10 =	simm.s32 $0xB200;
	s4 =	sand.u32 $0x1FFFFF80, s4  }
0x10b: {  	v5 =	vsel vm13, $0x0, v3;
	[tilespmem:s10], [sflag:$0x1] =	stream.linear.gather [hbm4b:s7+s9], $0x300, $0x38;
	[tilespmem:$0x15900] =	vst v63  }
0x10c: {  	(xrf0) =	vadd.scan.msk.s32 $0xffff, v5;
	s4 =	sadd.s32 s2, s4;
	s10 =	simm.s32 $0x12800  }
0x10d: {  	v5 =	vsel vm13, $0x0, v4;
	[tilespmem:s10], [sflag:$0x2] =	stream.linear.gather [hbm4b:s4+s9], $0x400, $0x38;
	[tilespmem:$0x15900] =	vst v63  }
0x10e: {  	(xrf0) =	vadd.scan.msk.s32 $0xffff, v5;
	s8 =	simm.s32 $0x12C00;
	s4 =	sadd.s32 $0x18700, s4  }
0x10f: {  	[tilespmem:s8], [sflag:$0x2] =	stream.linear.gather [hbm4b:s4+s9], $0x100, $0x38;
	[tilespmem:$0x15900] =	vst v63  }
0x110: {  	s4 =	spop (v2sf)  }
0x111: {  	s7 =	spop (v2sf);
	s8 =	sand.u32 $0x7F, s4  }
0x112: {  	p4 =	slt.s32 s4, $0x1;
	s10 =	sand.u32 $0x7F, s7;
	p2 =	slt.s32 s7, $0x1  }
0x113: {  	v5, _, _ =	vpop (xrf0);
	p3 =	sne.s32 s8, $0x0;
	p1 =	sne.s32 s10, $0x0;
	s10 =	sshra.s32 s7, $0x1F  }
0x114: {  	(v2sf) =	vpush v5, $0xF;
	v5, _, _ =	vpop (xrf0);
	s8 =	simm.s32 $0x1;
	p1 =	por !p2, !p1;
	s10 =	sshrl.u32 s10, $0x19  }
0x115: {  	(v2sf) =	vpush v5, $0xF;
	p0 =	por !p4, !p3;
	s7 =	sadd.s32 s10, s7;
	p1 =	por !p1, !p1  }
0x116: {  	s10 =	sshra.s32 s4, $0x1F;
	s7 =	sshrl.u32 s7, $0x7;
	s8 =	simm.s32 @!p1 $0x0  }
0x117: {  	p0 =	por !p0, !p0;
	s10 =	sshrl.u32 s10, $0x19;
	s7 =	ssub.s32 s7, s8  }
0x118: {  	s4 =	sadd.s32 s10, s4;
	s8 =	simm.s32 $0x1;
	s7 =	sshll.u32 s7, $0x7  }
0x119: {  	s4 =	sshrl.u32 s4, $0x7;
	s8 =	simm.s32 @!p0 $0x0;
	s7 =	sand.u32 $0x1FFFFF80, s7  }
0x11a: {  	s10 =	simm.s32 $0xB500;
	s4 =	ssub.s32 s4, s8;
	s7 =	sadd.s32 s1, s7  }
0x11b: {  	[tilespmem:s10], [sflag:$0x1] =	stream.strided.gather [hbm4b:s7+s13], $0xC00, s14, s13, $0x38;
	[tilespmem:$0x15900] =	vst v63  }
0x11c: {  	s4 =	sshll.u32 s4, $0x7;
	s7 =	sadd.s32 $0x2DC780, s7  }
0x11d: {  	s10 =	simm.s32 $0xC100;
	s4 =	sand.u32 $0x1FFFFF80, s4  }
0x11e: {  	v5 =	vsel vm14, $0x0, v3;
	[tilespmem:s10], [sflag:$0x1] =	stream.linear.gather [hbm4b:s7+s9], $0x300, $0x38;
	[tilespmem:$0x15900] =	vst v63  }
0x11f: {  	(xrf0) =	vadd.scan.msk.s32 $0xffff, v5;
	s4 =	sadd.s32 s2, s4  }
0x120: {  	v5 =	vsel vm14, $0x0, v4;
	[tilespmem:s16], [sflag:$0x2] =	stream.linear.gather [hbm4b:s4+s9], $0x400, $0x38;
	[tilespmem:$0x15900] =	vst v63  }
0x121: {  	(xrf0) =	vadd.scan.msk.s32 $0xffff, v5;
	s4 =	sadd.s32 $0x18700, s4  }
0x122: {  	[tilespmem:s18], [sflag:$0x2] =	stream.linear.gather [hbm4b:s4+s9], $0x100, $0x38;
	[tilespmem:$0x15900] =	vst v63  }
0x123: {  	s4 =	spop (v2sf)  }
0x124: {  	s7 =	spop (v2sf)  }
0x125: {  	s8 =	sand.u32 $0x7F, s4;
	p3 =	slt.s32 s4, $0x1;
	s10 =	sand.u32 $0x7F, s7  }
0x126: {  	v5, _, _ =	vpop (xrf0);
	p6 =	slt.s32 s7, $0x1;
	p2 =	sne.s32 s8, $0x0;
	s8 =	simm.s32 $0x1  }
0x127: {  	(v2sf) =	vpush v5, $0xF;
	v5, _, _ =	vpop (xrf0);
	p5 =	sne.s32 s10, $0x0;
	s10 =	sshra.s32 s7, $0x1F;
	p0 =	por !p3, !p2  }
0x128: {  	(v2sf) =	vpush v5, $0xF;
	p1 =	por !p6, !p5;
	s10 =	sshrl.u32 s10, $0x19;
	p0 =	por !p0, !p0  }
0x129: {  	s7 =	sadd.s32 s10, s7;
	p1 =	por !p1, !p1;
	s10 =	sshra.s32 s4, $0x1F  }
0x12a: {  	s7 =	sshrl.u32 s7, $0x7;
	s8 =	simm.s32 @!p1 $0x0;
	s10 =	sshrl.u32 s10, $0x19  }
0x12b: {  	s7 =	ssub.s32 s7, s8;
	s4 =	sadd.s32 s10, s4;
	s8 =	simm.s32 $0x1  }
0x12c: {  	s7 =	sshll.u32 s7, $0x7;
	s4 =	sshrl.u32 s4, $0x7;
	s8 =	simm.s32 @!p0 $0x0  }
0x12d: {  	s7 =	sand.u32 $0x1FFFFF80, s7;
	s4 =	ssub.s32 s4, s8  }
0x12e: {  	s7 =	sadd.s32 s1, s7;
	s4 =	sshll.u32 s4, $0x7  }
0x12f: {  	v5 =	vsel vm15, $0x0, v3;
	[tilespmem:s19], [sflag:$0x1] =	stream.strided.gather [hbm4b:s7+s13], $0xC00, s14, s13, $0x38;
	[tilespmem:$0x15900] =	vst v63  }
0x130: {  	(xrf0) =	vadd.scan.msk.s32 $0xffff, v5;
	s7 =	sadd.s32 $0x2DC780, s7;
	s4 =	sand.u32 $0x1FFFFF80, s4  }
0x131: {  	v5 =	vsel vm15, $0x0, v4;
	[tilespmem:s20], [sflag:$0x1] =	stream.linear.gather [hbm4b:s7+s9], $0x300, $0x38;
	[tilespmem:$0x15900] =	vst v63  }
0x132: {  	(xrf0) =	vadd.scan.msk.s32 $0xffff, v5;
	s4 =	sadd.s32 s2, s4  }
0x133: {  	[tilespmem:s21], [sflag:$0x2] =	stream.linear.gather [hbm4b:s4+s9], $0x400, $0x38;
	[tilespmem:$0x15900] =	vst v63  }
0x134: {  	s4 =	sadd.s32 $0x18700, s4  }
0x135: {  	[tilespmem:s22], [sflag:$0x2] =	stream.linear.gather [hbm4b:s4+s9], $0x100, $0x38;
	[tilespmem:$0x15900] =	vst v63  }
0x136: {  	s4 =	spop (v2sf)  }
0x137: {  	v5, _, _ =	vpop (xrf0);
	s7 =	spop (v2sf)  }
0x138: {  	(v2sf) =	vpush v5, $0xF;
	s8 =	sand.u32 $0x7F, s4;
	p2 =	slt.s32 s4, $0x1;
	s10 =	sand.u32 $0x7F, s7  }
0x139: {  	v5, _, _ =	vpop (xrf0);
	p5 =	slt.s32 s7, $0x1;
	p4 =	sne.s32 s10, $0x0;
	s10 =	sshra.s32 s7, $0x1F  }
0x13a: {  	(v2sf) =	vpush v5, $0xF;
	p6 =	sne.s32 s8, $0x0;
	p0 =	por !p5, !p4;
	s10 =	sshrl.u32 s10, $0x19  }
0x13b: {  	s8 =	simm.s32 $0x1;
	s7 =	sadd.s32 s10, s7;
	p0 =	por !p0, !p0  }
0x13c: {  	s10 =	sshra.s32 s4, $0x1F;
	s7 =	sshrl.u32 s7, $0x7;
	s8 =	simm.s32 @!p0 $0x0  }
0x13d: {  	s10 =	sshrl.u32 s10, $0x19;
	p0 =	por !p2, !p6;
	s7 =	ssub.s32 s7, s8  }
0x13e: {  	s4 =	sadd.s32 s10, s4;
	p0 =	por !p0, !p0;
	s8 =	simm.s32 $0x1  }
0x13f: {  	s7 =	sshll.u32 s7, $0x7;
	s4 =	sshrl.u32 s4, $0x7;
	s8 =	simm.s32 @!p0 $0x0  }
0x140: {  	s7 =	sand.u32 $0x1FFFFF80, s7;
	s4 =	ssub.s32 s4, s8  }
0x141: {  	s7 =	sadd.s32 s1, s7;
	s4 =	sshll.u32 s4, $0x7  }
0x142: {  	[tilespmem:s23], [sflag:$0x1] =	stream.strided.gather [hbm4b:s7+s13], $0xC00, s14, s13, $0x38;
	[tilespmem:$0x15900] =	vst v63  }
0x143: {  	s7 =	sadd.s32 $0x2DC780, s7;
	s4 =	sand.u32 $0x1FFFFF80, s4  }
0x144: {  	[tilespmem:s24], [sflag:$0x1] =	stream.linear.gather [hbm4b:s7+s9], $0x300, $0x38;
	[tilespmem:$0x15900] =	vst v63  }
0x145: {  	s4 =	sadd.s32 s2, s4  }
0x146: {  	[tilespmem:s25], [sflag:$0x2] =	stream.linear.gather [hbm4b:s4+s9], $0x400, $0x38;
	[tilespmem:$0x15900] =	vst v63  }
0x147: {  	s7 =	spop (v2sf);
	s4 =	sadd.s32 $0x18700, s4  }
0x148: {  	[tilespmem:s26], [sflag:$0x2] =	stream.linear.gather [hbm4b:s4+s9], $0x100, $0x38;
	[tilespmem:$0x15900] =	vst v63  }
0x149: {  	s8 =	sand.u32 $0x7F, s7;
	s4 =	spop (v2sf)  }
0x14a: {  	p6 =	slt.s32 s7, $0x1;
	p5 =	sne.s32 s8, $0x0;
	s10 =	sand.u32 $0x7F, s4  }
0x14b: {  	p4 =	slt.s32 s4, $0x1;
	p3 =	sne.s32 s10, $0x0;
	s10 =	sshra.s32 s4, $0x1F  }
0x14c: {  	s8 =	simm.s32 $0x1;
	p0 =	por !p4, !p3;
	s10 =	sshrl.u32 s10, $0x19  }
0x14d: {  	s4 =	sadd.s32 s10, s4;
	p0 =	por !p0, !p0;
	s10 =	sshra.s32 s7, $0x1F  }
0x14e: {  	s4 =	sshrl.u32 s4, $0x7;
	s8 =	simm.s32 @!p0 $0x0;
	s10 =	sshrl.u32 s10, $0x19  }
0x14f: {  	p0 =	por !p6, !p5;
	s4 =	ssub.s32 s4, s8;
	s7 =	sadd.s32 s10, s7  }
0x150: {  	p0 =	por !p0, !p0;
	s8 =	simm.s32 $0x1;
	s4 =	sshll.u32 s4, $0x7  }
0x151: {  	s7 =	sshrl.u32 s7, $0x7;
	s8 =	simm.s32 @!p0 $0x0;
	s4 =	sand.u32 $0x1FFFFF80, s4  }
0x152: {  	s7 =	ssub.s32 s7, s8;
	s4 =	sadd.s32 s1, s4  }
0x153: {  	[tilespmem:s28], [sflag:$0x1] =	stream.strided.gather [hbm4b:s4+s13], $0xC00, s14, s13, $0x38;
	[tilespmem:$0x15900] =	vst v63  }
0x154: {  	s8 =	sshll.u32 s7, $0x7;
	s4 =	sadd.s32 $0x2DC780, s4  }
0x155: {  	[tilespmem:s29], [sflag:$0x1] =	stream.linear.gather [hbm4b:s4+s9], $0x300, $0x38;
	[tilespmem:$0x15900] =	vst v63  }
0x156: {  	s4 =	sand.u32 $0x1FFFFF80, s8  }
0x157: {  	s4 =	sadd.s32 s2, s4  }
0x158: {  	[tilespmem:s30], [sflag:$0x2] =	stream.linear.gather [hbm4b:s4+s9], $0x400, $0x38;
	[tilespmem:$0x15900] =	vst v63  }
0x159: {  	s4 =	sadd.s32 $0x18700, s4  }
0x15a: {  	[tilespmem:s31], [sflag:$0x2] =	stream.linear.gather [hbm4b:s4+s9], $0x100, $0x38;
	[tilespmem:$0x15900] =	vst v63  }
0x15b: {  	_ =	swait.ge [sflag:s12], $0xF00  }
0x15c: {  	[sflag:s12] =	ssyncset.done $0x0  }
0x15d: {  	[sflag:s12] =	ssyncadd.s32 $0xFFFFF100  }
0x15e: {  	_ =	swait.ge [sflag:s0], $0x500  }
0x15f: {  	[sflag:s0] =	ssyncset.done $0x0  }
0x160: {  	[sflag:s0] =	ssyncadd.s32 $0xFFFFFB00  }
0x161: {  	_ =	swait.ge [sflag:s12], $0xF00  }
0x162: {  	[sflag:s12] =	ssyncset.done $0x0  }
0x163: {  	[sflag:s12] =	ssyncadd.s32 $0xFFFFF100  }
0x164: {  	_ =	swait.ge [sflag:s0], $0x500  }
0x165: {  	[sflag:s0] =	ssyncset.done $0x0  }
0x166: {  	[sflag:s0] =	ssyncadd.s32 $0xFFFFFB00  }
0x167: {  	_ =	swait.ge [sflag:s12], $0xF00  }
0x168: {  	[sflag:s12] =	ssyncset.done $0x0  }
0x169: {  	[sflag:s12] =	ssyncadd.s32 $0xFFFFF100  }
0x16a: {  	_ =	swait.ge [sflag:s0], $0x500  }
0x16b: {  	[sflag:s0] =	ssyncset.done $0x0  }
0x16c: {  	[sflag:s0] =	ssyncadd.s32 $0xFFFFFB00  }
0x16d: {  	_ =	swait.ge [sflag:s12], $0xF00  }
0x16e: {  	[sflag:s12] =	ssyncset.done $0x0  }
0x16f: {  	[sflag:s12] =	ssyncadd.s32 $0xFFFFF100  }
0x170: {  	_ =	swait.ge [sflag:s0], $0x500  }
0x171: {  	[sflag:s0] =	ssyncset.done $0x0  }
0x172: {  	[sflag:s0] =	ssyncadd.s32 $0xFFFFFB00  }
0x173: {  	_ =	swait.ge [sflag:s12], $0xF00  }
0x174: {  	[sflag:s12] =	ssyncset.done $0x0  }
0x175: {  	[sflag:s12] =	ssyncadd.s32 $0xFFFFF100  }
0x176: {  	_ =	swait.ge [sflag:s0], $0x500  }
0x177: {  	[sflag:s0] =	ssyncset.done $0x0  }
0x178: {  	[sflag:s0] =	ssyncadd.s32 $0xFFFFFB00  }
0x179: {  	_ =	swait.ge [sflag:s12], $0xF00  }
0x17a: {  	[sflag:s12] =	ssyncset.done $0x0  }
0x17b: {  	[sflag:s12] =	ssyncadd.s32 $0xFFFFF100  }
0x17c: {  	_ =	swait.ge [sflag:s0], $0x500  }
0x17d: {  	[sflag:s0] =	ssyncset.done $0x0  }
0x17e: {  	[sflag:s0] =	ssyncadd.s32 $0xFFFFFB00  }
0x17f: {  	_ =	swait.ge [sflag:s12], $0xF00  }
0x180: {  	[sflag:s12] =	ssyncset.done $0x0  }
0x181: {  	[sflag:s12] =	ssyncadd.s32 $0xFFFFF100  }
0x182: {  	_ =	swait.ge [sflag:s0], $0x500  }
0x183: {  	[sflag:s0] =	ssyncset.done $0x0  }
0x184: {  	[sflag:s0] =	ssyncadd.s32 $0xFFFFFB00  }
0x185: {  	_ =	swait.ge [sflag:s12], $0xF00  }
0x186: {  	[sflag:s12] =	ssyncset.done $0x0  }
0x187: {  	[sflag:s12] =	ssyncadd.s32 $0xFFFFF100  }
0x188: {  	_ =	swait.ge [sflag:s0], $0x500  }
0x189: {  	[sflag:s0] =	ssyncset.done $0x0  }
0x18a: {  	[sflag:s0] =	ssyncadd.s32 $0xFFFFFB00  }
0x18b: {  	_ =	swait.ge [sflag:s12], $0xF00  }
0x18c: {  	[sflag:s12] =	ssyncset.done $0x0  }
0x18d: {  	[sflag:s12] =	ssyncadd.s32 $0xFFFFF100  }
0x18e: {  	_ =	swait.ge [sflag:s0], $0x500  }
0x18f: {  	[sflag:s0] =	ssyncset.done $0x0  }
0x190: {  	[sflag:s0] =	ssyncadd.s32 $0xFFFFFB00  }
0x191: {  	_ =	swait.ge [sflag:s12], $0xF00  }
0x192: {  	[sflag:s12] =	ssyncset.done $0x0  }
0x193: {  	[sflag:s12] =	ssyncadd.s32 $0xFFFFF100  }
0x194: {  	_ =	swait.ge [sflag:s0], $0x500  }
0x195: {  	[sflag:s0] =	ssyncset.done $0x0  }
0x196: {  	[sflag:s0] =	ssyncadd.s32 $0xFFFFFB00  }
0x197: {  	_ =	swait.ge [sflag:s12], $0xF00  }
0x198: {  	[sflag:s12] =	ssyncset.done $0x0  }
0x199: {  	[sflag:s12] =	ssyncadd.s32 $0xFFFFF100  }
0x19a: {  	_ =	swait.ge [sflag:s0], $0x500  }
0x19b: {  	[sflag:s0] =	ssyncset.done $0x0  }
0x19c: {  	[sflag:s0] =	ssyncadd.s32 $0xFFFFFB00  }
0x19d: {  	_ =	swait.ge [sflag:s12], $0xF00  }
0x19e: {  	[sflag:s12] =	ssyncset.done $0x0  }
0x19f: {  	[sflag:s12] =	ssyncadd.s32 $0xFFFFF100  }
0x1a0: {  	_ =	swait.ge [sflag:s0], $0x500  }
0x1a1: {  	[sflag:s0] =	ssyncset.done $0x0  }
0x1a2: {  	[sflag:s0] =	ssyncadd.s32 $0xFFFFFB00  }
0x1a3: {  	_ =	swait.ge [sflag:s12], $0xF00  }
0x1a4: {  	[sflag:s12] =	ssyncset.done $0x0  }
0x1a5: {  	[sflag:s12] =	ssyncadd.s32 $0xFFFFF100  }
0x1a6: {  	_ =	swait.ge [sflag:s0], $0x500  }
0x1a7: {  	[sflag:s0] =	ssyncset.done $0x0  }
0x1a8: {  	[sflag:s0] =	ssyncadd.s32 $0xFFFFFB00  }
0x1a9: {  	_ =	swait.ge [sflag:s12], $0xF00  }
0x1aa: {  	[sflag:s12] =	ssyncset.done $0x0  }
0x1ab: {  	[sflag:s12] =	ssyncadd.s32 $0xFFFFF100  }
0x1ac: {  	_ =	swait.ge [sflag:s0], $0x500  }
0x1ad: {  	[sflag:s0] =	ssyncset.done $0x0  }
0x1ae: {  	[sflag:s0] =	ssyncadd.s32 $0xFFFFFB00  }
0x1af: {  	v5 =	vshra.s32 v4, $0x1F;
	_ =	swait.ge [sflag:s12], $0xF00  }
0x1b0: {  	v5 =	vshrl.u32 v5, $0x19;
	[sflag:s12] =	ssyncset.done $0x0  }
0x1b1: {  	v5 =	vadd.s32 v5, v4;
	[sflag:s12] =	ssyncadd.s32 $0xFFFFF100  }
0x1b2: {  	v6 =	vand.u32 $0xFFFFFF80, v5;
	_ =	swait.ge [sflag:s0], $0x500  }
0x1b3: {  	v4 =	vsub.s32 v4, v6;
	v6 =	vmov s9;
	[sflag:s0] =	ssyncset.done $0x0  }
0x1b4: {  	v6 =	vshll.u32 v6, $0x7;
	[sflag:s0] =	ssyncadd.s32 $0xFFFFFB00  }
0x1b5: {  	v7 =	vadd.s32 v1, v6;
	_ =	swait.ge [sflag:s12], $0xF00  }
0x1b6: {  	v7 =	vadd.s32 v4, v7;
	[sflag:s12] =	ssyncset.done $0x0  }
0x1b7: {  	[sflag:s12] =	ssyncadd.s32 $0xFFFFF100  }
0x1b8: {  	_ =	swait.ge [sflag:s0], $0x500  }
0x1b9: {  	s10 =	simm.s32 $0x1;
	[sflag:s0] =	ssyncset.done $0x0  }
0x1ba: {  	v5 =	vor.u32 s6, v0;
	s6 =	simm.s32 $0x2;
	v8 =	vmov s10;
	[sflag:s0] =	ssyncadd.s32 $0xFFFFFB00  }
.LBB2_3:
0x1bb: {  	p0 =	seq.s32 s6, $0x1D;
	v8 =	vshll.u32 v8, $0x7;
	v9 =	vld.idx.msk [tilespmem:v7+s15+$0x0], $0xffff  }
0x1bc: {  	v10 =	vadd.s32 v5, v6;
	v7 =	vadd.s32 v1, v8;
	v6 =	vmov v8  }
.Ltmp0:
0x1bd: {  	v7 =	vadd.s32 v4, v7;
	(pc) =	sbr.rel @!p0 .LBB2_3-.Ltmp0, $2  }
0x1be: {  	_ =	sdelay $0x2  }
0x1bf: {  	v8 =	vmov s6;
	s6 =	sadd.s32 $0x1, s6;
	[tilespmem:v10+s3+$0x0] =	vst.idx.msk $0xffff, v9  }
0x1c0: {  	_ =	sdelay $0x2  }
0x1c1: {  	v8 =	vshll.u32 v8, $0x7  }
0x1c2: {  	v7 =	vld.idx.msk [tilespmem:v7+s15+$0x0], $0xffff;
	v6 =	vadd.s32 v5, v6;
	v9 =	vadd.s32 v1, v8  }
0x1c3: {  	v4 =	vadd.s32 v4, v9;
	_ =	sdelay $0x3  }
0x1c4: {  	[tilespmem:v6+s3+$0x0] =	vst.idx.msk $0xffff, v7  }
0x1c5: {  	v6 =	vadd.s32 v5, v8;
	v4 =	vld.idx.msk [tilespmem:v4+s15+$0x0], $0xffff;
	_ =	sdelay $0x4  }
0x1c6: {  	[tilespmem:v6+s3+$0x0] =	vst.idx.msk $0xffff, v4;
	v4 =	vshra.s32 v3, $0x1F  }
0x1c7: {  	v4 =	vshrl.u32 v4, $0x19  }
0x1c8: {  	v4 =	vadd.s32 v4, v3  }
0x1c9: {  	s6 =	simm.s32 $0x0;
	v4 =	vand.u32 $0xFFFFFF80, v4  }
0x1ca: {  	v3 =	vsub.s32 v3, v4;
	v4 =	vmov s6  }
0x1cb: {  	v4 =	vshll.u32 v4, $0x7  }
0x1cc: {  	v6 =	vadd.s32 v2, v4  }
0x1cd: {  	v6 =	vadd.s32 v3, v6;
	_ =	sdelay $0x2  }
0x1ce: {  	s4 =	simm.s32 $0x1  }
0x1cf: {  	v7 =	vmov s4;
	s6 =	simm.s32 $0x2  }
.LBB2_5:
0x1d0: {  	p0 =	sne.s32 s6, $0x9;
	v7 =	vshll.u32 v7, $0x7;
	v8 =	vld.idx.msk [tilespmem:v6+s17+$0x0], $0xffff  }
0x1d1: {  	v9 =	vadd.s32 v5, v4;
	v6 =	vadd.s32 v2, v7;
	v4 =	vmov v7  }
.Ltmp1:
0x1d2: {  	v6 =	vadd.s32 v3, v6;
	(pc) =	sbr.rel @p0 .LBB2_5-.Ltmp1, $2  }
0x1d3: {  	_ =	sdelay $0x2  }
0x1d4: {  	v7 =	vmov s6;
	s6 =	sadd.s32 $0x1, s6;
	[tilespmem:v9+s11+$0x0] =	vst.idx.msk $0xffff, v8  }
0x1d5: {  	_ =	sdelay $0x2  }
0x1d6: {  	v7 =	vshll.u32 v7, $0x7  }
0x1d7: {  	v6 =	vld.idx.msk [tilespmem:v6+s17+$0x0], $0xffff;
	v4 =	vadd.s32 v5, v4;
	v8 =	vadd.s32 v2, v7  }
0x1d8: {  	v3 =	vadd.s32 v3, v8;
	_ =	sdelay $0x3  }
0x1d9: {  	s5 =	sadd.s32 $0x1, s5;
	[tilespmem:v4+s11+$0x0] =	vst.idx.msk $0xffff, v6  }
0x1da: {  	v63 =	vadd.s32 v5, v7;
	p0 =	sne.s32 s5, $0x8;
	v3 =	vld.idx.msk [tilespmem:v3+s17+$0x0], $0xffff  }
.Ltmp2:
0x1db: {  	_ = 	snop;
	(pc) =	sbr.rel @p0 .LBB2_2-.Ltmp2, $2  }
0x1dc: {  	_ =	sdelay $0x2  }
0x1dd: {  	[tilespmem:v63+s11+$0x0] =	vst.idx.msk $0xffff, v3  }
0x1de: {  	s4 =	rddreg [dreg:$0x8];
	s5 =	simm.s32 $0x8000  }
0x1df: {  	[hbm4b:s4+s13] =	stream.strided.scatter [tilespmem:s3], [sflag:$0x3], $0xC00, s5, s13, $0x38;
	[tilespmem:$0x15900] =	vst v63  }
0x1e0: {  	s6 =	simm.s32 $0x14D00;
	s4 =	sadd.s32 $0x3000, s4;
	s5 =	simm.s32 $0x0  }
0x1e1: {  	[hbm4b:s4+s5] =	stream.linear.scatter [tilespmem:s6], [sflag:$0x3], $0x300, $0x38;
	[tilespmem:$0x15900] =	vst v63  }
0x1e2: {  	s7 =	rddreg [dreg:$0x9]  }
0x1e3: {  	[hbm4b:s7+s5] =	stream.linear.scatter [tilespmem:s11], [sflag:$0x3], $0x400, $0x38;
	[tilespmem:$0x15900] =	vst v63  }
0x1e4: {  	s8 =	simm.s32 $0x15500;
	s9 =	simm.s32 $0x3;
	s4 =	sadd.s32 $0x1000, s7  }
0x1e5: {  	[hbm4b:s4+s5] =	stream.linear.scatter [tilespmem:s8], [sflag:$0x3], $0x100, $0x38;
	[tilespmem:$0x15900] =	vst v63  }
0x1e6: {  	_ =	swait.ge [sflag:s9], $0xF00  }
0x1e7: {  	[sflag:s9] =	ssyncset.done $0x0  }
0x1e8: {  	[sflag:s9] =	ssyncadd.s32 $0xFFFFF100  }
0x1e9: {  	_ =	swait.ge [sflag:s9], $0x500  }
0x1ea: {  	s7 =	rddreg [dreg:$0xb]  }
0x1eb: {  	s10 =	rddreg [dreg:$0xa];
	s7 =	sadd.s32 $0x1, s7  }
0x1ec: {  	p0 =	sne.s32 s7, s10  }
.Ltmp3:
0x1ed: {  	_ = 	snop;
	(pc) =	sbr.rel @p0 .LBB2_1-.Ltmp3, $3  }
0x1ee: {  	_ =	sdelay $0x1  }
0x1ef: {  	[sflag:s9] =	ssyncset.done $0x0  }
0x1f0: {  	[sflag:s9] =	ssyncadd.s32 $0xFFFFFB00  }
0x1f1: {  	_ =	sfence.sel $0x180000  }
0x1f2: {  	[bflag:$0x0] =	sbarrier.arrive $0xFFFF  }
0x1f3: {  	_ =	strace $0x90000047  }
0x1f4: {  	s0 =	stileid.u32;
	[bflag:$0x2] =	sbarrier.arrive $0xFFFF  }
0x1f5: {  	p0 =	sne.s32 s0, $0x0;
	s0 =	rddreg [dreg:$0x5]  }
0x1f6: {  	s0 =	sadd.s32 @!p0 $0x100000, s0  }
0x1f7: {  	[sflag:s0] =	ssyncadd.tile.s32 @!p0 $0x1;
	_ =	shalt  }
.Lfunc_end2:
_tile_overlayer_lowered:
.L_overlay_start_2:
0x1f8: {  	(tag) =	ssettag $0x2  }
0x1f9: {  	s0 =	rddreg [dreg:$0x0];
	s2 =	stileid.u32  }
0x1fa: {  	s1 =	rddreg [dreg:$0x1];
	p0 =	sne.s32 s2, $0x0  }
0x1fb: {  	s3 =	rddreg [dreg:$0x2];
	[bflag:$0x3] =	sbarrier.arrive $0xFFFF;
	s2 =	simm.s32 @!p0 $0x1C04  }
0x1fc: {  	[timem:s3], [sflag:s2] =	dma.local @!p0 [hbm:s0], s1  }
0x1fd: {  	s0 =	simm.s32 @!p0 $0x4  }
0x1fe: {  	_ =	swait.ge @!p0 [sflag:s0], s1  }
0x1ff: {  	s1 =	ssub.s32 @!p0 $0x0, s1;
	[sflag:s0] =	ssyncset.done @!p0 $0x0  }
0x200: {  	[sflag:s0] =	ssyncadd.s32 @!p0 s1  }
0x201: {  	[bflag:$0x3] =	sbarrier.arrive $0xFFFF  }
0x202: {  	_ =	shalt  }

</sc_bundles>
